<compile_context>
chip_gen: v7x
topology: tpu7x:2x2x1
jax: 0.10.2.dev20260603
libtpu: 0.0.44.dev20260713+nightly
codegen_flags: <defaults>
</compile_context>

<pallas_src>
import functools

import jax
import jax.numpy as jnp
from jax import lax
from jax.experimental import pallas as pl
from jax.experimental.pallas import tpu as pltpu
from jax.experimental.pallas import tpu_sc as plsc

C = 32
GS = (16, 16, 16, 16, 16)
P = 16 ** 5
N = 65536
CHUNK = 128


def _make_sc_kernel(n_rays, rpw):
    mesh = plsc.VectorSubcoreMesh(core_axis_name="c", subcore_axis_name="s")
    n_chunks = rpw // CHUNK

    @functools.partial(
        pl.kernel,
        mesh=mesh,
        out_type=jax.ShapeDtypeStruct((n_rays, C), jnp.float32),
        compiler_params=pltpu.CompilerParams(use_tc_tiling_on_sc=False),
        scratch_types=[
            [pltpu.VMEM((rpw,), jnp.float32) for _ in range(5)],
            [pltpu.VMEM((CHUNK,), jnp.int32) for _ in range(4)],
            [pltpu.VMEM((CHUNK,), jnp.float32) for _ in range(4)],
            pltpu.VMEM((CHUNK, C), jnp.float32),
            pltpu.VMEM((CHUNK, C), jnp.float32),
            pltpu.VMEM((CHUNK, C), jnp.float32),
            pltpu.VMEM((CHUNK, C), jnp.float32),
            pltpu.VMEM((CHUNK, C), jnp.float32),
            pltpu.SemaphoreType.DMA,
        ],
    )
    def sc_kernel(table_h, ray_h, out_h, ray_v, idx_v, w_vs,
                  rows0, rows1, rows2, rows3, out_v, sem):
        idx0, idx1, idx2, idx3 = idx_v
        wid = lax.axis_index("s") * 2 + lax.axis_index("c")
        base = wid * rpw
        for d in range(5):
            pltpu.sync_copy(ray_h.at[pl.ds(d * n_rays + base, rpw)], ray_v[d])

        def chunk_body(c, _):
            cb = c * CHUNK
            for u in range(CHUNK // 16):
                src = pl.ds(cb + u * 16, 16)
                r = [ray_v[d][src] for d in range(5)]
                gi = [((rr + 1.0) * 0.5) * 15.0 for rr in r]
                b = [g.astype(jnp.int32) for g in gi]
                w = [g - bb.astype(jnp.float32) for g, bb in zip(gi, b)]
                om = [1.0 - ww for ww in w]
                lin = (b[0] * 65536 + b[1] * 4096 + b[2] * 256
                       + b[3] * 16 + b[4])
                sl = pl.ds(u * 16, 16)
                idx0[sl] = lin
                idx1[sl] = jnp.minimum(lin + 65536, P - 1)
                idx2[sl] = jnp.minimum(lin + 4096, P - 1)
                idx3[sl] = jnp.minimum(lin + 69632, P - 1)
                q = om[2] * om[3] * om[4]
                w_vs[0][sl] = om[0] * om[1] * q
                w_vs[1][sl] = w[0] * om[1] * q
                w_vs[2][sl] = om[0] * w[1] * q
                w_vs[3][sl] = w[0] * w[1] * q
            cps = [
                pltpu.async_copy(table_h.at[idx0], rows0, sem),
                pltpu.async_copy(table_h.at[idx1], rows1, sem),
                pltpu.async_copy(table_h.at[idx2], rows2, sem),
                pltpu.async_copy(table_h.at[idx3], rows3, sem),
            ]
            for cp in cps:
                cp.wait()

            def comb(g, _):
                gsl = pl.ds(g * 16, 16)
                wv = [w_vs[k][gsl] for k in range(4)]
                for uu in range(16):
                    j = g * 16 + uu
                    lo, hi = pl.ds(0, 16), pl.ds(16, 16)
                    acc_l = (rows0[j, lo] * wv[0][uu] + rows1[j, lo] * wv[1][uu]
                             + rows2[j, lo] * wv[2][uu] + rows3[j, lo] * wv[3][uu])
                    acc_h = (rows0[j, hi] * wv[0][uu] + rows1[j, hi] * wv[1][uu]
                             + rows2[j, hi] * wv[2][uu] + rows3[j, hi] * wv[3][uu])
                    out_v[j, lo] = acc_l
                    out_v[j, hi] = acc_h
                return 0

            lax.fori_loop(0, CHUNK // 16, comb, 0)
            pltpu.sync_copy(out_v, out_h.at[pl.ds(base + cb, CHUNK)])
            return 0

        lax.fori_loop(0, n_chunks, chunk_body, 0)

    return sc_kernel


def kernel(ray, grid):
    n = ray.shape[0]
    table = jnp.transpose(grid.reshape(C, P))
    ray_t = jnp.transpose(ray).reshape(-1)
    sc = _make_sc_kernel(n, n // 32)
    return sc(table, ray_t)

# --- scband reference (transcript-rebuilt; emitter-appended) ---
"""Pipeline reference for scband-lf5-dgrid-70471823393088 (READ-ONLY COPY).

The authoritative reference and input builder live on the scoring server;
editing this copy changes nothing except your own understanding.
"""

import jax, jax.numpy as jnp
import numpy as np

C = 32
GS = (16, 16, 16, 16, 16)
N = 65536
RAY_MIN = -1.0
RAY_MAX = 1.0


def setup_inputs(seed: int = 0) -> dict:
    key = jax.random.key(seed)
    k1, k2 = jax.random.split(key)
    ray = jax.random.uniform(k1, (N, 5), dtype=jnp.float32)
    grid = jax.random.normal(k2, (1, C) + GS, dtype=jnp.float32) * 0.1
    return {"ray": ray, "grid": grid}


def reference(ray, grid):
    gs = jnp.asarray(GS, dtype=jnp.float32)
    ray_min = jnp.full((5,), RAY_MIN, dtype=jnp.float32)
    ray_max = jnp.full((5,), RAY_MAX, dtype=jnp.float32)
    ind_norm = (ray - ray_min) / (ray_max - ray_min)
    grid_indices = ind_norm * (gs - 1.0)
    _, Cc, D0, D1, D2, D3, D4 = grid.shape
    bottom = jnp.floor(grid_indices).astype(jnp.int32)
    top = bottom + 1
    w = grid_indices - bottom.astype(jnp.float32)
    omw = 1.0 - w
    s0, s1, s2, s3, s4 = (D1 * D2 * D3 * D4, D2 * D3 * D4, D3 * D4, D4, 1)
    P = D0 * D1 * D2 * D3 * D4
    grid_flat = grid.reshape(Cc, P)
    b = [bottom[:, i] for i in range(5)]
    t = [top[:, i] for i in range(5)]
    coords = [
        (b[0], b[1], b[2], b[3], b[4]),
        (t[0], b[1], b[2], b[3], b[4]),
        (b[0], t[1], b[2], b[3], b[4]),
        (t[0], t[1], b[2], b[3], b[4]),
    ]
    Ds = (D0, D1, D2, D3, D4)
    Ss = (s0, s1, s2, s3, s4)
    idxs = []
    masks = []
    for c in coords:
        valid = jnp.ones(c[0].shape, dtype=bool)
        lin = jnp.zeros(c[0].shape, dtype=jnp.int32)
        for i in range(5):
            valid = valid & (c[i] >= 0) & (c[i] < Ds[i])
            lin = lin + c[i] * Ss[i]
        idxs.append(lin)
        masks.append(valid.astype(jnp.float32))
    idxs = jnp.stack(idxs, axis=0)
    masks = jnp.stack(masks, axis=0)
    idxs_clamped = jnp.clip(idxs, 0, P - 1)
    vals = jnp.take(grid_flat, idxs_clamped, axis=1)  # (C, 4, N)
    vals = jnp.transpose(vals, (1, 0, 2))  # (4, C, N)
    comb_w = jnp.stack(
        [
            omw[:, 0] * omw[:, 1] * omw[:, 2] * omw[:, 3] * omw[:, 4],
            w[:, 0] * omw[:, 1] * omw[:, 2] * omw[:, 3] * omw[:, 4],
            omw[:, 0] * w[:, 1] * omw[:, 2] * omw[:, 3] * omw[:, 4],
            w[:, 0] * w[:, 1] * omw[:, 2] * omw[:, 3] * omw[:, 4],
        ],
        axis=0,
    )
    weighted = vals * comb_w[:, None, :] * masks[:, None, :]
    out = weighted.sum(axis=0).T  # (N, C)
    return out

if __name__ == "__main__":
    import jax
    _d = setup_inputs()
    print(jax.jit(kernel)(*tuple(_d.values())))

</pallas_src>

<mosaic_0001>
#map = affine_map<(d0, d1) -> (0, 0)>
#map1 = affine_map<(d0, d1) -> (0)>
module attributes {stable_mosaic.version = 14 : i64} {
  func.func @sc_kernel(%arg0: i32, %arg1: i32, %arg2: memref<1048576x32xf32, #tpu.memory_space<hbm>>, %arg3: memref<327680xf32, #tpu.memory_space<hbm>>, %arg4: memref<65536x32xf32, #tpu.memory_space<hbm>>, %arg5: memref<2048xf32, #tpu.memory_space<vmem>>, %arg6: memref<2048xf32, #tpu.memory_space<vmem>>, %arg7: memref<2048xf32, #tpu.memory_space<vmem>>, %arg8: memref<2048xf32, #tpu.memory_space<vmem>>, %arg9: memref<2048xf32, #tpu.memory_space<vmem>>, %arg10: memref<128xi32, #tpu.memory_space<vmem>>, %arg11: memref<128xi32, #tpu.memory_space<vmem>>, %arg12: memref<128xi32, #tpu.memory_space<vmem>>, %arg13: memref<128xi32, #tpu.memory_space<vmem>>, %arg14: memref<128xf32, #tpu.memory_space<vmem>>, %arg15: memref<128xf32, #tpu.memory_space<vmem>>, %arg16: memref<128xf32, #tpu.memory_space<vmem>>, %arg17: memref<128xf32, #tpu.memory_space<vmem>>, %arg18: memref<128x32xf32, #tpu.memory_space<vmem>>, %arg19: memref<128x32xf32, #tpu.memory_space<vmem>>, %arg20: memref<128x32xf32, #tpu.memory_space<vmem>>, %arg21: memref<128x32xf32, #tpu.memory_space<vmem>>, %arg22: memref<128x32xf32, #tpu.memory_space<vmem>>, %arg23: memref<!tpu.dma_semaphore, #tpu.memory_space<semaphore_mem>>) attributes {dimension_semantics = [#tpu.dimension_semantics<core_parallel>, #tpu.dimension_semantics<subcore_parallel>], iteration_bounds = array<i64: 2, 16>, scalar_prefetch = 0 : i64, scratch_operands = 19 : i64, tpu.core_type = #tpu.core_type<sc_vector_subcore>, window_params = [{transform_indices = #map}, {transform_indices = #map1}, {transform_indices = #map}]} {
    %mul3A = arith.constant 2 : i32
    %mul3A_0 = arith.muli %arg1, %mul3A : i32
    %add3A = arith.addi %mul3A_0, %arg0 : i32
    %mul3A_1 = arith.constant 2048 : i32
    %mul3A_2 = arith.muli %add3A, %mul3A_1 : i32
    %add3A_3 = arith.constant 0 : i32
    %add3A_4 = arith.addi %add3A_3, %mul3A_2 : i32
    "tpu.region"() ({
      %run_scoped3A = tpu.sem_alloc : memref<!tpu.dma_semaphore, #tpu.memory_space<semaphore_mem>>
      %dma_start3A = tpu.memref_slice %arg3[%add3A_4] : memref<327680xf32, #tpu.memory_space<hbm>> -> memref<2048xf32, #tpu.memory_space<hbm>>
      %dma_start3A_19 = tpu.memref_slice %arg3[%add3A_4] : memref<327680xf32, #tpu.memory_space<hbm>> -> memref<2048xf32, #tpu.memory_space<hbm>>
      tpu.enqueue_dma source(%dma_start3A_19 : memref<2048xf32, #tpu.memory_space<hbm>>) target(%arg5 : memref<2048xf32, #tpu.memory_space<vmem>>) target_semaphore(%run_scoped3A : memref<!tpu.dma_semaphore, #tpu.memory_space<semaphore_mem>>)
      %dma_wait3A = tpu.memref_slice %arg3[%add3A_4] : memref<327680xf32, #tpu.memory_space<hbm>> -> memref<2048xf32, #tpu.memory_space<hbm>>
      %dma_wait3A_20 = tpu.memref_slice %arg3[%add3A_4] : memref<327680xf32, #tpu.memory_space<hbm>> -> memref<2048xf32, #tpu.memory_space<hbm>>
      tpu.wait_dma2 semaphore(%run_scoped3A : memref<!tpu.dma_semaphore, #tpu.memory_space<semaphore_mem>>) src(%dma_wait3A_20 : memref<2048xf32, #tpu.memory_space<hbm>>) dst(%arg5 : memref<2048xf32, #tpu.memory_space<vmem>>)
      tpu.yield
    }) : () -> ()
    %add3A_5 = arith.constant 65536 : i32
    %add3A_6 = arith.addi %add3A_5, %mul3A_2 : i32
    "tpu.region"() ({
      %run_scoped3A = tpu.sem_alloc : memref<!tpu.dma_semaphore, #tpu.memory_space<semaphore_mem>>
      %dma_start3A = tpu.memref_slice %arg3[%add3A_6] : memref<327680xf32, #tpu.memory_space<hbm>> -> memref<2048xf32, #tpu.memory_space<hbm>>
      %dma_start3A_19 = tpu.memref_slice %arg3[%add3A_6] : memref<327680xf32, #tpu.memory_space<hbm>> -> memref<2048xf32, #tpu.memory_space<hbm>>
      tpu.enqueue_dma source(%dma_start3A_19 : memref<2048xf32, #tpu.memory_space<hbm>>) target(%arg6 : memref<2048xf32, #tpu.memory_space<vmem>>) target_semaphore(%run_scoped3A : memref<!tpu.dma_semaphore, #tpu.memory_space<semaphore_mem>>)
      %dma_wait3A = tpu.memref_slice %arg3[%add3A_6] : memref<327680xf32, #tpu.memory_space<hbm>> -> memref<2048xf32, #tpu.memory_space<hbm>>
      %dma_wait3A_20 = tpu.memref_slice %arg3[%add3A_6] : memref<327680xf32, #tpu.memory_space<hbm>> -> memref<2048xf32, #tpu.memory_space<hbm>>
      tpu.wait_dma2 semaphore(%run_scoped3A : memref<!tpu.dma_semaphore, #tpu.memory_space<semaphore_mem>>) src(%dma_wait3A_20 : memref<2048xf32, #tpu.memory_space<hbm>>) dst(%arg6 : memref<2048xf32, #tpu.memory_space<vmem>>)
      tpu.yield
    }) : () -> ()
    %add3A_7 = arith.constant 131072 : i32
    %add3A_8 = arith.addi %add3A_7, %mul3A_2 : i32
    "tpu.region"() ({
      %run_scoped3A = tpu.sem_alloc : memref<!tpu.dma_semaphore, #tpu.memory_space<semaphore_mem>>
      %dma_start3A = tpu.memref_slice %arg3[%add3A_8] : memref<327680xf32, #tpu.memory_space<hbm>> -> memref<2048xf32, #tpu.memory_space<hbm>>
      %dma_start3A_19 = tpu.memref_slice %arg3[%add3A_8] : memref<327680xf32, #tpu.memory_space<hbm>> -> memref<2048xf32, #tpu.memory_space<hbm>>
      tpu.enqueue_dma source(%dma_start3A_19 : memref<2048xf32, #tpu.memory_space<hbm>>) target(%arg7 : memref<2048xf32, #tpu.memory_space<vmem>>) target_semaphore(%run_scoped3A : memref<!tpu.dma_semaphore, #tpu.memory_space<semaphore_mem>>)
      %dma_wait3A = tpu.memref_slice %arg3[%add3A_8] : memref<327680xf32, #tpu.memory_space<hbm>> -> memref<2048xf32, #tpu.memory_space<hbm>>
      %dma_wait3A_20 = tpu.memref_slice %arg3[%add3A_8] : memref<327680xf32, #tpu.memory_space<hbm>> -> memref<2048xf32, #tpu.memory_space<hbm>>
      tpu.wait_dma2 semaphore(%run_scoped3A : memref<!tpu.dma_semaphore, #tpu.memory_space<semaphore_mem>>) src(%dma_wait3A_20 : memref<2048xf32, #tpu.memory_space<hbm>>) dst(%arg7 : memref<2048xf32, #tpu.memory_space<vmem>>)
      tpu.yield
    }) : () -> ()
    %add3A_9 = arith.constant 196608 : i32
    %add3A_10 = arith.addi %add3A_9, %mul3A_2 : i32
    "tpu.region"() ({
      %run_scoped3A = tpu.sem_alloc : memref<!tpu.dma_semaphore, #tpu.memory_space<semaphore_mem>>
      %dma_start3A = tpu.memref_slice %arg3[%add3A_10] : memref<327680xf32, #tpu.memory_space<hbm>> -> memref<2048xf32, #tpu.memory_space<hbm>>
      %dma_start3A_19 = tpu.memref_slice %arg3[%add3A_10] : memref<327680xf32, #tpu.memory_space<hbm>> -> memref<2048xf32, #tpu.memory_space<hbm>>
      tpu.enqueue_dma source(%dma_start3A_19 : memref<2048xf32, #tpu.memory_space<hbm>>) target(%arg8 : memref<2048xf32, #tpu.memory_space<vmem>>) target_semaphore(%run_scoped3A : memref<!tpu.dma_semaphore, #tpu.memory_space<semaphore_mem>>)
      %dma_wait3A = tpu.memref_slice %arg3[%add3A_10] : memref<327680xf32, #tpu.memory_space<hbm>> -> memref<2048xf32, #tpu.memory_space<hbm>>
      %dma_wait3A_20 = tpu.memref_slice %arg3[%add3A_10] : memref<327680xf32, #tpu.memory_space<hbm>> -> memref<2048xf32, #tpu.memory_space<hbm>>
      tpu.wait_dma2 semaphore(%run_scoped3A : memref<!tpu.dma_semaphore, #tpu.memory_space<semaphore_mem>>) src(%dma_wait3A_20 : memref<2048xf32, #tpu.memory_space<hbm>>) dst(%arg8 : memref<2048xf32, #tpu.memory_space<vmem>>)
      tpu.yield
    }) : () -> ()
    %add3A_11 = arith.constant 262144 : i32
    %add3A_12 = arith.addi %add3A_11, %mul3A_2 : i32
    "tpu.region"() ({
      %run_scoped3A = tpu.sem_alloc : memref<!tpu.dma_semaphore, #tpu.memory_space<semaphore_mem>>
      %dma_start3A = tpu.memref_slice %arg3[%add3A_12] : memref<327680xf32, #tpu.memory_space<hbm>> -> memref<2048xf32, #tpu.memory_space<hbm>>
      %dma_start3A_19 = tpu.memref_slice %arg3[%add3A_12] : memref<327680xf32, #tpu.memory_space<hbm>> -> memref<2048xf32, #tpu.memory_space<hbm>>
      tpu.enqueue_dma source(%dma_start3A_19 : memref<2048xf32, #tpu.memory_space<hbm>>) target(%arg9 : memref<2048xf32, #tpu.memory_space<vmem>>) target_semaphore(%run_scoped3A : memref<!tpu.dma_semaphore, #tpu.memory_space<semaphore_mem>>)
      %dma_wait3A = tpu.memref_slice %arg3[%add3A_12] : memref<327680xf32, #tpu.memory_space<hbm>> -> memref<2048xf32, #tpu.memory_space<hbm>>
      %dma_wait3A_20 = tpu.memref_slice %arg3[%add3A_12] : memref<327680xf32, #tpu.memory_space<hbm>> -> memref<2048xf32, #tpu.memory_space<hbm>>
      tpu.wait_dma2 semaphore(%run_scoped3A : memref<!tpu.dma_semaphore, #tpu.memory_space<semaphore_mem>>) src(%dma_wait3A_20 : memref<2048xf32, #tpu.memory_space<hbm>>) dst(%arg9 : memref<2048xf32, #tpu.memory_space<vmem>>)
      tpu.yield
    }) : () -> ()
    %scan3A = arith.constant 0 : i32
    %scan3A_13 = arith.constant 0 : i32
    %scan3A_14 = arith.constant 16 : i32
    %scan3A_15 = arith.addi %scan3A_13, %scan3A_14 : i32
    %scan3A_16 = arith.constant 1 : i32
    %scan3A_17 = scf.for %scan3A_19 = %scan3A_13 to %scan3A_15 step %scan3A_16 iter_args(%scan3A_20 = %scan3A) -> (i32)  : i32 {
      %mul3A_21 = arith.constant 128 : i32
      %mul3A_22 = arith.muli %scan3A_19, %mul3A_21 : i32
      %add3A_23 = arith.constant 0 : i32
      %add3A_24 = arith.addi %mul3A_22, %add3A_23 : i32
      %get3A = arith.index_cast %add3A_24 : i32 to index
      %get3A_25 = tpu.vector_load %arg5[%get3A] {strides = array<i32>} : memref<2048xf32, #tpu.memory_space<vmem>>, vector<16xf32>,
      %get3A_26 = vector.shape_cast %get3A_25 : vector<16xf32> to vector<16xf32>
      %get3A_27 = arith.index_cast %add3A_24 : i32 to index
      %get3A_28 = tpu.vector_load %arg6[%get3A_27] {strides = array<i32>} : memref<2048xf32, #tpu.memory_space<vmem>>, vector<16xf32>,
      %get3A_29 = vector.shape_cast %get3A_28 : vector<16xf32> to vector<16xf32>
      %get3A_30 = arith.index_cast %add3A_24 : i32 to index
      %get3A_31 = tpu.vector_load %arg7[%get3A_30] {strides = array<i32>} : memref<2048xf32, #tpu.memory_space<vmem>>, vector<16xf32>,
      %get3A_32 = vector.shape_cast %get3A_31 : vector<16xf32> to vector<16xf32>
      %get3A_33 = arith.index_cast %add3A_24 : i32 to index
      %get3A_34 = tpu.vector_load %arg8[%get3A_33] {strides = array<i32>} : memref<2048xf32, #tpu.memory_space<vmem>>, vector<16xf32>,
      %get3A_35 = vector.shape_cast %get3A_34 : vector<16xf32> to vector<16xf32>
      %get3A_36 = arith.index_cast %add3A_24 : i32 to index
      %get3A_37 = tpu.vector_load %arg9[%get3A_36] {strides = array<i32>} : memref<2048xf32, #tpu.memory_space<vmem>>, vector<16xf32>,
      %get3A_38 = vector.shape_cast %get3A_37 : vector<16xf32> to vector<16xf32>
      %add3A_39 = arith.constant 1.000000e+00 : f32
      %add3A_40 = vector.broadcast %add3A_39 : f32 to vector<16xf32>
      %add3A_41 = arith.addf %get3A_26, %add3A_40 : vector<16xf32>
      %mul3A_42 = arith.constant 5.000000e-01 : f32
      %mul3A_43 = vector.broadcast %mul3A_42 : f32 to vector<16xf32>
      %mul3A_44 = arith.mulf %add3A_41, %mul3A_43 : vector<16xf32>
      %mul3A_45 = arith.constant 1.500000e+01 : f32
      %mul3A_46 = vector.broadcast %mul3A_45 : f32 to vector<16xf32>
      %mul3A_47 = arith.mulf %mul3A_44, %mul3A_46 : vector<16xf32>
      %add3A_48 = arith.constant 1.000000e+00 : f32
      %add3A_49 = vector.broadcast %add3A_48 : f32 to vector<16xf32>
      %add3A_50 = arith.addf %get3A_29, %add3A_49 : vector<16xf32>
      %mul3A_51 = arith.constant 5.000000e-01 : f32
      %mul3A_52 = vector.broadcast %mul3A_51 : f32 to vector<16xf32>
      %mul3A_53 = arith.mulf %add3A_50, %mul3A_52 : vector<16xf32>
      %mul3A_54 = arith.constant 1.500000e+01 : f32
      %mul3A_55 = vector.broadcast %mul3A_54 : f32 to vector<16xf32>
      %mul3A_56 = arith.mulf %mul3A_53, %mul3A_55 : vector<16xf32>
      %add3A_57 = arith.constant 1.000000e+00 : f32
      %add3A_58 = vector.broadcast %add3A_57 : f32 to vector<16xf32>
      %add3A_59 = arith.addf %get3A_32, %add3A_58 : vector<16xf32>
      %mul3A_60 = arith.constant 5.000000e-01 : f32
      %mul3A_61 = vector.broadcast %mul3A_60 : f32 to vector<16xf32>
      %mul3A_62 = arith.mulf %add3A_59, %mul3A_61 : vector<16xf32>
      %mul3A_63 = arith.constant 1.500000e+01 : f32
      %mul3A_64 = vector.broadcast %mul3A_63 : f32 to vector<16xf32>
      %mul3A_65 = arith.mulf %mul3A_62, %mul3A_64 : vector<16xf32>
      %add3A_66 = arith.constant 1.000000e+00 : f32
      %add3A_67 = vector.broadcast %add3A_66 : f32 to vector<16xf32>
      %add3A_68 = arith.addf %get3A_35, %add3A_67 : vector<16xf32>
      %mul3A_69 = arith.constant 5.000000e-01 : f32
      %mul3A_70 = vector.broadcast %mul3A_69 : f32 to vector<16xf32>
      %mul3A_71 = arith.mulf %add3A_68, %mul3A_70 : vector<16xf32>
      %mul3A_72 = arith.constant 1.500000e+01 : f32
      %mul3A_73 = vector.broadcast %mul3A_72 : f32 to vector<16xf32>
      %mul3A_74 = arith.mulf %mul3A_71, %mul3A_73 : vector<16xf32>
      %add3A_75 = arith.constant 1.000000e+00 : f32
      %add3A_76 = vector.broadcast %add3A_75 : f32 to vector<16xf32>
      %add3A_77 = arith.addf %get3A_38, %add3A_76 : vector<16xf32>
      %mul3A_78 = arith.constant 5.000000e-01 : f32
      %mul3A_79 = vector.broadcast %mul3A_78 : f32 to vector<16xf32>
      %mul3A_80 = arith.mulf %add3A_77, %mul3A_79 : vector<16xf32>
      %mul3A_81 = arith.constant 1.500000e+01 : f32
      %mul3A_82 = vector.broadcast %mul3A_81 : f32 to vector<16xf32>
      %mul3A_83 = arith.mulf %mul3A_80, %mul3A_82 : vector<16xf32>
      %convert_element_type3A = arith.fptosi %mul3A_47 : vector<16xf32> to vector<16xi32>
      %convert_element_type3A_84 = arith.fptosi %mul3A_56 : vector<16xf32> to vector<16xi32>
      %convert_element_type3A_85 = arith.fptosi %mul3A_65 : vector<16xf32> to vector<16xi32>
      %convert_element_type3A_86 = arith.fptosi %mul3A_74 : vector<16xf32> to vector<16xi32>
      %convert_element_type3A_87 = arith.fptosi %mul3A_83 : vector<16xf32> to vector<16xi32>
      %convert_element_type3A_88 = arith.sitofp %convert_element_type3A : vector<16xi32> to vector<16xf32>
      %sub3A = arith.subf %mul3A_47, %convert_element_type3A_88 : vector<16xf32>
      %convert_element_type3A_89 = arith.sitofp %convert_element_type3A_84 : vector<16xi32> to vector<16xf32>
      %sub3A_90 = arith.subf %mul3A_56, %convert_element_type3A_89 : vector<16xf32>
      %convert_element_type3A_91 = arith.sitofp %convert_element_type3A_85 : vector<16xi32> to vector<16xf32>
      %sub3A_92 = arith.subf %mul3A_65, %convert_element_type3A_91 : vector<16xf32>
      %convert_element_type3A_93 = arith.sitofp %convert_element_type3A_86 : vector<16xi32> to vector<16xf32>
      %sub3A_94 = arith.subf %mul3A_74, %convert_element_type3A_93 : vector<16xf32>
      %convert_element_type3A_95 = arith.sitofp %convert_element_type3A_87 : vector<16xi32> to vector<16xf32>
      %sub3A_96 = arith.subf %mul3A_83, %convert_element_type3A_95 : vector<16xf32>
      %sub3A_97 = arith.constant 1.000000e+00 : f32
      %sub3A_98 = vector.broadcast %sub3A_97 : f32 to vector<16xf32>
      %sub3A_99 = arith.subf %sub3A_98, %sub3A : vector<16xf32>
      %sub3A_100 = arith.constant 1.000000e+00 : f32
      %sub3A_101 = vector.broadcast %sub3A_100 : f32 to vector<16xf32>
      %sub3A_102 = arith.subf %sub3A_101, %sub3A_90 : vector<16xf32>
      %sub3A_103 = arith.constant 1.000000e+00 : f32
      %sub3A_104 = vector.broadcast %sub3A_103 : f32 to vector<16xf32>
      %sub3A_105 = arith.subf %sub3A_104, %sub3A_92 : vector<16xf32>
      %sub3A_106 = arith.constant 1.000000e+00 : f32
      %sub3A_107 = vector.broadcast %sub3A_106 : f32 to vector<16xf32>
      %sub3A_108 = arith.subf %sub3A_107, %sub3A_94 : vector<16xf32>
      %sub3A_109 = arith.constant 1.000000e+00 : f32
      %sub3A_110 = vector.broadcast %sub3A_109 : f32 to vector<16xf32>
      %sub3A_111 = arith.subf %sub3A_110, %sub3A_96 : vector<16xf32>
      %mul3A_112 = arith.constant 65536 : i32
      %mul3A_113 = vector.broadcast %mul3A_112 : i32 to vector<16xi32>
      %mul3A_114 = arith.muli %convert_element_type3A, %mul3A_113 : vector<16xi32>
      %mul3A_115 = arith.constant 4096 : i32
      %mul3A_116 = vector.broadcast %mul3A_115 : i32 to vector<16xi32>
      %mul3A_117 = arith.muli %convert_element_type3A_84, %mul3A_116 : vector<16xi32>
      %add3A_118 = arith.addi %mul3A_114, %mul3A_117 : vector<16xi32>
      %mul3A_119 = arith.constant 256 : i32
      %mul3A_120 = vector.broadcast %mul3A_119 : i32 to vector<16xi32>
      %mul3A_121 = arith.muli %convert_element_type3A_85, %mul3A_120 : vector<16xi32>
      %add3A_122 = arith.addi %add3A_118, %mul3A_121 : vector<16xi32>
      %mul3A_123 = arith.constant 16 : i32
      %mul3A_124 = vector.broadcast %mul3A_123 : i32 to vector<16xi32>
      %mul3A_125 = arith.muli %convert_element_type3A_86, %mul3A_124 : vector<16xi32>
      %add3A_126 = arith.addi %add3A_122, %mul3A_125 : vector<16xi32>
      %add3A_127 = arith.addi %add3A_126, %convert_element_type3A_87 : vector<16xi32>
      %swap3A = arith.constant 0 : index
      %swap3A_128 = tpu.vector_load %arg10[%swap3A] {strides = array<i32>} : memref<128xi32, #tpu.memory_space<vmem>>, vector<16xi32>,
      %swap3A_129 = vector.shape_cast %swap3A_128 : vector<16xi32> to vector<16xi32>
      %swap3A_130 = vector.shape_cast %add3A_127 : vector<16xi32> to vector<16xi32>
      tpu.vector_store %arg10[%swap3A], %swap3A_130 {strides = array<i32>} : memref<128xi32, #tpu.memory_space<vmem>>, vector<16xi32>,
      %add3A_131 = arith.constant 65536 : i32
      %add3A_132 = vector.broadcast %add3A_131 : i32 to vector<16xi32>
      %add3A_133 = arith.addi %add3A_127, %add3A_132 : vector<16xi32>
      %min3A = arith.constant 1048575 : i32
      %min3A_134 = vector.broadcast %min3A : i32 to vector<16xi32>
      %min3A_135 = arith.minsi %add3A_133, %min3A_134 : vector<16xi32>
      %swap3A_136 = arith.constant 0 : index
      %swap3A_137 = tpu.vector_load %arg11[%swap3A_136] {strides = array<i32>} : memref<128xi32, #tpu.memory_space<vmem>>, vector<16xi32>,
      %swap3A_138 = vector.shape_cast %swap3A_137 : vector<16xi32> to vector<16xi32>
      %swap3A_139 = vector.shape_cast %min3A_135 : vector<16xi32> to vector<16xi32>
      tpu.vector_store %arg11[%swap3A_136], %swap3A_139 {strides = array<i32>} : memref<128xi32, #tpu.memory_space<vmem>>, vector<16xi32>,
      %add3A_140 = arith.constant 4096 : i32
      %add3A_141 = vector.broadcast %add3A_140 : i32 to vector<16xi32>
      %add3A_142 = arith.addi %add3A_127, %add3A_141 : vector<16xi32>
      %min3A_143 = arith.constant 1048575 : i32
      %min3A_144 = vector.broadcast %min3A_143 : i32 to vector<16xi32>
      %min3A_145 = arith.minsi %add3A_142, %min3A_144 : vector<16xi32>
      %swap3A_146 = arith.constant 0 : index
      %swap3A_147 = tpu.vector_load %arg12[%swap3A_146] {strides = array<i32>} : memref<128xi32, #tpu.memory_space<vmem>>, vector<16xi32>,
      %swap3A_148 = vector.shape_cast %swap3A_147 : vector<16xi32> to vector<16xi32>
      %swap3A_149 = vector.shape_cast %min3A_145 : vector<16xi32> to vector<16xi32>
      tpu.vector_store %arg12[%swap3A_146], %swap3A_149 {strides = array<i32>} : memref<128xi32, #tpu.memory_space<vmem>>, vector<16xi32>,
      %add3A_150 = arith.constant 69632 : i32
      %add3A_151 = vector.broadcast %add3A_150 : i32 to vector<16xi32>
      %add3A_152 = arith.addi %add3A_127, %add3A_151 : vector<16xi32>
      %min3A_153 = arith.constant 1048575 : i32
      %min3A_154 = vector.broadcast %min3A_153 : i32 to vector<16xi32>
      %min3A_155 = arith.minsi %add3A_152, %min3A_154 : vector<16xi32>
      %swap3A_156 = arith.constant 0 : index
      %swap3A_157 = tpu.vector_load %arg13[%swap3A_156] {strides = array<i32>} : memref<128xi32, #tpu.memory_space<vmem>>, vector<16xi32>,
      %swap3A_158 = vector.shape_cast %swap3A_157 : vector<16xi32> to vector<16xi32>
      %swap3A_159 = vector.shape_cast %min3A_155 : vector<16xi32> to vector<16xi32>
      tpu.vector_store %arg13[%swap3A_156], %swap3A_159 {strides = array<i32>} : memref<128xi32, #tpu.memory_space<vmem>>, vector<16xi32>,
      %mul3A_160 = arith.mulf %sub3A_105, %sub3A_108 : vector<16xf32>
      %mul3A_161 = arith.mulf %mul3A_160, %sub3A_111 : vector<16xf32>
      %mul3A_162 = arith.mulf %sub3A_99, %sub3A_102 : vector<16xf32>
      %mul3A_163 = arith.mulf %mul3A_162, %mul3A_161 : vector<16xf32>
      %swap3A_164 = arith.constant 0 : index
      %swap3A_165 = tpu.vector_load %arg14[%swap3A_164] {strides = array<i32>} : memref<128xf32, #tpu.memory_space<vmem>>, vector<16xf32>,
      %swap3A_166 = vector.shape_cast %swap3A_165 : vector<16xf32> to vector<16xf32>
      %swap3A_167 = vector.shape_cast %mul3A_163 : vector<16xf32> to vector<16xf32>
      tpu.vector_store %arg14[%swap3A_164], %swap3A_167 {strides = array<i32>} : memref<128xf32, #tpu.memory_space<vmem>>, vector<16xf32>,
      %mul3A_168 = arith.mulf %sub3A, %sub3A_102 : vector<16xf32>
      %mul3A_169 = arith.mulf %mul3A_168, %mul3A_161 : vector<16xf32>
      %swap3A_170 = arith.constant 0 : index
      %swap3A_171 = tpu.vector_load %arg15[%swap3A_170] {strides = array<i32>} : memref<128xf32, #tpu.memory_space<vmem>>, vector<16xf32>,
      %swap3A_172 = vector.shape_cast %swap3A_171 : vector<16xf32> to vector<16xf32>
      %swap3A_173 = vector.shape_cast %mul3A_169 : vector<16xf32> to vector<16xf32>
      tpu.vector_store %arg15[%swap3A_170], %swap3A_173 {strides = array<i32>} : memref<128xf32, #tpu.memory_space<vmem>>, vector<16xf32>,
      %mul3A_174 = arith.mulf %sub3A_99, %sub3A_90 : vector<16xf32>
      %mul3A_175 = arith.mulf %mul3A_174, %mul3A_161 : vector<16xf32>
      %swap3A_176 = arith.constant 0 : index
      %swap3A_177 = tpu.vector_load %arg16[%swap3A_176] {strides = array<i32>} : memref<128xf32, #tpu.memory_space<vmem>>, vector<16xf32>,
      %swap3A_178 = vector.shape_cast %swap3A_177 : vector<16xf32> to vector<16xf32>
      %swap3A_179 = vector.shape_cast %mul3A_175 : vector<16xf32> to vector<16xf32>
      tpu.vector_store %arg16[%swap3A_176], %swap3A_179 {strides = array<i32>} : memref<128xf32, #tpu.memory_space<vmem>>, vector<16xf32>,
      %mul3A_180 = arith.mulf %sub3A, %sub3A_90 : vector<16xf32>
      %mul3A_181 = arith.mulf %mul3A_180, %mul3A_161 : vector<16xf32>
      %swap3A_182 = arith.constant 0 : index
      %swap3A_183 = tpu.vector_load %arg17[%swap3A_182] {strides = array<i32>} : memref<128xf32, #tpu.memory_space<vmem>>, vector<16xf32>,
      %swap3A_184 = vector.shape_cast %swap3A_183 : vector<16xf32> to vector<16xf32>
      %swap3A_185 = vector.shape_cast %mul3A_181 : vector<16xf32> to vector<16xf32>
      tpu.vector_store %arg17[%swap3A_182], %swap3A_185 {strides = array<i32>} : memref<128xf32, #tpu.memory_space<vmem>>, vector<16xf32>,
      %add3A_186 = arith.constant 16 : i32
      %add3A_187 = arith.addi %mul3A_22, %add3A_186 : i32
      %get3A_188 = arith.index_cast %add3A_187 : i32 to index
      %get3A_189 = tpu.vector_load %arg5[%get3A_188] {strides = array<i32>} : memref<2048xf32, #tpu.memory_space<vmem>>, vector<16xf32>,
      %get3A_190 = vector.shape_cast %get3A_189 : vector<16xf32> to vector<16xf32>
      %get3A_191 = arith.index_cast %add3A_187 : i32 to index
      %get3A_192 = tpu.vector_load %arg6[%get3A_191] {strides = array<i32>} : memref<2048xf32, #tpu.memory_space<vmem>>, vector<16xf32>,
      %get3A_193 = vector.shape_cast %get3A_192 : vector<16xf32> to vector<16xf32>
      %get3A_194 = arith.index_cast %add3A_187 : i32 to index
      %get3A_195 = tpu.vector_load %arg7[%get3A_194] {strides = array<i32>} : memref<2048xf32, #tpu.memory_space<vmem>>, vector<16xf32>,
      %get3A_196 = vector.shape_cast %get3A_195 : vector<16xf32> to vector<16xf32>
      %get3A_197 = arith.index_cast %add3A_187 : i32 to index
      %get3A_198 = tpu.vector_load %arg8[%get3A_197] {strides = array<i32>} : memref<2048xf32, #tpu.memory_space<vmem>>, vector<16xf32>,
      %get3A_199 = vector.shape_cast %get3A_198 : vector<16xf32> to vector<16xf32>
      %get3A_200 = arith.index_cast %add3A_187 : i32 to index
      %get3A_201 = tpu.vector_load %arg9[%get3A_200] {strides = array<i32>} : memref<2048xf32, #tpu.memory_space<vmem>>, vector<16xf32>,
      %get3A_202 = vector.shape_cast %get3A_201 : vector<16xf32> to vector<16xf32>
      %add3A_203 = arith.constant 1.000000e+00 : f32
      %add3A_204 = vector.broadcast %add3A_203 : f32 to vector<16xf32>
      %add3A_205 = arith.addf %get3A_190, %add3A_204 : vector<16xf32>
      %mul3A_206 = arith.constant 5.000000e-01 : f32
      %mul3A_207 = vector.broadcast %mul3A_206 : f32 to vector<16xf32>
      %mul3A_208 = arith.mulf %add3A_205, %mul3A_207 : vector<16xf32>
      %mul3A_209 = arith.constant 1.500000e+01 : f32
      %mul3A_210 = vector.broadcast %mul3A_209 : f32 to vector<16xf32>
      %mul3A_211 = arith.mulf %mul3A_208, %mul3A_210 : vector<16xf32>
      %add3A_212 = arith.constant 1.000000e+00 : f32
      %add3A_213 = vector.broadcast %add3A_212 : f32 to vector<16xf32>
      %add3A_214 = arith.addf %get3A_193, %add3A_213 : vector<16xf32>
      %mul3A_215 = arith.constant 5.000000e-01 : f32
      %mul3A_216 = vector.broadcast %mul3A_215 : f32 to vector<16xf32>
      %mul3A_217 = arith.mulf %add3A_214, %mul3A_216 : vector<16xf32>
      %mul3A_218 = arith.constant 1.500000e+01 : f32
      %mul3A_219 = vector.broadcast %mul3A_218 : f32 to vector<16xf32>
      %mul3A_220 = arith.mulf %mul3A_217, %mul3A_219 : vector<16xf32>
      %add3A_221 = arith.constant 1.000000e+00 : f32
      %add3A_222 = vector.broadcast %add3A_221 : f32 to vector<16xf32>
      %add3A_223 = arith.addf %get3A_196, %add3A_222 : vector<16xf32>
      %mul3A_224 = arith.constant 5.000000e-01 : f32
      %mul3A_225 = vector.broadcast %mul3A_224 : f32 to vector<16xf32>
      %mul3A_226 = arith.mulf %add3A_223, %mul3A_225 : vector<16xf32>
      %mul3A_227 = arith.constant 1.500000e+01 : f32
      %mul3A_228 = vector.broadcast %mul3A_227 : f32 to vector<16xf32>
      %mul3A_229 = arith.mulf %mul3A_226, %mul3A_228 : vector<16xf32>
      %add3A_230 = arith.constant 1.000000e+00 : f32
      %add3A_231 = vector.broadcast %add3A_230 : f32 to vector<16xf32>
      %add3A_232 = arith.addf %get3A_199, %add3A_231 : vector<16xf32>
      %mul3A_233 = arith.constant 5.000000e-01 : f32
      %mul3A_234 = vector.broadcast %mul3A_233 : f32 to vector<16xf32>
      %mul3A_235 = arith.mulf %add3A_232, %mul3A_234 : vector<16xf32>
      %mul3A_236 = arith.constant 1.500000e+01 : f32
      %mul3A_237 = vector.broadcast %mul3A_236 : f32 to vector<16xf32>
      %mul3A_238 = arith.mulf %mul3A_235, %mul3A_237 : vector<16xf32>
      %add3A_239 = arith.constant 1.000000e+00 : f32
      %add3A_240 = vector.broadcast %add3A_239 : f32 to vector<16xf32>
      %add3A_241 = arith.addf %get3A_202, %add3A_240 : vector<16xf32>
      %mul3A_242 = arith.constant 5.000000e-01 : f32
      %mul3A_243 = vector.broadcast %mul3A_242 : f32 to vector<16xf32>
      %mul3A_244 = arith.mulf %add3A_241, %mul3A_243 : vector<16xf32>
      %mul3A_245 = arith.constant 1.500000e+01 : f32
      %mul3A_246 = vector.broadcast %mul3A_245 : f32 to vector<16xf32>
      %mul3A_247 = arith.mulf %mul3A_244, %mul3A_246 : vector<16xf32>
      %convert_element_type3A_248 = arith.fptosi %mul3A_211 : vector<16xf32> to vector<16xi32>
      %convert_element_type3A_249 = arith.fptosi %mul3A_220 : vector<16xf32> to vector<16xi32>
      %convert_element_type3A_250 = arith.fptosi %mul3A_229 : vector<16xf32> to vector<16xi32>
      %convert_element_type3A_251 = arith.fptosi %mul3A_238 : vector<16xf32> to vector<16xi32>
      %convert_element_type3A_252 = arith.fptosi %mul3A_247 : vector<16xf32> to vector<16xi32>
      %convert_element_type3A_253 = arith.sitofp %convert_element_type3A_248 : vector<16xi32> to vector<16xf32>
      %sub3A_254 = arith.subf %mul3A_211, %convert_element_type3A_253 : vector<16xf32>
      %convert_element_type3A_255 = arith.sitofp %convert_element_type3A_249 : vector<16xi32> to vector<16xf32>
      %sub3A_256 = arith.subf %mul3A_220, %convert_element_type3A_255 : vector<16xf32>
      %convert_element_type3A_257 = arith.sitofp %convert_element_type3A_250 : vector<16xi32> to vector<16xf32>
      %sub3A_258 = arith.subf %mul3A_229, %convert_element_type3A_257 : vector<16xf32>
      %convert_element_type3A_259 = arith.sitofp %convert_element_type3A_251 : vector<16xi32> to vector<16xf32>
      %sub3A_260 = arith.subf %mul3A_238, %convert_element_type3A_259 : vector<16xf32>
      %convert_element_type3A_261 = arith.sitofp %convert_element_type3A_252 : vector<16xi32> to vector<16xf32>
      %sub3A_262 = arith.subf %mul3A_247, %convert_element_type3A_261 : vector<16xf32>
      %sub3A_263 = arith.constant 1.000000e+00 : f32
      %sub3A_264 = vector.broadcast %sub3A_263 : f32 to vector<16xf32>
      %sub3A_265 = arith.subf %sub3A_264, %sub3A_254 : vector<16xf32>
      %sub3A_266 = arith.constant 1.000000e+00 : f32
      %sub3A_267 = vector.broadcast %sub3A_266 : f32 to vector<16xf32>
      %sub3A_268 = arith.subf %sub3A_267, %sub3A_256 : vector<16xf32>
      %sub3A_269 = arith.constant 1.000000e+00 : f32
      %sub3A_270 = vector.broadcast %sub3A_269 : f32 to vector<16xf32>
      %sub3A_271 = arith.subf %sub3A_270, %sub3A_258 : vector<16xf32>
      %sub3A_272 = arith.constant 1.000000e+00 : f32
      %sub3A_273 = vector.broadcast %sub3A_272 : f32 to vector<16xf32>
      %sub3A_274 = arith.subf %sub3A_273, %sub3A_260 : vector<16xf32>
      %sub3A_275 = arith.constant 1.000000e+00 : f32
      %sub3A_276 = vector.broadcast %sub3A_275 : f32 to vector<16xf32>
      %sub3A_277 = arith.subf %sub3A_276, %sub3A_262 : vector<16xf32>
      %mul3A_278 = arith.constant 65536 : i32
      %mul3A_279 = vector.broadcast %mul3A_278 : i32 to vector<16xi32>
      %mul3A_280 = arith.muli %convert_element_type3A_248, %mul3A_279 : vector<16xi32>
      %mul3A_281 = arith.constant 4096 : i32
      %mul3A_282 = vector.broadcast %mul3A_281 : i32 to vector<16xi32>
      %mul3A_283 = arith.muli %convert_element_type3A_249, %mul3A_282 : vector<16xi32>
      %add3A_284 = arith.addi %mul3A_280, %mul3A_283 : vector<16xi32>
      %mul3A_285 = arith.constant 256 : i32
      %mul3A_286 = vector.broadcast %mul3A_285 : i32 to vector<16xi32>
      %mul3A_287 = arith.muli %convert_element_type3A_250, %mul3A_286 : vector<16xi32>
      %add3A_288 = arith.addi %add3A_284, %mul3A_287 : vector<16xi32>
      %mul3A_289 = arith.constant 16 : i32
      %mul3A_290 = vector.broadcast %mul3A_289 : i32 to vector<16xi32>
      %mul3A_291 = arith.muli %convert_element_type3A_251, %mul3A_290 : vector<16xi32>
      %add3A_292 = arith.addi %add3A_288, %mul3A_291 : vector<16xi32>
      %add3A_293 = arith.addi %add3A_292, %convert_element_type3A_252 : vector<16xi32>
      %swap3A_294 = arith.constant 16 : index
      %swap3A_295 = tpu.vector_load %arg10[%swap3A_294] {strides = array<i32>} : memref<128xi32, #tpu.memory_space<vmem>>, vector<16xi32>,
      %swap3A_296 = vector.shape_cast %swap3A_295 : vector<16xi32> to vector<16xi32>
      %swap3A_297 = vector.shape_cast %add3A_293 : vector<16xi32> to vector<16xi32>
      tpu.vector_store %arg10[%swap3A_294], %swap3A_297 {strides = array<i32>} : memref<128xi32, #tpu.memory_space<vmem>>, vector<16xi32>,
      %add3A_298 = arith.constant 65536 : i32
      %add3A_299 = vector.broadcast %add3A_298 : i32 to vector<16xi32>
      %add3A_300 = arith.addi %add3A_293, %add3A_299 : vector<16xi32>
      %min3A_301 = arith.constant 1048575 : i32
      %min3A_302 = vector.broadcast %min3A_301 : i32 to vector<16xi32>
      %min3A_303 = arith.minsi %add3A_300, %min3A_302 : vector<16xi32>
      %swap3A_304 = arith.constant 16 : index
      %swap3A_305 = tpu.vector_load %arg11[%swap3A_304] {strides = array<i32>} : memref<128xi32, #tpu.memory_space<vmem>>, vector<16xi32>,
      %swap3A_306 = vector.shape_cast %swap3A_305 : vector<16xi32> to vector<16xi32>
      %swap3A_307 = vector.shape_cast %min3A_303 : vector<16xi32> to vector<16xi32>
      tpu.vector_store %arg11[%swap3A_304], %swap3A_307 {strides = array<i32>} : memref<128xi32, #tpu.memory_space<vmem>>, vector<16xi32>,
      %add3A_308 = arith.constant 4096 : i32
      %add3A_309 = vector.broadcast %add3A_308 : i32 to vector<16xi32>
      %add3A_310 = arith.addi %add3A_293, %add3A_309 : vector<16xi32>
      %min3A_311 = arith.constant 1048575 : i32
      %min3A_312 = vector.broadcast %min3A_311 : i32 to vector<16xi32>
      %min3A_313 = arith.minsi %add3A_310, %min3A_312 : vector<16xi32>
      %swap3A_314 = arith.constant 16 : index
      %swap3A_315 = tpu.vector_load %arg12[%swap3A_314] {strides = array<i32>} : memref<128xi32, #tpu.memory_space<vmem>>, vector<16xi32>,
      %swap3A_316 = vector.shape_cast %swap3A_315 : vector<16xi32> to vector<16xi32>
      %swap3A_317 = vector.shape_cast %min3A_313 : vector<16xi32> to vector<16xi32>
      tpu.vector_store %arg12[%swap3A_314], %swap3A_317 {strides = array<i32>} : memref<128xi32, #tpu.memory_space<vmem>>, vector<16xi32>,
      %add3A_318 = arith.constant 69632 : i32
      %add3A_319 = vector.broadcast %add3A_318 : i32 to vector<16xi32>
      %add3A_320 = arith.addi %add3A_293, %add3A_319 : vector<16xi32>
      %min3A_321 = arith.constant 1048575 : i32
      %min3A_322 = vector.broadcast %min3A_321 : i32 to vector<16xi32>
      %min3A_323 = arith.minsi %add3A_320, %min3A_322 : vector<16xi32>
      %swap3A_324 = arith.constant 16 : index
      %swap3A_325 = tpu.vector_load %arg13[%swap3A_324] {strides = array<i32>} : memref<128xi32, #tpu.memory_space<vmem>>, vector<16xi32>,
      %swap3A_326 = vector.shape_cast %swap3A_325 : vector<16xi32> to vector<16xi32>
      %swap3A_327 = vector.shape_cast %min3A_323 : vector<16xi32> to vector<16xi32>
      tpu.vector_store %arg13[%swap3A_324], %swap3A_327 {strides = array<i32>} : memref<128xi32, #tpu.memory_space<vmem>>, vector<16xi32>,
      %mul3A_328 = arith.mulf %sub3A_271, %sub3A_274 : vector<16xf32>
      %mul3A_329 = arith.mulf %mul3A_328, %sub3A_277 : vector<16xf32>
      %mul3A_330 = arith.mulf %sub3A_265, %sub3A_268 : vector<16xf32>
      %mul3A_331 = arith.mulf %mul3A_330, %mul3A_329 : vector<16xf32>
      %swap3A_332 = arith.constant 16 : index
      %swap3A_333 = tpu.vector_load %arg14[%swap3A_332] {strides = array<i32>} : memref<128xf32, #tpu.memory_space<vmem>>, vector<16xf32>,
      %swap3A_334 = vector.shape_cast %swap3A_333 : vector<16xf32> to vector<16xf32>
      %swap3A_335 = vector.shape_cast %mul3A_331 : vector<16xf32> to vector<16xf32>
      tpu.vector_store %arg14[%swap3A_332], %swap3A_335 {strides = array<i32>} : memref<128xf32, #tpu.memory_space<vmem>>, vector<16xf32>,
      %mul3A_336 = arith.mulf %sub3A_254, %sub3A_268 : vector<16xf32>
      %mul3A_337 = arith.mulf %mul3A_336, %mul3A_329 : vector<16xf32>
      %swap3A_338 = arith.constant 16 : index
      %swap3A_339 = tpu.vector_load %arg15[%swap3A_338] {strides = array<i32>} : memref<128xf32, #tpu.memory_space<vmem>>, vector<16xf32>,
      %swap3A_340 = vector.shape_cast %swap3A_339 : vector<16xf32> to vector<16xf32>
      %swap3A_341 = vector.shape_cast %mul3A_337 : vector<16xf32> to vector<16xf32>
      tpu.vector_store %arg15[%swap3A_338], %swap3A_341 {strides = array<i32>} : memref<128xf32, #tpu.memory_space<vmem>>, vector<16xf32>,
      %mul3A_342 = arith.mulf %sub3A_265, %sub3A_256 : vector<16xf32>
      %mul3A_343 = arith.mulf %mul3A_342, %mul3A_329 : vector<16xf32>
      %swap3A_344 = arith.constant 16 : index
      %swap3A_345 = tpu.vector_load %arg16[%swap3A_344] {strides = array<i32>} : memref<128xf32, #tpu.memory_space<vmem>>, vector<16xf32>,
      %swap3A_346 = vector.shape_cast %swap3A_345 : vector<16xf32> to vector<16xf32>
      %swap3A_347 = vector.shape_cast %mul3A_343 : vector<16xf32> to vector<16xf32>
      tpu.vector_store %arg16[%swap3A_344], %swap3A_347 {strides = array<i32>} : memref<128xf32, #tpu.memory_space<vmem>>, vector<16xf32>,
      %mul3A_348 = arith.mulf %sub3A_254, %sub3A_256 : vector<16xf32>
      %mul3A_349 = arith.mulf %mul3A_348, %mul3A_329 : vector<16xf32>
      %swap3A_350 = arith.constant 16 : index
      %swap3A_351 = tpu.vector_load %arg17[%swap3A_350] {strides = array<i32>} : memref<128xf32, #tpu.memory_space<vmem>>, vector<16xf32>,
      %swap3A_352 = vector.shape_cast %swap3A_351 : vector<16xf32> to vector<16xf32>
      %swap3A_353 = vector.shape_cast %mul3A_349 : vector<16xf32> to vector<16xf32>
      tpu.vector_store %arg17[%swap3A_350], %swap3A_353 {strides = array<i32>} : memref<128xf32, #tpu.memory_space<vmem>>, vector<16xf32>,
      %add3A_354 = arith.constant 32 : i32
      %add3A_355 = arith.addi %mul3A_22, %add3A_354 : i32
      %get3A_356 = arith.index_cast %add3A_355 : i32 to index
      %get3A_357 = tpu.vector_load %arg5[%get3A_356] {strides = array<i32>} : memref<2048xf32, #tpu.memory_space<vmem>>, vector<16xf32>,
      %get3A_358 = vector.shape_cast %get3A_357 : vector<16xf32> to vector<16xf32>
      %get3A_359 = arith.index_cast %add3A_355 : i32 to index
      %get3A_360 = tpu.vector_load %arg6[%get3A_359] {strides = array<i32>} : memref<2048xf32, #tpu.memory_space<vmem>>, vector<16xf32>,
      %get3A_361 = vector.shape_cast %get3A_360 : vector<16xf32> to vector<16xf32>
      %get3A_362 = arith.index_cast %add3A_355 : i32 to index
      %get3A_363 = tpu.vector_load %arg7[%get3A_362] {strides = array<i32>} : memref<2048xf32, #tpu.memory_space<vmem>>, vector<16xf32>,
      %get3A_364 = vector.shape_cast %get3A_363 : vector<16xf32> to vector<16xf32>
      %get3A_365 = arith.index_cast %add3A_355 : i32 to index
      %get3A_366 = tpu.vector_load %arg8[%get3A_365] {strides = array<i32>} : memref<2048xf32, #tpu.memory_space<vmem>>, vector<16xf32>,
      %get3A_367 = vector.shape_cast %get3A_366 : vector<16xf32> to vector<16xf32>
      %get3A_368 = arith.index_cast %add3A_355 : i32 to index
      %get3A_369 = tpu.vector_load %arg9[%get3A_368] {strides = array<i32>} : memref<2048xf32, #tpu.memory_space<vmem>>, vector<16xf32>,
      %get3A_370 = vector.shape_cast %get3A_369 : vector<16xf32> to vector<16xf32>
      %add3A_371 = arith.constant 1.000000e+00 : f32
      %add3A_372 = vector.broadcast %add3A_371 : f32 to vector<16xf32>
      %add3A_373 = arith.addf %get3A_358, %add3A_372 : vector<16xf32>
      %mul3A_374 = arith.constant 5.000000e-01 : f32
      %mul3A_375 = vector.broadcast %mul3A_374 : f32 to vector<16xf32>
      %mul3A_376 = arith.mulf %add3A_373, %mul3A_375 : vector<16xf32>
      %mul3A_377 = arith.constant 1.500000e+01 : f32
      %mul3A_378 = vector.broadcast %mul3A_377 : f32 to vector<16xf32>
      %mul3A_379 = arith.mulf %mul3A_376, %mul3A_378 : vector<16xf32>
      %add3A_380 = arith.constant 1.000000e+00 : f32
      %add3A_381 = vector.broadcast %add3A_380 : f32 to vector<16xf32>
      %add3A_382 = arith.addf %get3A_361, %add3A_381 : vector<16xf32>
      %mul3A_383 = arith.constant 5.000000e-01 : f32
      %mul3A_384 = vector.broadcast %mul3A_383 : f32 to vector<16xf32>
      %mul3A_385 = arith.mulf %add3A_382, %mul3A_384 : vector<16xf32>
      %mul3A_386 = arith.constant 1.500000e+01 : f32
      %mul3A_387 = vector.broadcast %mul3A_386 : f32 to vector<16xf32>
      %mul3A_388 = arith.mulf %mul3A_385, %mul3A_387 : vector<16xf32>
      %add3A_389 = arith.constant 1.000000e+00 : f32
      %add3A_390 = vector.broadcast %add3A_389 : f32 to vector<16xf32>
      %add3A_391 = arith.addf %get3A_364, %add3A_390 : vector<16xf32>
      %mul3A_392 = arith.constant 5.000000e-01 : f32
      %mul3A_393 = vector.broadcast %mul3A_392 : f32 to vector<16xf32>
      %mul3A_394 = arith.mulf %add3A_391, %mul3A_393 : vector<16xf32>
      %mul3A_395 = arith.constant 1.500000e+01 : f32
      %mul3A_396 = vector.broadcast %mul3A_395 : f32 to vector<16xf32>
      %mul3A_397 = arith.mulf %mul3A_394, %mul3A_396 : vector<16xf32>
      %add3A_398 = arith.constant 1.000000e+00 : f32
      %add3A_399 = vector.broadcast %add3A_398 : f32 to vector<16xf32>
      %add3A_400 = arith.addf %get3A_367, %add3A_399 : vector<16xf32>
      %mul3A_401 = arith.constant 5.000000e-01 : f32
      %mul3A_402 = vector.broadcast %mul3A_401 : f32 to vector<16xf32>
      %mul3A_403 = arith.mulf %add3A_400, %mul3A_402 : vector<16xf32>
      %mul3A_404 = arith.constant 1.500000e+01 : f32
      %mul3A_405 = vector.broadcast %mul3A_404 : f32 to vector<16xf32>
      %mul3A_406 = arith.mulf %mul3A_403, %mul3A_405 : vector<16xf32>
      %add3A_407 = arith.constant 1.000000e+00 : f32
      %add3A_408 = vector.broadcast %add3A_407 : f32 to vector<16xf32>
      %add3A_409 = arith.addf %get3A_370, %add3A_408 : vector<16xf32>
      %mul3A_410 = arith.constant 5.000000e-01 : f32
      %mul3A_411 = vector.broadcast %mul3A_410 : f32 to vector<16xf32>
      %mul3A_412 = arith.mulf %add3A_409, %mul3A_411 : vector<16xf32>
      %mul3A_413 = arith.constant 1.500000e+01 : f32
      %mul3A_414 = vector.broadcast %mul3A_413 : f32 to vector<16xf32>
      %mul3A_415 = arith.mulf %mul3A_412, %mul3A_414 : vector<16xf32>
      %convert_element_type3A_416 = arith.fptosi %mul3A_379 : vector<16xf32> to vector<16xi32>
      %convert_element_type3A_417 = arith.fptosi %mul3A_388 : vector<16xf32> to vector<16xi32>
      %convert_element_type3A_418 = arith.fptosi %mul3A_397 : vector<16xf32> to vector<16xi32>
      %convert_element_type3A_419 = arith.fptosi %mul3A_406 : vector<16xf32> to vector<16xi32>
      %convert_element_type3A_420 = arith.fptosi %mul3A_415 : vector<16xf32> to vector<16xi32>
      %convert_element_type3A_421 = arith.sitofp %convert_element_type3A_416 : vector<16xi32> to vector<16xf32>
      %sub3A_422 = arith.subf %mul3A_379, %convert_element_type3A_421 : vector<16xf32>
      %convert_element_type3A_423 = arith.sitofp %convert_element_type3A_417 : vector<16xi32> to vector<16xf32>
      %sub3A_424 = arith.subf %mul3A_388, %convert_element_type3A_423 : vector<16xf32>
      %convert_element_type3A_425 = arith.sitofp %convert_element_type3A_418 : vector<16xi32> to vector<16xf32>
      %sub3A_426 = arith.subf %mul3A_397, %convert_element_type3A_425 : vector<16xf32>
      %convert_element_type3A_427 = arith.sitofp %convert_element_type3A_419 : vector<16xi32> to vector<16xf32>
      %sub3A_428 = arith.subf %mul3A_406, %convert_element_type3A_427 : vector<16xf32>
      %convert_element_type3A_429 = arith.sitofp %convert_element_type3A_420 : vector<16xi32> to vector<16xf32>
      %sub3A_430 = arith.subf %mul3A_415, %convert_element_type3A_429 : vector<16xf32>
      %sub3A_431 = arith.constant 1.000000e+00 : f32
      %sub3A_432 = vector.broadcast %sub3A_431 : f32 to vector<16xf32>
      %sub3A_433 = arith.subf %sub3A_432, %sub3A_422 : vector<16xf32>
      %sub3A_434 = arith.constant 1.000000e+00 : f32
      %sub3A_435 = vector.broadcast %sub3A_434 : f32 to vector<16xf32>
      %sub3A_436 = arith.subf %sub3A_435, %sub3A_424 : vector<16xf32>
      %sub3A_437 = arith.constant 1.000000e+00 : f32
      %sub3A_438 = vector.broadcast %sub3A_437 : f32 to vector<16xf32>
      %sub3A_439 = arith.subf %sub3A_438, %sub3A_426 : vector<16xf32>
      %sub3A_440 = arith.constant 1.000000e+00 : f32
      %sub3A_441 = vector.broadcast %sub3A_440 : f32 to vector<16xf32>
      %sub3A_442 = arith.subf %sub3A_441, %sub3A_428 : vector<16xf32>
      %sub3A_443 = arith.constant 1.000000e+00 : f32
      %sub3A_444 = vector.broadcast %sub3A_443 : f32 to vector<16xf32>
      %sub3A_445 = arith.subf %sub3A_444, %sub3A_430 : vector<16xf32>
      %mul3A_446 = arith.constant 65536 : i32
      %mul3A_447 = vector.broadcast %mul3A_446 : i32 to vector<16xi32>
      %mul3A_448 = arith.muli %convert_element_type3A_416, %mul3A_447 : vector<16xi32>
      %mul3A_449 = arith.constant 4096 : i32
      %mul3A_450 = vector.broadcast %mul3A_449 : i32 to vector<16xi32>
      %mul3A_451 = arith.muli %convert_element_type3A_417, %mul3A_450 : vector<16xi32>
      %add3A_452 = arith.addi %mul3A_448, %mul3A_451 : vector<16xi32>
      %mul3A_453 = arith.constant 256 : i32
      %mul3A_454 = vector.broadcast %mul3A_453 : i32 to vector<16xi32>
      %mul3A_455 = arith.muli %convert_element_type3A_418, %mul3A_454 : vector<16xi32>
      %add3A_456 = arith.addi %add3A_452, %mul3A_455 : vector<16xi32>
      %mul3A_457 = arith.constant 16 : i32
      %mul3A_458 = vector.broadcast %mul3A_457 : i32 to vector<16xi32>
      %mul3A_459 = arith.muli %convert_element_type3A_419, %mul3A_458 : vector<16xi32>
      %add3A_460 = arith.addi %add3A_456, %mul3A_459 : vector<16xi32>
      %add3A_461 = arith.addi %add3A_460, %convert_element_type3A_420 : vector<16xi32>
      %swap3A_462 = arith.constant 32 : index
      %swap3A_463 = tpu.vector_load %arg10[%swap3A_462] {strides = array<i32>} : memref<128xi32, #tpu.memory_space<vmem>>, vector<16xi32>,
      %swap3A_464 = vector.shape_cast %swap3A_463 : vector<16xi32> to vector<16xi32>
      %swap3A_465 = vector.shape_cast %add3A_461 : vector<16xi32> to vector<16xi32>
      tpu.vector_store %arg10[%swap3A_462], %swap3A_465 {strides = array<i32>} : memref<128xi32, #tpu.memory_space<vmem>>, vector<16xi32>,
      %add3A_466 = arith.constant 65536 : i32
      %add3A_467 = vector.broadcast %add3A_466 : i32 to vector<16xi32>
      %add3A_468 = arith.addi %add3A_461, %add3A_467 : vector<16xi32>
      %min3A_469 = arith.constant 1048575 : i32
      %min3A_470 = vector.broadcast %min3A_469 : i32 to vector<16xi32>
      %min3A_471 = arith.minsi %add3A_468, %min3A_470 : vector<16xi32>
      %swap3A_472 = arith.constant 32 : index
      %swap3A_473 = tpu.vector_load %arg11[%swap3A_472] {strides = array<i32>} : memref<128xi32, #tpu.memory_space<vmem>>, vector<16xi32>,
      %swap3A_474 = vector.shape_cast %swap3A_473 : vector<16xi32> to vector<16xi32>
      %swap3A_475 = vector.shape_cast %min3A_471 : vector<16xi32> to vector<16xi32>
      tpu.vector_store %arg11[%swap3A_472], %swap3A_475 {strides = array<i32>} : memref<128xi32, #tpu.memory_space<vmem>>, vector<16xi32>,
      %add3A_476 = arith.constant 4096 : i32
      %add3A_477 = vector.broadcast %add3A_476 : i32 to vector<16xi32>
      %add3A_478 = arith.addi %add3A_461, %add3A_477 : vector<16xi32>
      %min3A_479 = arith.constant 1048575 : i32
      %min3A_480 = vector.broadcast %min3A_479 : i32 to vector<16xi32>
      %min3A_481 = arith.minsi %add3A_478, %min3A_480 : vector<16xi32>
      %swap3A_482 = arith.constant 32 : index
      %swap3A_483 = tpu.vector_load %arg12[%swap3A_482] {strides = array<i32>} : memref<128xi32, #tpu.memory_space<vmem>>, vector<16xi32>,
      %swap3A_484 = vector.shape_cast %swap3A_483 : vector<16xi32> to vector<16xi32>
      %swap3A_485 = vector.shape_cast %min3A_481 : vector<16xi32> to vector<16xi32>
      tpu.vector_store %arg12[%swap3A_482], %swap3A_485 {strides = array<i32>} : memref<128xi32, #tpu.memory_space<vmem>>, vector<16xi32>,
      %add3A_486 = arith.constant 69632 : i32
      %add3A_487 = vector.broadcast %add3A_486 : i32 to vector<16xi32>
      %add3A_488 = arith.addi %add3A_461, %add3A_487 : vector<16xi32>
      %min3A_489 = arith.constant 1048575 : i32
      %min3A_490 = vector.broadcast %min3A_489 : i32 to vector<16xi32>
      %min3A_491 = arith.minsi %add3A_488, %min3A_490 : vector<16xi32>
      %swap3A_492 = arith.constant 32 : index
      %swap3A_493 = tpu.vector_load %arg13[%swap3A_492] {strides = array<i32>} : memref<128xi32, #tpu.memory_space<vmem>>, vector<16xi32>,
      %swap3A_494 = vector.shape_cast %swap3A_493 : vector<16xi32> to vector<16xi32>
      %swap3A_495 = vector.shape_cast %min3A_491 : vector<16xi32> to vector<16xi32>
      tpu.vector_store %arg13[%swap3A_492], %swap3A_495 {strides = array<i32>} : memref<128xi32, #tpu.memory_space<vmem>>, vector<16xi32>,
      %mul3A_496 = arith.mulf %sub3A_439, %sub3A_442 : vector<16xf32>
      %mul3A_497 = arith.mulf %mul3A_496, %sub3A_445 : vector<16xf32>
      %mul3A_498 = arith.mulf %sub3A_433, %sub3A_436 : vector<16xf32>
      %mul3A_499 = arith.mulf %mul3A_498, %mul3A_497 : vector<16xf32>
      %swap3A_500 = arith.constant 32 : index
      %swap3A_501 = tpu.vector_load %arg14[%swap3A_500] {strides = array<i32>} : memref<128xf32, #tpu.memory_space<vmem>>, vector<16xf32>,
      %swap3A_502 = vector.shape_cast %swap3A_501 : vector<16xf32> to vector<16xf32>
      %swap3A_503 = vector.shape_cast %mul3A_499 : vector<16xf32> to vector<16xf32>
      tpu.vector_store %arg14[%swap3A_500], %swap3A_503 {strides = array<i32>} : memref<128xf32, #tpu.memory_space<vmem>>, vector<16xf32>,
      %mul3A_504 = arith.mulf %sub3A_422, %sub3A_436 : vector<16xf32>
      %mul3A_505 = arith.mulf %mul3A_504, %mul3A_497 : vector<16xf32>
      %swap3A_506 = arith.constant 32 : index
      %swap3A_507 = tpu.vector_load %arg15[%swap3A_506] {strides = array<i32>} : memref<128xf32, #tpu.memory_space<vmem>>, vector<16xf32>,
      %swap3A_508 = vector.shape_cast %swap3A_507 : vector<16xf32> to vector<16xf32>
      %swap3A_509 = vector.shape_cast %mul3A_505 : vector<16xf32> to vector<16xf32>
      tpu.vector_store %arg15[%swap3A_506], %swap3A_509 {strides = array<i32>} : memref<128xf32, #tpu.memory_space<vmem>>, vector<16xf32>,
      %mul3A_510 = arith.mulf %sub3A_433, %sub3A_424 : vector<16xf32>
      %mul3A_511 = arith.mulf %mul3A_510, %mul3A_497 : vector<16xf32>
      %swap3A_512 = arith.constant 32 : index
      %swap3A_513 = tpu.vector_load %arg16[%swap3A_512] {strides = array<i32>} : memref<128xf32, #tpu.memory_space<vmem>>, vector<16xf32>,
      %swap3A_514 = vector.shape_cast %swap3A_513 : vector<16xf32> to vector<16xf32>
      %swap3A_515 = vector.shape_cast %mul3A_511 : vector<16xf32> to vector<16xf32>
      tpu.vector_store %arg16[%swap3A_512], %swap3A_515 {strides = array<i32>} : memref<128xf32, #tpu.memory_space<vmem>>, vector<16xf32>,
      %mul3A_516 = arith.mulf %sub3A_422, %sub3A_424 : vector<16xf32>
      %mul3A_517 = arith.mulf %mul3A_516, %mul3A_497 : vector<16xf32>
      %swap3A_518 = arith.constant 32 : index
      %swap3A_519 = tpu.vector_load %arg17[%swap3A_518] {strides = array<i32>} : memref<128xf32, #tpu.memory_space<vmem>>, vector<16xf32>,
      %swap3A_520 = vector.shape_cast %swap3A_519 : vector<16xf32> to vector<16xf32>
      %swap3A_521 = vector.shape_cast %mul3A_517 : vector<16xf32> to vector<16xf32>
      tpu.vector_store %arg17[%swap3A_518], %swap3A_521 {strides = array<i32>} : memref<128xf32, #tpu.memory_space<vmem>>, vector<16xf32>,
      %add3A_522 = arith.constant 48 : i32
      %add3A_523 = arith.addi %mul3A_22, %add3A_522 : i32
      %get3A_524 = arith.index_cast %add3A_523 : i32 to index
      %get3A_525 = tpu.vector_load %arg5[%get3A_524] {strides = array<i32>} : memref<2048xf32, #tpu.memory_space<vmem>>, vector<16xf32>,
      %get3A_526 = vector.shape_cast %get3A_525 : vector<16xf32> to vector<16xf32>
      %get3A_527 = arith.index_cast %add3A_523 : i32 to index
      %get3A_528 = tpu.vector_load %arg6[%get3A_527] {strides = array<i32>} : memref<2048xf32, #tpu.memory_space<vmem>>, vector<16xf32>,
      %get3A_529 = vector.shape_cast %get3A_528 : vector<16xf32> to vector<16xf32>
      %get3A_530 = arith.index_cast %add3A_523 : i32 to index
      %get3A_531 = tpu.vector_load %arg7[%get3A_530] {strides = array<i32>} : memref<2048xf32, #tpu.memory_space<vmem>>, vector<16xf32>,
      %get3A_532 = vector.shape_cast %get3A_531 : vector<16xf32> to vector<16xf32>
      %get3A_533 = arith.index_cast %add3A_523 : i32 to index
      %get3A_534 = tpu.vector_load %arg8[%get3A_533] {strides = array<i32>} : memref<2048xf32, #tpu.memory_space<vmem>>, vector<16xf32>,
      %get3A_535 = vector.shape_cast %get3A_534 : vector<16xf32> to vector<16xf32>
      %get3A_536 = arith.index_cast %add3A_523 : i32 to index
      %get3A_537 = tpu.vector_load %arg9[%get3A_536] {strides = array<i32>} : memref<2048xf32, #tpu.memory_space<vmem>>, vector<16xf32>,
      %get3A_538 = vector.shape_cast %get3A_537 : vector<16xf32> to vector<16xf32>
      %add3A_539 = arith.constant 1.000000e+00 : f32
      %add3A_540 = vector.broadcast %add3A_539 : f32 to vector<16xf32>
      %add3A_541 = arith.addf %get3A_526, %add3A_540 : vector<16xf32>
      %mul3A_542 = arith.constant 5.000000e-01 : f32
      %mul3A_543 = vector.broadcast %mul3A_542 : f32 to vector<16xf32>
      %mul3A_544 = arith.mulf %add3A_541, %mul3A_543 : vector<16xf32>
      %mul3A_545 = arith.constant 1.500000e+01 : f32
      %mul3A_546 = vector.broadcast %mul3A_545 : f32 to vector<16xf32>
      %mul3A_547 = arith.mulf %mul3A_544, %mul3A_546 : vector<16xf32>
      %add3A_548 = arith.constant 1.000000e+00 : f32
      %add3A_549 = vector.broadcast %add3A_548 : f32 to vector<16xf32>
      %add3A_550 = arith.addf %get3A_529, %add3A_549 : vector<16xf32>
      %mul3A_551 = arith.constant 5.000000e-01 : f32
      %mul3A_552 = vector.broadcast %mul3A_551 : f32 to vector<16xf32>
      %mul3A_553 = arith.mulf %add3A_550, %mul3A_552 : vector<16xf32>
      %mul3A_554 = arith.constant 1.500000e+01 : f32
      %mul3A_555 = vector.broadcast %mul3A_554 : f32 to vector<16xf32>
      %mul3A_556 = arith.mulf %mul3A_553, %mul3A_555 : vector<16xf32>
      %add3A_557 = arith.constant 1.000000e+00 : f32
      %add3A_558 = vector.broadcast %add3A_557 : f32 to vector<16xf32>
      %add3A_559 = arith.addf %get3A_532, %add3A_558 : vector<16xf32>
      %mul3A_560 = arith.constant 5.000000e-01 : f32
      %mul3A_561 = vector.broadcast %mul3A_560 : f32 to vector<16xf32>
      %mul3A_562 = arith.mulf %add3A_559, %mul3A_561 : vector<16xf32>
      %mul3A_563 = arith.constant 1.500000e+01 : f32
      %mul3A_564 = vector.broadcast %mul3A_563 : f32 to vector<16xf32>
      %mul3A_565 = arith.mulf %mul3A_562, %mul3A_564 : vector<16xf32>
      %add3A_566 = arith.constant 1.000000e+00 : f32
      %add3A_567 = vector.broadcast %add3A_566 : f32 to vector<16xf32>
      %add3A_568 = arith.addf %get3A_535, %add3A_567 : vector<16xf32>
      %mul3A_569 = arith.constant 5.000000e-01 : f32
      %mul3A_570 = vector.broadcast %mul3A_569 : f32 to vector<16xf32>
      %mul3A_571 = arith.mulf %add3A_568, %mul3A_570 : vector<16xf32>
      %mul3A_572 = arith.constant 1.500000e+01 : f32
      %mul3A_573 = vector.broadcast %mul3A_572 : f32 to vector<16xf32>
      %mul3A_574 = arith.mulf %mul3A_571, %mul3A_573 : vector<16xf32>
      %add3A_575 = arith.constant 1.000000e+00 : f32
      %add3A_576 = vector.broadcast %add3A_575 : f32 to vector<16xf32>
      %add3A_577 = arith.addf %get3A_538, %add3A_576 : vector<16xf32>
      %mul3A_578 = arith.constant 5.000000e-01 : f32
      %mul3A_579 = vector.broadcast %mul3A_578 : f32 to vector<16xf32>
      %mul3A_580 = arith.mulf %add3A_577, %mul3A_579 : vector<16xf32>
      %mul3A_581 = arith.constant 1.500000e+01 : f32
      %mul3A_582 = vector.broadcast %mul3A_581 : f32 to vector<16xf32>
      %mul3A_583 = arith.mulf %mul3A_580, %mul3A_582 : vector<16xf32>
      %convert_element_type3A_584 = arith.fptosi %mul3A_547 : vector<16xf32> to vector<16xi32>
      %convert_element_type3A_585 = arith.fptosi %mul3A_556 : vector<16xf32> to vector<16xi32>
      %convert_element_type3A_586 = arith.fptosi %mul3A_565 : vector<16xf32> to vector<16xi32>
      %convert_element_type3A_587 = arith.fptosi %mul3A_574 : vector<16xf32> to vector<16xi32>
      %convert_element_type3A_588 = arith.fptosi %mul3A_583 : vector<16xf32> to vector<16xi32>
      %convert_element_type3A_589 = arith.sitofp %convert_element_type3A_584 : vector<16xi32> to vector<16xf32>
      %sub3A_590 = arith.subf %mul3A_547, %convert_element_type3A_589 : vector<16xf32>
      %convert_element_type3A_591 = arith.sitofp %convert_element_type3A_585 : vector<16xi32> to vector<16xf32>
      %sub3A_592 = arith.subf %mul3A_556, %convert_element_type3A_591 : vector<16xf32>
      %convert_element_type3A_593 = arith.sitofp %convert_element_type3A_586 : vector<16xi32> to vector<16xf32>
      %sub3A_594 = arith.subf %mul3A_565, %convert_element_type3A_593 : vector<16xf32>
      %convert_element_type3A_595 = arith.sitofp %convert_element_type3A_587 : vector<16xi32> to vector<16xf32>
      %sub3A_596 = arith.subf %mul3A_574, %convert_element_type3A_595 : vector<16xf32>
      %convert_element_type3A_597 = arith.sitofp %convert_element_type3A_588 : vector<16xi32> to vector<16xf32>
      %sub3A_598 = arith.subf %mul3A_583, %convert_element_type3A_597 : vector<16xf32>
      %sub3A_599 = arith.constant 1.000000e+00 : f32
      %sub3A_600 = vector.broadcast %sub3A_599 : f32 to vector<16xf32>
      %sub3A_601 = arith.subf %sub3A_600, %sub3A_590 : vector<16xf32>
      %sub3A_602 = arith.constant 1.000000e+00 : f32
      %sub3A_603 = vector.broadcast %sub3A_602 : f32 to vector<16xf32>
      %sub3A_604 = arith.subf %sub3A_603, %sub3A_592 : vector<16xf32>
      %sub3A_605 = arith.constant 1.000000e+00 : f32
      %sub3A_606 = vector.broadcast %sub3A_605 : f32 to vector<16xf32>
      %sub3A_607 = arith.subf %sub3A_606, %sub3A_594 : vector<16xf32>
      %sub3A_608 = arith.constant 1.000000e+00 : f32
      %sub3A_609 = vector.broadcast %sub3A_608 : f32 to vector<16xf32>
      %sub3A_610 = arith.subf %sub3A_609, %sub3A_596 : vector<16xf32>
      %sub3A_611 = arith.constant 1.000000e+00 : f32
      %sub3A_612 = vector.broadcast %sub3A_611 : f32 to vector<16xf32>
      %sub3A_613 = arith.subf %sub3A_612, %sub3A_598 : vector<16xf32>
      %mul3A_614 = arith.constant 65536 : i32
      %mul3A_615 = vector.broadcast %mul3A_614 : i32 to vector<16xi32>
      %mul3A_616 = arith.muli %convert_element_type3A_584, %mul3A_615 : vector<16xi32>
      %mul3A_617 = arith.constant 4096 : i32
      %mul3A_618 = vector.broadcast %mul3A_617 : i32 to vector<16xi32>
      %mul3A_619 = arith.muli %convert_element_type3A_585, %mul3A_618 : vector<16xi32>
      %add3A_620 = arith.addi %mul3A_616, %mul3A_619 : vector<16xi32>
      %mul3A_621 = arith.constant 256 : i32
      %mul3A_622 = vector.broadcast %mul3A_621 : i32 to vector<16xi32>
      %mul3A_623 = arith.muli %convert_element_type3A_586, %mul3A_622 : vector<16xi32>
      %add3A_624 = arith.addi %add3A_620, %mul3A_623 : vector<16xi32>
      %mul3A_625 = arith.constant 16 : i32
      %mul3A_626 = vector.broadcast %mul3A_625 : i32 to vector<16xi32>
      %mul3A_627 = arith.muli %convert_element_type3A_587, %mul3A_626 : vector<16xi32>
      %add3A_628 = arith.addi %add3A_624, %mul3A_627 : vector<16xi32>
      %add3A_629 = arith.addi %add3A_628, %convert_element_type3A_588 : vector<16xi32>
      %swap3A_630 = arith.constant 48 : index
      %swap3A_631 = tpu.vector_load %arg10[%swap3A_630] {strides = array<i32>} : memref<128xi32, #tpu.memory_space<vmem>>, vector<16xi32>,
      %swap3A_632 = vector.shape_cast %swap3A_631 : vector<16xi32> to vector<16xi32>
      %swap3A_633 = vector.shape_cast %add3A_629 : vector<16xi32> to vector<16xi32>
      tpu.vector_store %arg10[%swap3A_630], %swap3A_633 {strides = array<i32>} : memref<128xi32, #tpu.memory_space<vmem>>, vector<16xi32>,
      %add3A_634 = arith.constant 65536 : i32
      %add3A_635 = vector.broadcast %add3A_634 : i32 to vector<16xi32>
      %add3A_636 = arith.addi %add3A_629, %add3A_635 : vector<16xi32>
      %min3A_637 = arith.constant 1048575 : i32
      %min3A_638 = vector.broadcast %min3A_637 : i32 to vector<16xi32>
      %min3A_639 = arith.minsi %add3A_636, %min3A_638 : vector<16xi32>
      %swap3A_640 = arith.constant 48 : index
      %swap3A_641 = tpu.vector_load %arg11[%swap3A_640] {strides = array<i32>} : memref<128xi32, #tpu.memory_space<vmem>>, vector<16xi32>,
      %swap3A_642 = vector.shape_cast %swap3A_641 : vector<16xi32> to vector<16xi32>
      %swap3A_643 = vector.shape_cast %min3A_639 : vector<16xi32> to vector<16xi32>
      tpu.vector_store %arg11[%swap3A_640], %swap3A_643 {strides = array<i32>} : memref<128xi32, #tpu.memory_space<vmem>>, vector<16xi32>,
      %add3A_644 = arith.constant 4096 : i32
      %add3A_645 = vector.broadcast %add3A_644 : i32 to vector<16xi32>
      %add3A_646 = arith.addi %add3A_629, %add3A_645 : vector<16xi32>
      %min3A_647 = arith.constant 1048575 : i32
      %min3A_648 = vector.broadcast %min3A_647 : i32 to vector<16xi32>
      %min3A_649 = arith.minsi %add3A_646, %min3A_648 : vector<16xi32>
      %swap3A_650 = arith.constant 48 : index
      %swap3A_651 = tpu.vector_load %arg12[%swap3A_650] {strides = array<i32>} : memref<128xi32, #tpu.memory_space<vmem>>, vector<16xi32>,
      %swap3A_652 = vector.shape_cast %swap3A_651 : vector<16xi32> to vector<16xi32>
      %swap3A_653 = vector.shape_cast %min3A_649 : vector<16xi32> to vector<16xi32>
      tpu.vector_store %arg12[%swap3A_650], %swap3A_653 {strides = array<i32>} : memref<128xi32, #tpu.memory_space<vmem>>, vector<16xi32>,
      %add3A_654 = arith.constant 69632 : i32
      %add3A_655 = vector.broadcast %add3A_654 : i32 to vector<16xi32>
      %add3A_656 = arith.addi %add3A_629, %add3A_655 : vector<16xi32>
      %min3A_657 = arith.constant 1048575 : i32
      %min3A_658 = vector.broadcast %min3A_657 : i32 to vector<16xi32>
      %min3A_659 = arith.minsi %add3A_656, %min3A_658 : vector<16xi32>
      %swap3A_660 = arith.constant 48 : index
      %swap3A_661 = tpu.vector_load %arg13[%swap3A_660] {strides = array<i32>} : memref<128xi32, #tpu.memory_space<vmem>>, vector<16xi32>,
      %swap3A_662 = vector.shape_cast %swap3A_661 : vector<16xi32> to vector<16xi32>
      %swap3A_663 = vector.shape_cast %min3A_659 : vector<16xi32> to vector<16xi32>
      tpu.vector_store %arg13[%swap3A_660], %swap3A_663 {strides = array<i32>} : memref<128xi32, #tpu.memory_space<vmem>>, vector<16xi32>,
      %mul3A_664 = arith.mulf %sub3A_607, %sub3A_610 : vector<16xf32>
      %mul3A_665 = arith.mulf %mul3A_664, %sub3A_613 : vector<16xf32>
      %mul3A_666 = arith.mulf %sub3A_601, %sub3A_604 : vector<16xf32>
      %mul3A_667 = arith.mulf %mul3A_666, %mul3A_665 : vector<16xf32>
      %swap3A_668 = arith.constant 48 : index
      %swap3A_669 = tpu.vector_load %arg14[%swap3A_668] {strides = array<i32>} : memref<128xf32, #tpu.memory_space<vmem>>, vector<16xf32>,
      %swap3A_670 = vector.shape_cast %swap3A_669 : vector<16xf32> to vector<16xf32>
      %swap3A_671 = vector.shape_cast %mul3A_667 : vector<16xf32> to vector<16xf32>
      tpu.vector_store %arg14[%swap3A_668], %swap3A_671 {strides = array<i32>} : memref<128xf32, #tpu.memory_space<vmem>>, vector<16xf32>,
      %mul3A_672 = arith.mulf %sub3A_590, %sub3A_604 : vector<16xf32>
      %mul3A_673 = arith.mulf %mul3A_672, %mul3A_665 : vector<16xf32>
      %swap3A_674 = arith.constant 48 : index
      %swap3A_675 = tpu.vector_load %arg15[%swap3A_674] {strides = array<i32>} : memref<128xf32, #tpu.memory_space<vmem>>, vector<16xf32>,
      %swap3A_676 = vector.shape_cast %swap3A_675 : vector<16xf32> to vector<16xf32>
      %swap3A_677 = vector.shape_cast %mul3A_673 : vector<16xf32> to vector<16xf32>
      tpu.vector_store %arg15[%swap3A_674], %swap3A_677 {strides = array<i32>} : memref<128xf32, #tpu.memory_space<vmem>>, vector<16xf32>,
      %mul3A_678 = arith.mulf %sub3A_601, %sub3A_592 : vector<16xf32>
      %mul3A_679 = arith.mulf %mul3A_678, %mul3A_665 : vector<16xf32>
      %swap3A_680 = arith.constant 48 : index
      %swap3A_681 = tpu.vector_load %arg16[%swap3A_680] {strides = array<i32>} : memref<128xf32, #tpu.memory_space<vmem>>, vector<16xf32>,
      %swap3A_682 = vector.shape_cast %swap3A_681 : vector<16xf32> to vector<16xf32>
      %swap3A_683 = vector.shape_cast %mul3A_679 : vector<16xf32> to vector<16xf32>
      tpu.vector_store %arg16[%swap3A_680], %swap3A_683 {strides = array<i32>} : memref<128xf32, #tpu.memory_space<vmem>>, vector<16xf32>,
      %mul3A_684 = arith.mulf %sub3A_590, %sub3A_592 : vector<16xf32>
      %mul3A_685 = arith.mulf %mul3A_684, %mul3A_665 : vector<16xf32>
      %swap3A_686 = arith.constant 48 : index
      %swap3A_687 = tpu.vector_load %arg17[%swap3A_686] {strides = array<i32>} : memref<128xf32, #tpu.memory_space<vmem>>, vector<16xf32>,
      %swap3A_688 = vector.shape_cast %swap3A_687 : vector<16xf32> to vector<16xf32>
      %swap3A_689 = vector.shape_cast %mul3A_685 : vector<16xf32> to vector<16xf32>
      tpu.vector_store %arg17[%swap3A_686], %swap3A_689 {strides = array<i32>} : memref<128xf32, #tpu.memory_space<vmem>>, vector<16xf32>,
      %add3A_690 = arith.constant 64 : i32
      %add3A_691 = arith.addi %mul3A_22, %add3A_690 : i32
      %get3A_692 = arith.index_cast %add3A_691 : i32 to index
      %get3A_693 = tpu.vector_load %arg5[%get3A_692] {strides = array<i32>} : memref<2048xf32, #tpu.memory_space<vmem>>, vector<16xf32>,
      %get3A_694 = vector.shape_cast %get3A_693 : vector<16xf32> to vector<16xf32>
      %get3A_695 = arith.index_cast %add3A_691 : i32 to index
      %get3A_696 = tpu.vector_load %arg6[%get3A_695] {strides = array<i32>} : memref<2048xf32, #tpu.memory_space<vmem>>, vector<16xf32>,
      %get3A_697 = vector.shape_cast %get3A_696 : vector<16xf32> to vector<16xf32>
      %get3A_698 = arith.index_cast %add3A_691 : i32 to index
      %get3A_699 = tpu.vector_load %arg7[%get3A_698] {strides = array<i32>} : memref<2048xf32, #tpu.memory_space<vmem>>, vector<16xf32>,
      %get3A_700 = vector.shape_cast %get3A_699 : vector<16xf32> to vector<16xf32>
      %get3A_701 = arith.index_cast %add3A_691 : i32 to index
      %get3A_702 = tpu.vector_load %arg8[%get3A_701] {strides = array<i32>} : memref<2048xf32, #tpu.memory_space<vmem>>, vector<16xf32>,
      %get3A_703 = vector.shape_cast %get3A_702 : vector<16xf32> to vector<16xf32>
      %get3A_704 = arith.index_cast %add3A_691 : i32 to index
      %get3A_705 = tpu.vector_load %arg9[%get3A_704] {strides = array<i32>} : memref<2048xf32, #tpu.memory_space<vmem>>, vector<16xf32>,
      %get3A_706 = vector.shape_cast %get3A_705 : vector<16xf32> to vector<16xf32>
      %add3A_707 = arith.constant 1.000000e+00 : f32
      %add3A_708 = vector.broadcast %add3A_707 : f32 to vector<16xf32>
      %add3A_709 = arith.addf %get3A_694, %add3A_708 : vector<16xf32>
      %mul3A_710 = arith.constant 5.000000e-01 : f32
      %mul3A_711 = vector.broadcast %mul3A_710 : f32 to vector<16xf32>
      %mul3A_712 = arith.mulf %add3A_709, %mul3A_711 : vector<16xf32>
      %mul3A_713 = arith.constant 1.500000e+01 : f32
      %mul3A_714 = vector.broadcast %mul3A_713 : f32 to vector<16xf32>
      %mul3A_715 = arith.mulf %mul3A_712, %mul3A_714 : vector<16xf32>
      %add3A_716 = arith.constant 1.000000e+00 : f32
      %add3A_717 = vector.broadcast %add3A_716 : f32 to vector<16xf32>
      %add3A_718 = arith.addf %get3A_697, %add3A_717 : vector<16xf32>
      %mul3A_719 = arith.constant 5.000000e-01 : f32
      %mul3A_720 = vector.broadcast %mul3A_719 : f32 to vector<16xf32>
      %mul3A_721 = arith.mulf %add3A_718, %mul3A_720 : vector<16xf32>
      %mul3A_722 = arith.constant 1.500000e+01 : f32
      %mul3A_723 = vector.broadcast %mul3A_722 : f32 to vector<16xf32>
      %mul3A_724 = arith.mulf %mul3A_721, %mul3A_723 : vector<16xf32>
      %add3A_725 = arith.constant 1.000000e+00 : f32
      %add3A_726 = vector.broadcast %add3A_725 : f32 to vector<16xf32>
      %add3A_727 = arith.addf %get3A_700, %add3A_726 : vector<16xf32>
      %mul3A_728 = arith.constant 5.000000e-01 : f32
      %mul3A_729 = vector.broadcast %mul3A_728 : f32 to vector<16xf32>
      %mul3A_730 = arith.mulf %add3A_727, %mul3A_729 : vector<16xf32>
      %mul3A_731 = arith.constant 1.500000e+01 : f32
      %mul3A_732 = vector.broadcast %mul3A_731 : f32 to vector<16xf32>
      %mul3A_733 = arith.mulf %mul3A_730, %mul3A_732 : vector<16xf32>
      %add3A_734 = arith.constant 1.000000e+00 : f32
      %add3A_735 = vector.broadcast %add3A_734 : f32 to vector<16xf32>
      %add3A_736 = arith.addf %get3A_703, %add3A_735 : vector<16xf32>
      %mul3A_737 = arith.constant 5.000000e-01 : f32
      %mul3A_738 = vector.broadcast %mul3A_737 : f32 to vector<16xf32>
      %mul3A_739 = arith.mulf %add3A_736, %mul3A_738 : vector<16xf32>
      %mul3A_740 = arith.constant 1.500000e+01 : f32
      %mul3A_741 = vector.broadcast %mul3A_740 : f32 to vector<16xf32>
      %mul3A_742 = arith.mulf %mul3A_739, %mul3A_741 : vector<16xf32>
      %add3A_743 = arith.constant 1.000000e+00 : f32
      %add3A_744 = vector.broadcast %add3A_743 : f32 to vector<16xf32>
      %add3A_745 = arith.addf %get3A_706, %add3A_744 : vector<16xf32>
      %mul3A_746 = arith.constant 5.000000e-01 : f32
      %mul3A_747 = vector.broadcast %mul3A_746 : f32 to vector<16xf32>
      %mul3A_748 = arith.mulf %add3A_745, %mul3A_747 : vector<16xf32>
      %mul3A_749 = arith.constant 1.500000e+01 : f32
      %mul3A_750 = vector.broadcast %mul3A_749 : f32 to vector<16xf32>
      %mul3A_751 = arith.mulf %mul3A_748, %mul3A_750 : vector<16xf32>
      %convert_element_type3A_752 = arith.fptosi %mul3A_715 : vector<16xf32> to vector<16xi32>
      %convert_element_type3A_753 = arith.fptosi %mul3A_724 : vector<16xf32> to vector<16xi32>
      %convert_element_type3A_754 = arith.fptosi %mul3A_733 : vector<16xf32> to vector<16xi32>
      %convert_element_type3A_755 = arith.fptosi %mul3A_742 : vector<16xf32> to vector<16xi32>
      %convert_element_type3A_756 = arith.fptosi %mul3A_751 : vector<16xf32> to vector<16xi32>
      %convert_element_type3A_757 = arith.sitofp %convert_element_type3A_752 : vector<16xi32> to vector<16xf32>
      %sub3A_758 = arith.subf %mul3A_715, %convert_element_type3A_757 : vector<16xf32>
      %convert_element_type3A_759 = arith.sitofp %convert_element_type3A_753 : vector<16xi32> to vector<16xf32>
      %sub3A_760 = arith.subf %mul3A_724, %convert_element_type3A_759 : vector<16xf32>
      %convert_element_type3A_761 = arith.sitofp %convert_element_type3A_754 : vector<16xi32> to vector<16xf32>
      %sub3A_762 = arith.subf %mul3A_733, %convert_element_type3A_761 : vector<16xf32>
      %convert_element_type3A_763 = arith.sitofp %convert_element_type3A_755 : vector<16xi32> to vector<16xf32>
      %sub3A_764 = arith.subf %mul3A_742, %convert_element_type3A_763 : vector<16xf32>
      %convert_element_type3A_765 = arith.sitofp %convert_element_type3A_756 : vector<16xi32> to vector<16xf32>
      %sub3A_766 = arith.subf %mul3A_751, %convert_element_type3A_765 : vector<16xf32>
      %sub3A_767 = arith.constant 1.000000e+00 : f32
      %sub3A_768 = vector.broadcast %sub3A_767 : f32 to vector<16xf32>
      %sub3A_769 = arith.subf %sub3A_768, %sub3A_758 : vector<16xf32>
      %sub3A_770 = arith.constant 1.000000e+00 : f32
      %sub3A_771 = vector.broadcast %sub3A_770 : f32 to vector<16xf32>
      %sub3A_772 = arith.subf %sub3A_771, %sub3A_760 : vector<16xf32>
      %sub3A_773 = arith.constant 1.000000e+00 : f32
      %sub3A_774 = vector.broadcast %sub3A_773 : f32 to vector<16xf32>
      %sub3A_775 = arith.subf %sub3A_774, %sub3A_762 : vector<16xf32>
      %sub3A_776 = arith.constant 1.000000e+00 : f32
      %sub3A_777 = vector.broadcast %sub3A_776 : f32 to vector<16xf32>
      %sub3A_778 = arith.subf %sub3A_777, %sub3A_764 : vector<16xf32>
      %sub3A_779 = arith.constant 1.000000e+00 : f32
      %sub3A_780 = vector.broadcast %sub3A_779 : f32 to vector<16xf32>
      %sub3A_781 = arith.subf %sub3A_780, %sub3A_766 : vector<16xf32>
      %mul3A_782 = arith.constant 65536 : i32
      %mul3A_783 = vector.broadcast %mul3A_782 : i32 to vector<16xi32>
      %mul3A_784 = arith.muli %convert_element_type3A_752, %mul3A_783 : vector<16xi32>
      %mul3A_785 = arith.constant 4096 : i32
      %mul3A_786 = vector.broadcast %mul3A_785 : i32 to vector<16xi32>
      %mul3A_787 = arith.muli %convert_element_type3A_753, %mul3A_786 : vector<16xi32>
      %add3A_788 = arith.addi %mul3A_784, %mul3A_787 : vector<16xi32>
      %mul3A_789 = arith.constant 256 : i32
      %mul3A_790 = vector.broadcast %mul3A_789 : i32 to vector<16xi32>
      %mul3A_791 = arith.muli %convert_element_type3A_754, %mul3A_790 : vector<16xi32>
      %add3A_792 = arith.addi %add3A_788, %mul3A_791 : vector<16xi32>
      %mul3A_793 = arith.constant 16 : i32
      %mul3A_794 = vector.broadcast %mul3A_793 : i32 to vector<16xi32>
      %mul3A_795 = arith.muli %convert_element_type3A_755, %mul3A_794 : vector<16xi32>
      %add3A_796 = arith.addi %add3A_792, %mul3A_795 : vector<16xi32>
      %add3A_797 = arith.addi %add3A_796, %convert_element_type3A_756 : vector<16xi32>
      %swap3A_798 = arith.constant 64 : index
      %swap3A_799 = tpu.vector_load %arg10[%swap3A_798] {strides = array<i32>} : memref<128xi32, #tpu.memory_space<vmem>>, vector<16xi32>,
      %swap3A_800 = vector.shape_cast %swap3A_799 : vector<16xi32> to vector<16xi32>
      %swap3A_801 = vector.shape_cast %add3A_797 : vector<16xi32> to vector<16xi32>
      tpu.vector_store %arg10[%swap3A_798], %swap3A_801 {strides = array<i32>} : memref<128xi32, #tpu.memory_space<vmem>>, vector<16xi32>,
      %add3A_802 = arith.constant 65536 : i32
      %add3A_803 = vector.broadcast %add3A_802 : i32 to vector<16xi32>
      %add3A_804 = arith.addi %add3A_797, %add3A_803 : vector<16xi32>
      %min3A_805 = arith.constant 1048575 : i32
      %min3A_806 = vector.broadcast %min3A_805 : i32 to vector<16xi32>
      %min3A_807 = arith.minsi %add3A_804, %min3A_806 : vector<16xi32>
      %swap3A_808 = arith.constant 64 : index
      %swap3A_809 = tpu.vector_load %arg11[%swap3A_808] {strides = array<i32>} : memref<128xi32, #tpu.memory_space<vmem>>, vector<16xi32>,
      %swap3A_810 = vector.shape_cast %swap3A_809 : vector<16xi32> to vector<16xi32>
      %swap3A_811 = vector.shape_cast %min3A_807 : vector<16xi32> to vector<16xi32>
      tpu.vector_store %arg11[%swap3A_808], %swap3A_811 {strides = array<i32>} : memref<128xi32, #tpu.memory_space<vmem>>, vector<16xi32>,
      %add3A_812 = arith.constant 4096 : i32
      %add3A_813 = vector.broadcast %add3A_812 : i32 to vector<16xi32>
      %add3A_814 = arith.addi %add3A_797, %add3A_813 : vector<16xi32>
      %min3A_815 = arith.constant 1048575 : i32
      %min3A_816 = vector.broadcast %min3A_815 : i32 to vector<16xi32>
      %min3A_817 = arith.minsi %add3A_814, %min3A_816 : vector<16xi32>
      %swap3A_818 = arith.constant 64 : index
      %swap3A_819 = tpu.vector_load %arg12[%swap3A_818] {strides = array<i32>} : memref<128xi32, #tpu.memory_space<vmem>>, vector<16xi32>,
      %swap3A_820 = vector.shape_cast %swap3A_819 : vector<16xi32> to vector<16xi32>
      %swap3A_821 = vector.shape_cast %min3A_817 : vector<16xi32> to vector<16xi32>
      tpu.vector_store %arg12[%swap3A_818], %swap3A_821 {strides = array<i32>} : memref<128xi32, #tpu.memory_space<vmem>>, vector<16xi32>,
      %add3A_822 = arith.constant 69632 : i32
      %add3A_823 = vector.broadcast %add3A_822 : i32 to vector<16xi32>
      %add3A_824 = arith.addi %add3A_797, %add3A_823 : vector<16xi32>
      %min3A_825 = arith.constant 1048575 : i32
      %min3A_826 = vector.broadcast %min3A_825 : i32 to vector<16xi32>
      %min3A_827 = arith.minsi %add3A_824, %min3A_826 : vector<16xi32>
      %swap3A_828 = arith.constant 64 : index
      %swap3A_829 = tpu.vector_load %arg13[%swap3A_828] {strides = array<i32>} : memref<128xi32, #tpu.memory_space<vmem>>, vector<16xi32>,
      %swap3A_830 = vector.shape_cast %swap3A_829 : vector<16xi32> to vector<16xi32>
      %swap3A_831 = vector.shape_cast %min3A_827 : vector<16xi32> to vector<16xi32>
      tpu.vector_store %arg13[%swap3A_828], %swap3A_831 {strides = array<i32>} : memref<128xi32, #tpu.memory_space<vmem>>, vector<16xi32>,
      %mul3A_832 = arith.mulf %sub3A_775, %sub3A_778 : vector<16xf32>
      %mul3A_833 = arith.mulf %mul3A_832, %sub3A_781 : vector<16xf32>
      %mul3A_834 = arith.mulf %sub3A_769, %sub3A_772 : vector<16xf32>
      %mul3A_835 = arith.mulf %mul3A_834, %mul3A_833 : vector<16xf32>
      %swap3A_836 = arith.constant 64 : index
      %swap3A_837 = tpu.vector_load %arg14[%swap3A_836] {strides = array<i32>} : memref<128xf32, #tpu.memory_space<vmem>>, vector<16xf32>,
      %swap3A_838 = vector.shape_cast %swap3A_837 : vector<16xf32> to vector<16xf32>
      %swap3A_839 = vector.shape_cast %mul3A_835 : vector<16xf32> to vector<16xf32>
      tpu.vector_store %arg14[%swap3A_836], %swap3A_839 {strides = array<i32>} : memref<128xf32, #tpu.memory_space<vmem>>, vector<16xf32>,
      %mul3A_840 = arith.mulf %sub3A_758, %sub3A_772 : vector<16xf32>
      %mul3A_841 = arith.mulf %mul3A_840, %mul3A_833 : vector<16xf32>
      %swap3A_842 = arith.constant 64 : index
      %swap3A_843 = tpu.vector_load %arg15[%swap3A_842] {strides = array<i32>} : memref<128xf32, #tpu.memory_space<vmem>>, vector<16xf32>,
      %swap3A_844 = vector.shape_cast %swap3A_843 : vector<16xf32> to vector<16xf32>
      %swap3A_845 = vector.shape_cast %mul3A_841 : vector<16xf32> to vector<16xf32>
      tpu.vector_store %arg15[%swap3A_842], %swap3A_845 {strides = array<i32>} : memref<128xf32, #tpu.memory_space<vmem>>, vector<16xf32>,
      %mul3A_846 = arith.mulf %sub3A_769, %sub3A_760 : vector<16xf32>
      %mul3A_847 = arith.mulf %mul3A_846, %mul3A_833 : vector<16xf32>
      %swap3A_848 = arith.constant 64 : index
      %swap3A_849 = tpu.vector_load %arg16[%swap3A_848] {strides = array<i32>} : memref<128xf32, #tpu.memory_space<vmem>>, vector<16xf32>,
      %swap3A_850 = vector.shape_cast %swap3A_849 : vector<16xf32> to vector<16xf32>
      %swap3A_851 = vector.shape_cast %mul3A_847 : vector<16xf32> to vector<16xf32>
      tpu.vector_store %arg16[%swap3A_848], %swap3A_851 {strides = array<i32>} : memref<128xf32, #tpu.memory_space<vmem>>, vector<16xf32>,
      %mul3A_852 = arith.mulf %sub3A_758, %sub3A_760 : vector<16xf32>
      %mul3A_853 = arith.mulf %mul3A_852, %mul3A_833 : vector<16xf32>
      %swap3A_854 = arith.constant 64 : index
      %swap3A_855 = tpu.vector_load %arg17[%swap3A_854] {strides = array<i32>} : memref<128xf32, #tpu.memory_space<vmem>>, vector<16xf32>,
      %swap3A_856 = vector.shape_cast %swap3A_855 : vector<16xf32> to vector<16xf32>
      %swap3A_857 = vector.shape_cast %mul3A_853 : vector<16xf32> to vector<16xf32>
      tpu.vector_store %arg17[%swap3A_854], %swap3A_857 {strides = array<i32>} : memref<128xf32, #tpu.memory_space<vmem>>, vector<16xf32>,
      %add3A_858 = arith.constant 80 : i32
      %add3A_859 = arith.addi %mul3A_22, %add3A_858 : i32
      %get3A_860 = arith.index_cast %add3A_859 : i32 to index
      %get3A_861 = tpu.vector_load %arg5[%get3A_860] {strides = array<i32>} : memref<2048xf32, #tpu.memory_space<vmem>>, vector<16xf32>,
      %get3A_862 = vector.shape_cast %get3A_861 : vector<16xf32> to vector<16xf32>
      %get3A_863 = arith.index_cast %add3A_859 : i32 to index
      %get3A_864 = tpu.vector_load %arg6[%get3A_863] {strides = array<i32>} : memref<2048xf32, #tpu.memory_space<vmem>>, vector<16xf32>,
      %get3A_865 = vector.shape_cast %get3A_864 : vector<16xf32> to vector<16xf32>
      %get3A_866 = arith.index_cast %add3A_859 : i32 to index
      %get3A_867 = tpu.vector_load %arg7[%get3A_866] {strides = array<i32>} : memref<2048xf32, #tpu.memory_space<vmem>>, vector<16xf32>,
      %get3A_868 = vector.shape_cast %get3A_867 : vector<16xf32> to vector<16xf32>
      %get3A_869 = arith.index_cast %add3A_859 : i32 to index
      %get3A_870 = tpu.vector_load %arg8[%get3A_869] {strides = array<i32>} : memref<2048xf32, #tpu.memory_space<vmem>>, vector<16xf32>,
      %get3A_871 = vector.shape_cast %get3A_870 : vector<16xf32> to vector<16xf32>
      %get3A_872 = arith.index_cast %add3A_859 : i32 to index
      %get3A_873 = tpu.vector_load %arg9[%get3A_872] {strides = array<i32>} : memref<2048xf32, #tpu.memory_space<vmem>>, vector<16xf32>,
      %get3A_874 = vector.shape_cast %get3A_873 : vector<16xf32> to vector<16xf32>
      %add3A_875 = arith.constant 1.000000e+00 : f32
      %add3A_876 = vector.broadcast %add3A_875 : f32 to vector<16xf32>
      %add3A_877 = arith.addf %get3A_862, %add3A_876 : vector<16xf32>
      %mul3A_878 = arith.constant 5.000000e-01 : f32
      %mul3A_879 = vector.broadcast %mul3A_878 : f32 to vector<16xf32>
      %mul3A_880 = arith.mulf %add3A_877, %mul3A_879 : vector<16xf32>
      %mul3A_881 = arith.constant 1.500000e+01 : f32
      %mul3A_882 = vector.broadcast %mul3A_881 : f32 to vector<16xf32>
      %mul3A_883 = arith.mulf %mul3A_880, %mul3A_882 : vector<16xf32>
      %add3A_884 = arith.constant 1.000000e+00 : f32
      %add3A_885 = vector.broadcast %add3A_884 : f32 to vector<16xf32>
      %add3A_886 = arith.addf %get3A_865, %add3A_885 : vector<16xf32>
      %mul3A_887 = arith.constant 5.000000e-01 : f32
      %mul3A_888 = vector.broadcast %mul3A_887 : f32 to vector<16xf32>
      %mul3A_889 = arith.mulf %add3A_886, %mul3A_888 : vector<16xf32>
      %mul3A_890 = arith.constant 1.500000e+01 : f32
      %mul3A_891 = vector.broadcast %mul3A_890 : f32 to vector<16xf32>
      %mul3A_892 = arith.mulf %mul3A_889, %mul3A_891 : vector<16xf32>
      %add3A_893 = arith.constant 1.000000e+00 : f32
      %add3A_894 = vector.broadcast %add3A_893 : f32 to vector<16xf32>
      %add3A_895 = arith.addf %get3A_868, %add3A_894 : vector<16xf32>
      %mul3A_896 = arith.constant 5.000000e-01 : f32
      %mul3A_897 = vector.broadcast %mul3A_896 : f32 to vector<16xf32>
      %mul3A_898 = arith.mulf %add3A_895, %mul3A_897 : vector<16xf32>
      %mul3A_899 = arith.constant 1.500000e+01 : f32
      %mul3A_900 = vector.broadcast %mul3A_899 : f32 to vector<16xf32>
      %mul3A_901 = arith.mulf %mul3A_898, %mul3A_900 : vector<16xf32>
      %add3A_902 = arith.constant 1.000000e+00 : f32
      %add3A_903 = vector.broadcast %add3A_902 : f32 to vector<16xf32>
      %add3A_904 = arith.addf %get3A_871, %add3A_903 : vector<16xf32>
      %mul3A_905 = arith.constant 5.000000e-01 : f32
      %mul3A_906 = vector.broadcast %mul3A_905 : f32 to vector<16xf32>
      %mul3A_907 = arith.mulf %add3A_904, %mul3A_906 : vector<16xf32>
      %mul3A_908 = arith.constant 1.500000e+01 : f32
      %mul3A_909 = vector.broadcast %mul3A_908 : f32 to vector<16xf32>
      %mul3A_910 = arith.mulf %mul3A_907, %mul3A_909 : vector<16xf32>
      %add3A_911 = arith.constant 1.000000e+00 : f32
      %add3A_912 = vector.broadcast %add3A_911 : f32 to vector<16xf32>
      %add3A_913 = arith.addf %get3A_874, %add3A_912 : vector<16xf32>
      %mul3A_914 = arith.constant 5.000000e-01 : f32
      %mul3A_915 = vector.broadcast %mul3A_914 : f32 to vector<16xf32>
      %mul3A_916 = arith.mulf %add3A_913, %mul3A_915 : vector<16xf32>
      %mul3A_917 = arith.constant 1.500000e+01 : f32
      %mul3A_918 = vector.broadcast %mul3A_917 : f32 to vector<16xf32>
      %mul3A_919 = arith.mulf %mul3A_916, %mul3A_918 : vector<16xf32>
      %convert_element_type3A_920 = arith.fptosi %mul3A_883 : vector<16xf32> to vector<16xi32>
      %convert_element_type3A_921 = arith.fptosi %mul3A_892 : vector<16xf32> to vector<16xi32>
      %convert_element_type3A_922 = arith.fptosi %mul3A_901 : vector<16xf32> to vector<16xi32>
      %convert_element_type3A_923 = arith.fptosi %mul3A_910 : vector<16xf32> to vector<16xi32>
      %convert_element_type3A_924 = arith.fptosi %mul3A_919 : vector<16xf32> to vector<16xi32>
      %convert_element_type3A_925 = arith.sitofp %convert_element_type3A_920 : vector<16xi32> to vector<16xf32>
      %sub3A_926 = arith.subf %mul3A_883, %convert_element_type3A_925 : vector<16xf32>
      %convert_element_type3A_927 = arith.sitofp %convert_element_type3A_921 : vector<16xi32> to vector<16xf32>
      %sub3A_928 = arith.subf %mul3A_892, %convert_element_type3A_927 : vector<16xf32>
      %convert_element_type3A_929 = arith.sitofp %convert_element_type3A_922 : vector<16xi32> to vector<16xf32>
      %sub3A_930 = arith.subf %mul3A_901, %convert_element_type3A_929 : vector<16xf32>
      %convert_element_type3A_931 = arith.sitofp %convert_element_type3A_923 : vector<16xi32> to vector<16xf32>
      %sub3A_932 = arith.subf %mul3A_910, %convert_element_type3A_931 : vector<16xf32>
      %convert_element_type3A_933 = arith.sitofp %convert_element_type3A_924 : vector<16xi32> to vector<16xf32>
      %sub3A_934 = arith.subf %mul3A_919, %convert_element_type3A_933 : vector<16xf32>
      %sub3A_935 = arith.constant 1.000000e+00 : f32
      %sub3A_936 = vector.broadcast %sub3A_935 : f32 to vector<16xf32>
      %sub3A_937 = arith.subf %sub3A_936, %sub3A_926 : vector<16xf32>
      %sub3A_938 = arith.constant 1.000000e+00 : f32
      %sub3A_939 = vector.broadcast %sub3A_938 : f32 to vector<16xf32>
      %sub3A_940 = arith.subf %sub3A_939, %sub3A_928 : vector<16xf32>
      %sub3A_941 = arith.constant 1.000000e+00 : f32
      %sub3A_942 = vector.broadcast %sub3A_941 : f32 to vector<16xf32>
      %sub3A_943 = arith.subf %sub3A_942, %sub3A_930 : vector<16xf32>
      %sub3A_944 = arith.constant 1.000000e+00 : f32
      %sub3A_945 = vector.broadcast %sub3A_944 : f32 to vector<16xf32>
      %sub3A_946 = arith.subf %sub3A_945, %sub3A_932 : vector<16xf32>
      %sub3A_947 = arith.constant 1.000000e+00 : f32
      %sub3A_948 = vector.broadcast %sub3A_947 : f32 to vector<16xf32>
      %sub3A_949 = arith.subf %sub3A_948, %sub3A_934 : vector<16xf32>
      %mul3A_950 = arith.constant 65536 : i32
      %mul3A_951 = vector.broadcast %mul3A_950 : i32 to vector<16xi32>
      %mul3A_952 = arith.muli %convert_element_type3A_920, %mul3A_951 : vector<16xi32>
      %mul3A_953 = arith.constant 4096 : i32
      %mul3A_954 = vector.broadcast %mul3A_953 : i32 to vector<16xi32>
      %mul3A_955 = arith.muli %convert_element_type3A_921, %mul3A_954 : vector<16xi32>
      %add3A_956 = arith.addi %mul3A_952, %mul3A_955 : vector<16xi32>
      %mul3A_957 = arith.constant 256 : i32
      %mul3A_958 = vector.broadcast %mul3A_957 : i32 to vector<16xi32>
      %mul3A_959 = arith.muli %convert_element_type3A_922, %mul3A_958 : vector<16xi32>
      %add3A_960 = arith.addi %add3A_956, %mul3A_959 : vector<16xi32>
      %mul3A_961 = arith.constant 16 : i32
      %mul3A_962 = vector.broadcast %mul3A_961 : i32 to vector<16xi32>
      %mul3A_963 = arith.muli %convert_element_type3A_923, %mul3A_962 : vector<16xi32>
      %add3A_964 = arith.addi %add3A_960, %mul3A_963 : vector<16xi32>
      %add3A_965 = arith.addi %add3A_964, %convert_element_type3A_924 : vector<16xi32>
      %swap3A_966 = arith.constant 80 : index
      %swap3A_967 = tpu.vector_load %arg10[%swap3A_966] {strides = array<i32>} : memref<128xi32, #tpu.memory_space<vmem>>, vector<16xi32>,
      %swap3A_968 = vector.shape_cast %swap3A_967 : vector<16xi32> to vector<16xi32>
      %swap3A_969 = vector.shape_cast %add3A_965 : vector<16xi32> to vector<16xi32>
      tpu.vector_store %arg10[%swap3A_966], %swap3A_969 {strides = array<i32>} : memref<128xi32, #tpu.memory_space<vmem>>, vector<16xi32>,
      %add3A_970 = arith.constant 65536 : i32
      %add3A_971 = vector.broadcast %add3A_970 : i32 to vector<16xi32>
      %add3A_972 = arith.addi %add3A_965, %add3A_971 : vector<16xi32>
      %min3A_973 = arith.constant 1048575 : i32
      %min3A_974 = vector.broadcast %min3A_973 : i32 to vector<16xi32>
      %min3A_975 = arith.minsi %add3A_972, %min3A_974 : vector<16xi32>
      %swap3A_976 = arith.constant 80 : index
      %swap3A_977 = tpu.vector_load %arg11[%swap3A_976] {strides = array<i32>} : memref<128xi32, #tpu.memory_space<vmem>>, vector<16xi32>,
      %swap3A_978 = vector.shape_cast %swap3A_977 : vector<16xi32> to vector<16xi32>
      %swap3A_979 = vector.shape_cast %min3A_975 : vector<16xi32> to vector<16xi32>
      tpu.vector_store %arg11[%swap3A_976], %swap3A_979 {strides = array<i32>} : memref<128xi32, #tpu.memory_space<vmem>>, vector<16xi32>,
      %add3A_980 = arith.constant 4096 : i32
      %add3A_981 = vector.broadcast %add3A_980 : i32 to vector<16xi32>
      %add3A_982 = arith.addi %add3A_965, %add3A_981 : vector<16xi32>
      %min3A_983 = arith.constant 1048575 : i32
      %min3A_984 = vector.broadcast %min3A_983 : i32 to vector<16xi32>
      %min3A_985 = arith.minsi %add3A_982, %min3A_984 : vector<16xi32>
      %swap3A_986 = arith.constant 80 : index
      %swap3A_987 = tpu.vector_load %arg12[%swap3A_986] {strides = array<i32>} : memref<128xi32, #tpu.memory_space<vmem>>, vector<16xi32>,
      %swap3A_988 = vector.shape_cast %swap3A_987 : vector<16xi32> to vector<16xi32>
      %swap3A_989 = vector.shape_cast %min3A_985 : vector<16xi32> to vector<16xi32>
      tpu.vector_store %arg12[%swap3A_986], %swap3A_989 {strides = array<i32>} : memref<128xi32, #tpu.memory_space<vmem>>, vector<16xi32>,
      %add3A_990 = arith.constant 69632 : i32
      %add3A_991 = vector.broadcast %add3A_990 : i32 to vector<16xi32>
      %add3A_992 = arith.addi %add3A_965, %add3A_991 : vector<16xi32>
      %min3A_993 = arith.constant 1048575 : i32
      %min3A_994 = vector.broadcast %min3A_993 : i32 to vector<16xi32>
      %min3A_995 = arith.minsi %add3A_992, %min3A_994 : vector<16xi32>
      %swap3A_996 = arith.constant 80 : index
      %swap3A_997 = tpu.vector_load %arg13[%swap3A_996] {strides = array<i32>} : memref<128xi32, #tpu.memory_space<vmem>>, vector<16xi32>,
      %swap3A_998 = vector.shape_cast %swap3A_997 : vector<16xi32> to vector<16xi32>
      %swap3A_999 = vector.shape_cast %min3A_995 : vector<16xi32> to vector<16xi32>
      tpu.vector_store %arg13[%swap3A_996], %swap3A_999 {strides = array<i32>} : memref<128xi32, #tpu.memory_space<vmem>>, vector<16xi32>,
      %mul3A_1000 = arith.mulf %sub3A_943, %sub3A_946 : vector<16xf32>
      %mul3A_1001 = arith.mulf %mul3A_1000, %sub3A_949 : vector<16xf32>
      %mul3A_1002 = arith.mulf %sub3A_937, %sub3A_940 : vector<16xf32>
      %mul3A_1003 = arith.mulf %mul3A_1002, %mul3A_1001 : vector<16xf32>
      %swap3A_1004 = arith.constant 80 : index
      %swap3A_1005 = tpu.vector_load %arg14[%swap3A_1004] {strides = array<i32>} : memref<128xf32, #tpu.memory_space<vmem>>, vector<16xf32>,
      %swap3A_1006 = vector.shape_cast %swap3A_1005 : vector<16xf32> to vector<16xf32>
      %swap3A_1007 = vector.shape_cast %mul3A_1003 : vector<16xf32> to vector<16xf32>
      tpu.vector_store %arg14[%swap3A_1004], %swap3A_1007 {strides = array<i32>} : memref<128xf32, #tpu.memory_space<vmem>>, vector<16xf32>,
      %mul3A_1008 = arith.mulf %sub3A_926, %sub3A_940 : vector<16xf32>
      %mul3A_1009 = arith.mulf %mul3A_1008, %mul3A_1001 : vector<16xf32>
      %swap3A_1010 = arith.constant 80 : index
      %swap3A_1011 = tpu.vector_load %arg15[%swap3A_1010] {strides = array<i32>} : memref<128xf32, #tpu.memory_space<vmem>>, vector<16xf32>,
      %swap3A_1012 = vector.shape_cast %swap3A_1011 : vector<16xf32> to vector<16xf32>
      %swap3A_1013 = vector.shape_cast %mul3A_1009 : vector<16xf32> to vector<16xf32>
      tpu.vector_store %arg15[%swap3A_1010], %swap3A_1013 {strides = array<i32>} : memref<128xf32, #tpu.memory_space<vmem>>, vector<16xf32>,
      %mul3A_1014 = arith.mulf %sub3A_937, %sub3A_928 : vector<16xf32>
      %mul3A_1015 = arith.mulf %mul3A_1014, %mul3A_1001 : vector<16xf32>
      %swap3A_1016 = arith.constant 80 : index
      %swap3A_1017 = tpu.vector_load %arg16[%swap3A_1016] {strides = array<i32>} : memref<128xf32, #tpu.memory_space<vmem>>, vector<16xf32>,
      %swap3A_1018 = vector.shape_cast %swap3A_1017 : vector<16xf32> to vector<16xf32>
      %swap3A_1019 = vector.shape_cast %mul3A_1015 : vector<16xf32> to vector<16xf32>
      tpu.vector_store %arg16[%swap3A_1016], %swap3A_1019 {strides = array<i32>} : memref<128xf32, #tpu.memory_space<vmem>>, vector<16xf32>,
      %mul3A_1020 = arith.mulf %sub3A_926, %sub3A_928 : vector<16xf32>
      %mul3A_1021 = arith.mulf %mul3A_1020, %mul3A_1001 : vector<16xf32>
      %swap3A_1022 = arith.constant 80 : index
      %swap3A_1023 = tpu.vector_load %arg17[%swap3A_1022] {strides = array<i32>} : memref<128xf32, #tpu.memory_space<vmem>>, vector<16xf32>,
      %swap3A_1024 = vector.shape_cast %swap3A_1023 : vector<16xf32> to vector<16xf32>
      %swap3A_1025 = vector.shape_cast %mul3A_1021 : vector<16xf32> to vector<16xf32>
      tpu.vector_store %arg17[%swap3A_1022], %swap3A_1025 {strides = array<i32>} : memref<128xf32, #tpu.memory_space<vmem>>, vector<16xf32>,
      %add3A_1026 = arith.constant 96 : i32
      %add3A_1027 = arith.addi %mul3A_22, %add3A_1026 : i32
      %get3A_1028 = arith.index_cast %add3A_1027 : i32 to index
      %get3A_1029 = tpu.vector_load %arg5[%get3A_1028] {strides = array<i32>} : memref<2048xf32, #tpu.memory_space<vmem>>, vector<16xf32>,
      %get3A_1030 = vector.shape_cast %get3A_1029 : vector<16xf32> to vector<16xf32>
      %get3A_1031 = arith.index_cast %add3A_1027 : i32 to index
      %get3A_1032 = tpu.vector_load %arg6[%get3A_1031] {strides = array<i32>} : memref<2048xf32, #tpu.memory_space<vmem>>, vector<16xf32>,
      %get3A_1033 = vector.shape_cast %get3A_1032 : vector<16xf32> to vector<16xf32>
      %get3A_1034 = arith.index_cast %add3A_1027 : i32 to index
      %get3A_1035 = tpu.vector_load %arg7[%get3A_1034] {strides = array<i32>} : memref<2048xf32, #tpu.memory_space<vmem>>, vector<16xf32>,
      %get3A_1036 = vector.shape_cast %get3A_1035 : vector<16xf32> to vector<16xf32>
      %get3A_1037 = arith.index_cast %add3A_1027 : i32 to index
      %get3A_1038 = tpu.vector_load %arg8[%get3A_1037] {strides = array<i32>} : memref<2048xf32, #tpu.memory_space<vmem>>, vector<16xf32>,
      %get3A_1039 = vector.shape_cast %get3A_1038 : vector<16xf32> to vector<16xf32>
      %get3A_1040 = arith.index_cast %add3A_1027 : i32 to index
      %get3A_1041 = tpu.vector_load %arg9[%get3A_1040] {strides = array<i32>} : memref<2048xf32, #tpu.memory_space<vmem>>, vector<16xf32>,
      %get3A_1042 = vector.shape_cast %get3A_1041 : vector<16xf32> to vector<16xf32>
      %add3A_1043 = arith.constant 1.000000e+00 : f32
      %add3A_1044 = vector.broadcast %add3A_1043 : f32 to vector<16xf32>
      %add3A_1045 = arith.addf %get3A_1030, %add3A_1044 : vector<16xf32>
      %mul3A_1046 = arith.constant 5.000000e-01 : f32
      %mul3A_1047 = vector.broadcast %mul3A_1046 : f32 to vector<16xf32>
      %mul3A_1048 = arith.mulf %add3A_1045, %mul3A_1047 : vector<16xf32>
      %mul3A_1049 = arith.constant 1.500000e+01 : f32
      %mul3A_1050 = vector.broadcast %mul3A_1049 : f32 to vector<16xf32>
      %mul3A_1051 = arith.mulf %mul3A_1048, %mul3A_1050 : vector<16xf32>
      %add3A_1052 = arith.constant 1.000000e+00 : f32
      %add3A_1053 = vector.broadcast %add3A_1052 : f32 to vector<16xf32>
      %add3A_1054 = arith.addf %get3A_1033, %add3A_1053 : vector<16xf32>
      %mul3A_1055 = arith.constant 5.000000e-01 : f32
      %mul3A_1056 = vector.broadcast %mul3A_1055 : f32 to vector<16xf32>
      %mul3A_1057 = arith.mulf %add3A_1054, %mul3A_1056 : vector<16xf32>
      %mul3A_1058 = arith.constant 1.500000e+01 : f32
      %mul3A_1059 = vector.broadcast %mul3A_1058 : f32 to vector<16xf32>
      %mul3A_1060 = arith.mulf %mul3A_1057, %mul3A_1059 : vector<16xf32>
      %add3A_1061 = arith.constant 1.000000e+00 : f32
      %add3A_1062 = vector.broadcast %add3A_1061 : f32 to vector<16xf32>
      %add3A_1063 = arith.addf %get3A_1036, %add3A_1062 : vector<16xf32>
      %mul3A_1064 = arith.constant 5.000000e-01 : f32
      %mul3A_1065 = vector.broadcast %mul3A_1064 : f32 to vector<16xf32>
      %mul3A_1066 = arith.mulf %add3A_1063, %mul3A_1065 : vector<16xf32>
      %mul3A_1067 = arith.constant 1.500000e+01 : f32
      %mul3A_1068 = vector.broadcast %mul3A_1067 : f32 to vector<16xf32>
      %mul3A_1069 = arith.mulf %mul3A_1066, %mul3A_1068 : vector<16xf32>
      %add3A_1070 = arith.constant 1.000000e+00 : f32
      %add3A_1071 = vector.broadcast %add3A_1070 : f32 to vector<16xf32>
      %add3A_1072 = arith.addf %get3A_1039, %add3A_1071 : vector<16xf32>
      %mul3A_1073 = arith.constant 5.000000e-01 : f32
      %mul3A_1074 = vector.broadcast %mul3A_1073 : f32 to vector<16xf32>
      %mul3A_1075 = arith.mulf %add3A_1072, %mul3A_1074 : vector<16xf32>
      %mul3A_1076 = arith.constant 1.500000e+01 : f32
      %mul3A_1077 = vector.broadcast %mul3A_1076 : f32 to vector<16xf32>
      %mul3A_1078 = arith.mulf %mul3A_1075, %mul3A_1077 : vector<16xf32>
      %add3A_1079 = arith.constant 1.000000e+00 : f32
      %add3A_1080 = vector.broadcast %add3A_1079 : f32 to vector<16xf32>
      %add3A_1081 = arith.addf %get3A_1042, %add3A_1080 : vector<16xf32>
      %mul3A_1082 = arith.constant 5.000000e-01 : f32
      %mul3A_1083 = vector.broadcast %mul3A_1082 : f32 to vector<16xf32>
      %mul3A_1084 = arith.mulf %add3A_1081, %mul3A_1083 : vector<16xf32>
      %mul3A_1085 = arith.constant 1.500000e+01 : f32
      %mul3A_1086 = vector.broadcast %mul3A_1085 : f32 to vector<16xf32>
      %mul3A_1087 = arith.mulf %mul3A_1084, %mul3A_1086 : vector<16xf32>
      %convert_element_type3A_1088 = arith.fptosi %mul3A_1051 : vector<16xf32> to vector<16xi32>
      %convert_element_type3A_1089 = arith.fptosi %mul3A_1060 : vector<16xf32> to vector<16xi32>
      %convert_element_type3A_1090 = arith.fptosi %mul3A_1069 : vector<16xf32> to vector<16xi32>
      %convert_element_type3A_1091 = arith.fptosi %mul3A_1078 : vector<16xf32> to vector<16xi32>
      %convert_element_type3A_1092 = arith.fptosi %mul3A_1087 : vector<16xf32> to vector<16xi32>
      %convert_element_type3A_1093 = arith.sitofp %convert_element_type3A_1088 : vector<16xi32> to vector<16xf32>
      %sub3A_1094 = arith.subf %mul3A_1051, %convert_element_type3A_1093 : vector<16xf32>
      %convert_element_type3A_1095 = arith.sitofp %convert_element_type3A_1089 : vector<16xi32> to vector<16xf32>
      %sub3A_1096 = arith.subf %mul3A_1060, %convert_element_type3A_1095 : vector<16xf32>
      %convert_element_type3A_1097 = arith.sitofp %convert_element_type3A_1090 : vector<16xi32> to vector<16xf32>
      %sub3A_1098 = arith.subf %mul3A_1069, %convert_element_type3A_1097 : vector<16xf32>
      %convert_element_type3A_1099 = arith.sitofp %convert_element_type3A_1091 : vector<16xi32> to vector<16xf32>
      %sub3A_1100 = arith.subf %mul3A_1078, %convert_element_type3A_1099 : vector<16xf32>
      %convert_element_type3A_1101 = arith.sitofp %convert_element_type3A_1092 : vector<16xi32> to vector<16xf32>
      %sub3A_1102 = arith.subf %mul3A_1087, %convert_element_type3A_1101 : vector<16xf32>
      %sub3A_1103 = arith.constant 1.000000e+00 : f32
      %sub3A_1104 = vector.broadcast %sub3A_1103 : f32 to vector<16xf32>
      %sub3A_1105 = arith.subf %sub3A_1104, %sub3A_1094 : vector<16xf32>
      %sub3A_1106 = arith.constant 1.000000e+00 : f32
      %sub3A_1107 = vector.broadcast %sub3A_1106 : f32 to vector<16xf32>
      %sub3A_1108 = arith.subf %sub3A_1107, %sub3A_1096 : vector<16xf32>
      %sub3A_1109 = arith.constant 1.000000e+00 : f32
      %sub3A_1110 = vector.broadcast %sub3A_1109 : f32 to vector<16xf32>
      %sub3A_1111 = arith.subf %sub3A_1110, %sub3A_1098 : vector<16xf32>
      %sub3A_1112 = arith.constant 1.000000e+00 : f32
      %sub3A_1113 = vector.broadcast %sub3A_1112 : f32 to vector<16xf32>
      %sub3A_1114 = arith.subf %sub3A_1113, %sub3A_1100 : vector<16xf32>
      %sub3A_1115 = arith.constant 1.000000e+00 : f32
      %sub3A_1116 = vector.broadcast %sub3A_1115 : f32 to vector<16xf32>
      %sub3A_1117 = arith.subf %sub3A_1116, %sub3A_1102 : vector<16xf32>
      %mul3A_1118 = arith.constant 65536 : i32
      %mul3A_1119 = vector.broadcast %mul3A_1118 : i32 to vector<16xi32>
      %mul3A_1120 = arith.muli %convert_element_type3A_1088, %mul3A_1119 : vector<16xi32>
      %mul3A_1121 = arith.constant 4096 : i32
      %mul3A_1122 = vector.broadcast %mul3A_1121 : i32 to vector<16xi32>
      %mul3A_1123 = arith.muli %convert_element_type3A_1089, %mul3A_1122 : vector<16xi32>
      %add3A_1124 = arith.addi %mul3A_1120, %mul3A_1123 : vector<16xi32>
      %mul3A_1125 = arith.constant 256 : i32
      %mul3A_1126 = vector.broadcast %mul3A_1125 : i32 to vector<16xi32>
      %mul3A_1127 = arith.muli %convert_element_type3A_1090, %mul3A_1126 : vector<16xi32>
      %add3A_1128 = arith.addi %add3A_1124, %mul3A_1127 : vector<16xi32>
      %mul3A_1129 = arith.constant 16 : i32
      %mul3A_1130 = vector.broadcast %mul3A_1129 : i32 to vector<16xi32>
      %mul3A_1131 = arith.muli %convert_element_type3A_1091, %mul3A_1130 : vector<16xi32>
      %add3A_1132 = arith.addi %add3A_1128, %mul3A_1131 : vector<16xi32>
      %add3A_1133 = arith.addi %add3A_1132, %convert_element_type3A_1092 : vector<16xi32>
      %swap3A_1134 = arith.constant 96 : index
      %swap3A_1135 = tpu.vector_load %arg10[%swap3A_1134] {strides = array<i32>} : memref<128xi32, #tpu.memory_space<vmem>>, vector<16xi32>,
      %swap3A_1136 = vector.shape_cast %swap3A_1135 : vector<16xi32> to vector<16xi32>
      %swap3A_1137 = vector.shape_cast %add3A_1133 : vector<16xi32> to vector<16xi32>
      tpu.vector_store %arg10[%swap3A_1134], %swap3A_1137 {strides = array<i32>} : memref<128xi32, #tpu.memory_space<vmem>>, vector<16xi32>,
      %add3A_1138 = arith.constant 65536 : i32
      %add3A_1139 = vector.broadcast %add3A_1138 : i32 to vector<16xi32>
      %add3A_1140 = arith.addi %add3A_1133, %add3A_1139 : vector<16xi32>
      %min3A_1141 = arith.constant 1048575 : i32
      %min3A_1142 = vector.broadcast %min3A_1141 : i32 to vector<16xi32>
      %min3A_1143 = arith.minsi %add3A_1140, %min3A_1142 : vector<16xi32>
      %swap3A_1144 = arith.constant 96 : index
      %swap3A_1145 = tpu.vector_load %arg11[%swap3A_1144] {strides = array<i32>} : memref<128xi32, #tpu.memory_space<vmem>>, vector<16xi32>,
      %swap3A_1146 = vector.shape_cast %swap3A_1145 : vector<16xi32> to vector<16xi32>
      %swap3A_1147 = vector.shape_cast %min3A_1143 : vector<16xi32> to vector<16xi32>
      tpu.vector_store %arg11[%swap3A_1144], %swap3A_1147 {strides = array<i32>} : memref<128xi32, #tpu.memory_space<vmem>>, vector<16xi32>,
      %add3A_1148 = arith.constant 4096 : i32
      %add3A_1149 = vector.broadcast %add3A_1148 : i32 to vector<16xi32>
      %add3A_1150 = arith.addi %add3A_1133, %add3A_1149 : vector<16xi32>
      %min3A_1151 = arith.constant 1048575 : i32
      %min3A_1152 = vector.broadcast %min3A_1151 : i32 to vector<16xi32>
      %min3A_1153 = arith.minsi %add3A_1150, %min3A_1152 : vector<16xi32>
      %swap3A_1154 = arith.constant 96 : index
      %swap3A_1155 = tpu.vector_load %arg12[%swap3A_1154] {strides = array<i32>} : memref<128xi32, #tpu.memory_space<vmem>>, vector<16xi32>,
      %swap3A_1156 = vector.shape_cast %swap3A_1155 : vector<16xi32> to vector<16xi32>
      %swap3A_1157 = vector.shape_cast %min3A_1153 : vector<16xi32> to vector<16xi32>
      tpu.vector_store %arg12[%swap3A_1154], %swap3A_1157 {strides = array<i32>} : memref<128xi32, #tpu.memory_space<vmem>>, vector<16xi32>,
      %add3A_1158 = arith.constant 69632 : i32
      %add3A_1159 = vector.broadcast %add3A_1158 : i32 to vector<16xi32>
      %add3A_1160 = arith.addi %add3A_1133, %add3A_1159 : vector<16xi32>
      %min3A_1161 = arith.constant 1048575 : i32
      %min3A_1162 = vector.broadcast %min3A_1161 : i32 to vector<16xi32>
      %min3A_1163 = arith.minsi %add3A_1160, %min3A_1162 : vector<16xi32>
      %swap3A_1164 = arith.constant 96 : index
      %swap3A_1165 = tpu.vector_load %arg13[%swap3A_1164] {strides = array<i32>} : memref<128xi32, #tpu.memory_space<vmem>>, vector<16xi32>,
      %swap3A_1166 = vector.shape_cast %swap3A_1165 : vector<16xi32> to vector<16xi32>
      %swap3A_1167 = vector.shape_cast %min3A_1163 : vector<16xi32> to vector<16xi32>
      tpu.vector_store %arg13[%swap3A_1164], %swap3A_1167 {strides = array<i32>} : memref<128xi32, #tpu.memory_space<vmem>>, vector<16xi32>,
      %mul3A_1168 = arith.mulf %sub3A_1111, %sub3A_1114 : vector<16xf32>
      %mul3A_1169 = arith.mulf %mul3A_1168, %sub3A_1117 : vector<16xf32>
      %mul3A_1170 = arith.mulf %sub3A_1105, %sub3A_1108 : vector<16xf32>
      %mul3A_1171 = arith.mulf %mul3A_1170, %mul3A_1169 : vector<16xf32>
      %swap3A_1172 = arith.constant 96 : index
      %swap3A_1173 = tpu.vector_load %arg14[%swap3A_1172] {strides = array<i32>} : memref<128xf32, #tpu.memory_space<vmem>>, vector<16xf32>,
      %swap3A_1174 = vector.shape_cast %swap3A_1173 : vector<16xf32> to vector<16xf32>
      %swap3A_1175 = vector.shape_cast %mul3A_1171 : vector<16xf32> to vector<16xf32>
      tpu.vector_store %arg14[%swap3A_1172], %swap3A_1175 {strides = array<i32>} : memref<128xf32, #tpu.memory_space<vmem>>, vector<16xf32>,
      %mul3A_1176 = arith.mulf %sub3A_1094, %sub3A_1108 : vector<16xf32>
      %mul3A_1177 = arith.mulf %mul3A_1176, %mul3A_1169 : vector<16xf32>
      %swap3A_1178 = arith.constant 96 : index
      %swap3A_1179 = tpu.vector_load %arg15[%swap3A_1178] {strides = array<i32>} : memref<128xf32, #tpu.memory_space<vmem>>, vector<16xf32>,
      %swap3A_1180 = vector.shape_cast %swap3A_1179 : vector<16xf32> to vector<16xf32>
      %swap3A_1181 = vector.shape_cast %mul3A_1177 : vector<16xf32> to vector<16xf32>
      tpu.vector_store %arg15[%swap3A_1178], %swap3A_1181 {strides = array<i32>} : memref<128xf32, #tpu.memory_space<vmem>>, vector<16xf32>,
      %mul3A_1182 = arith.mulf %sub3A_1105, %sub3A_1096 : vector<16xf32>
      %mul3A_1183 = arith.mulf %mul3A_1182, %mul3A_1169 : vector<16xf32>
      %swap3A_1184 = arith.constant 96 : index
      %swap3A_1185 = tpu.vector_load %arg16[%swap3A_1184] {strides = array<i32>} : memref<128xf32, #tpu.memory_space<vmem>>, vector<16xf32>,
      %swap3A_1186 = vector.shape_cast %swap3A_1185 : vector<16xf32> to vector<16xf32>
      %swap3A_1187 = vector.shape_cast %mul3A_1183 : vector<16xf32> to vector<16xf32>
      tpu.vector_store %arg16[%swap3A_1184], %swap3A_1187 {strides = array<i32>} : memref<128xf32, #tpu.memory_space<vmem>>, vector<16xf32>,
      %mul3A_1188 = arith.mulf %sub3A_1094, %sub3A_1096 : vector<16xf32>
      %mul3A_1189 = arith.mulf %mul3A_1188, %mul3A_1169 : vector<16xf32>
      %swap3A_1190 = arith.constant 96 : index
      %swap3A_1191 = tpu.vector_load %arg17[%swap3A_1190] {strides = array<i32>} : memref<128xf32, #tpu.memory_space<vmem>>, vector<16xf32>,
      %swap3A_1192 = vector.shape_cast %swap3A_1191 : vector<16xf32> to vector<16xf32>
      %swap3A_1193 = vector.shape_cast %mul3A_1189 : vector<16xf32> to vector<16xf32>
      tpu.vector_store %arg17[%swap3A_1190], %swap3A_1193 {strides = array<i32>} : memref<128xf32, #tpu.memory_space<vmem>>, vector<16xf32>,
      %add3A_1194 = arith.constant 112 : i32
      %add3A_1195 = arith.addi %mul3A_22, %add3A_1194 : i32
      %get3A_1196 = arith.index_cast %add3A_1195 : i32 to index
      %get3A_1197 = tpu.vector_load %arg5[%get3A_1196] {strides = array<i32>} : memref<2048xf32, #tpu.memory_space<vmem>>, vector<16xf32>,
      %get3A_1198 = vector.shape_cast %get3A_1197 : vector<16xf32> to vector<16xf32>
      %get3A_1199 = arith.index_cast %add3A_1195 : i32 to index
      %get3A_1200 = tpu.vector_load %arg6[%get3A_1199] {strides = array<i32>} : memref<2048xf32, #tpu.memory_space<vmem>>, vector<16xf32>,
      %get3A_1201 = vector.shape_cast %get3A_1200 : vector<16xf32> to vector<16xf32>
      %get3A_1202 = arith.index_cast %add3A_1195 : i32 to index
      %get3A_1203 = tpu.vector_load %arg7[%get3A_1202] {strides = array<i32>} : memref<2048xf32, #tpu.memory_space<vmem>>, vector<16xf32>,
      %get3A_1204 = vector.shape_cast %get3A_1203 : vector<16xf32> to vector<16xf32>
      %get3A_1205 = arith.index_cast %add3A_1195 : i32 to index
      %get3A_1206 = tpu.vector_load %arg8[%get3A_1205] {strides = array<i32>} : memref<2048xf32, #tpu.memory_space<vmem>>, vector<16xf32>,
      %get3A_1207 = vector.shape_cast %get3A_1206 : vector<16xf32> to vector<16xf32>
      %get3A_1208 = arith.index_cast %add3A_1195 : i32 to index
      %get3A_1209 = tpu.vector_load %arg9[%get3A_1208] {strides = array<i32>} : memref<2048xf32, #tpu.memory_space<vmem>>, vector<16xf32>,
      %get3A_1210 = vector.shape_cast %get3A_1209 : vector<16xf32> to vector<16xf32>
      %add3A_1211 = arith.constant 1.000000e+00 : f32
      %add3A_1212 = vector.broadcast %add3A_1211 : f32 to vector<16xf32>
      %add3A_1213 = arith.addf %get3A_1198, %add3A_1212 : vector<16xf32>
      %mul3A_1214 = arith.constant 5.000000e-01 : f32
      %mul3A_1215 = vector.broadcast %mul3A_1214 : f32 to vector<16xf32>
      %mul3A_1216 = arith.mulf %add3A_1213, %mul3A_1215 : vector<16xf32>
      %mul3A_1217 = arith.constant 1.500000e+01 : f32
      %mul3A_1218 = vector.broadcast %mul3A_1217 : f32 to vector<16xf32>
      %mul3A_1219 = arith.mulf %mul3A_1216, %mul3A_1218 : vector<16xf32>
      %add3A_1220 = arith.constant 1.000000e+00 : f32
      %add3A_1221 = vector.broadcast %add3A_1220 : f32 to vector<16xf32>
      %add3A_1222 = arith.addf %get3A_1201, %add3A_1221 : vector<16xf32>
      %mul3A_1223 = arith.constant 5.000000e-01 : f32
      %mul3A_1224 = vector.broadcast %mul3A_1223 : f32 to vector<16xf32>
      %mul3A_1225 = arith.mulf %add3A_1222, %mul3A_1224 : vector<16xf32>
      %mul3A_1226 = arith.constant 1.500000e+01 : f32
      %mul3A_1227 = vector.broadcast %mul3A_1226 : f32 to vector<16xf32>
      %mul3A_1228 = arith.mulf %mul3A_1225, %mul3A_1227 : vector<16xf32>
      %add3A_1229 = arith.constant 1.000000e+00 : f32
      %add3A_1230 = vector.broadcast %add3A_1229 : f32 to vector<16xf32>
      %add3A_1231 = arith.addf %get3A_1204, %add3A_1230 : vector<16xf32>
      %mul3A_1232 = arith.constant 5.000000e-01 : f32
      %mul3A_1233 = vector.broadcast %mul3A_1232 : f32 to vector<16xf32>
      %mul3A_1234 = arith.mulf %add3A_1231, %mul3A_1233 : vector<16xf32>
      %mul3A_1235 = arith.constant 1.500000e+01 : f32
      %mul3A_1236 = vector.broadcast %mul3A_1235 : f32 to vector<16xf32>
      %mul3A_1237 = arith.mulf %mul3A_1234, %mul3A_1236 : vector<16xf32>
      %add3A_1238 = arith.constant 1.000000e+00 : f32
      %add3A_1239 = vector.broadcast %add3A_1238 : f32 to vector<16xf32>
      %add3A_1240 = arith.addf %get3A_1207, %add3A_1239 : vector<16xf32>
      %mul3A_1241 = arith.constant 5.000000e-01 : f32
      %mul3A_1242 = vector.broadcast %mul3A_1241 : f32 to vector<16xf32>
      %mul3A_1243 = arith.mulf %add3A_1240, %mul3A_1242 : vector<16xf32>
      %mul3A_1244 = arith.constant 1.500000e+01 : f32
      %mul3A_1245 = vector.broadcast %mul3A_1244 : f32 to vector<16xf32>
      %mul3A_1246 = arith.mulf %mul3A_1243, %mul3A_1245 : vector<16xf32>
      %add3A_1247 = arith.constant 1.000000e+00 : f32
      %add3A_1248 = vector.broadcast %add3A_1247 : f32 to vector<16xf32>
      %add3A_1249 = arith.addf %get3A_1210, %add3A_1248 : vector<16xf32>
      %mul3A_1250 = arith.constant 5.000000e-01 : f32
      %mul3A_1251 = vector.broadcast %mul3A_1250 : f32 to vector<16xf32>
      %mul3A_1252 = arith.mulf %add3A_1249, %mul3A_1251 : vector<16xf32>
      %mul3A_1253 = arith.constant 1.500000e+01 : f32
      %mul3A_1254 = vector.broadcast %mul3A_1253 : f32 to vector<16xf32>
      %mul3A_1255 = arith.mulf %mul3A_1252, %mul3A_1254 : vector<16xf32>
      %convert_element_type3A_1256 = arith.fptosi %mul3A_1219 : vector<16xf32> to vector<16xi32>
      %convert_element_type3A_1257 = arith.fptosi %mul3A_1228 : vector<16xf32> to vector<16xi32>
      %convert_element_type3A_1258 = arith.fptosi %mul3A_1237 : vector<16xf32> to vector<16xi32>
      %convert_element_type3A_1259 = arith.fptosi %mul3A_1246 : vector<16xf32> to vector<16xi32>
      %convert_element_type3A_1260 = arith.fptosi %mul3A_1255 : vector<16xf32> to vector<16xi32>
      %convert_element_type3A_1261 = arith.sitofp %convert_element_type3A_1256 : vector<16xi32> to vector<16xf32>
      %sub3A_1262 = arith.subf %mul3A_1219, %convert_element_type3A_1261 : vector<16xf32>
      %convert_element_type3A_1263 = arith.sitofp %convert_element_type3A_1257 : vector<16xi32> to vector<16xf32>
      %sub3A_1264 = arith.subf %mul3A_1228, %convert_element_type3A_1263 : vector<16xf32>
      %convert_element_type3A_1265 = arith.sitofp %convert_element_type3A_1258 : vector<16xi32> to vector<16xf32>
      %sub3A_1266 = arith.subf %mul3A_1237, %convert_element_type3A_1265 : vector<16xf32>
      %convert_element_type3A_1267 = arith.sitofp %convert_element_type3A_1259 : vector<16xi32> to vector<16xf32>
      %sub3A_1268 = arith.subf %mul3A_1246, %convert_element_type3A_1267 : vector<16xf32>
      %convert_element_type3A_1269 = arith.sitofp %convert_element_type3A_1260 : vector<16xi32> to vector<16xf32>
      %sub3A_1270 = arith.subf %mul3A_1255, %convert_element_type3A_1269 : vector<16xf32>
      %sub3A_1271 = arith.constant 1.000000e+00 : f32
      %sub3A_1272 = vector.broadcast %sub3A_1271 : f32 to vector<16xf32>
      %sub3A_1273 = arith.subf %sub3A_1272, %sub3A_1262 : vector<16xf32>
      %sub3A_1274 = arith.constant 1.000000e+00 : f32
      %sub3A_1275 = vector.broadcast %sub3A_1274 : f32 to vector<16xf32>
      %sub3A_1276 = arith.subf %sub3A_1275, %sub3A_1264 : vector<16xf32>
      %sub3A_1277 = arith.constant 1.000000e+00 : f32
      %sub3A_1278 = vector.broadcast %sub3A_1277 : f32 to vector<16xf32>
      %sub3A_1279 = arith.subf %sub3A_1278, %sub3A_1266 : vector<16xf32>
      %sub3A_1280 = arith.constant 1.000000e+00 : f32
      %sub3A_1281 = vector.broadcast %sub3A_1280 : f32 to vector<16xf32>
      %sub3A_1282 = arith.subf %sub3A_1281, %sub3A_1268 : vector<16xf32>
      %sub3A_1283 = arith.constant 1.000000e+00 : f32
      %sub3A_1284 = vector.broadcast %sub3A_1283 : f32 to vector<16xf32>
      %sub3A_1285 = arith.subf %sub3A_1284, %sub3A_1270 : vector<16xf32>
      %mul3A_1286 = arith.constant 65536 : i32
      %mul3A_1287 = vector.broadcast %mul3A_1286 : i32 to vector<16xi32>
      %mul3A_1288 = arith.muli %convert_element_type3A_1256, %mul3A_1287 : vector<16xi32>
      %mul3A_1289 = arith.constant 4096 : i32
      %mul3A_1290 = vector.broadcast %mul3A_1289 : i32 to vector<16xi32>
      %mul3A_1291 = arith.muli %convert_element_type3A_1257, %mul3A_1290 : vector<16xi32>
      %add3A_1292 = arith.addi %mul3A_1288, %mul3A_1291 : vector<16xi32>
      %mul3A_1293 = arith.constant 256 : i32
      %mul3A_1294 = vector.broadcast %mul3A_1293 : i32 to vector<16xi32>
      %mul3A_1295 = arith.muli %convert_element_type3A_1258, %mul3A_1294 : vector<16xi32>
      %add3A_1296 = arith.addi %add3A_1292, %mul3A_1295 : vector<16xi32>
      %mul3A_1297 = arith.constant 16 : i32
      %mul3A_1298 = vector.broadcast %mul3A_1297 : i32 to vector<16xi32>
      %mul3A_1299 = arith.muli %convert_element_type3A_1259, %mul3A_1298 : vector<16xi32>
      %add3A_1300 = arith.addi %add3A_1296, %mul3A_1299 : vector<16xi32>
      %add3A_1301 = arith.addi %add3A_1300, %convert_element_type3A_1260 : vector<16xi32>
      %swap3A_1302 = arith.constant 112 : index
      %swap3A_1303 = tpu.vector_load %arg10[%swap3A_1302] {strides = array<i32>} : memref<128xi32, #tpu.memory_space<vmem>>, vector<16xi32>,
      %swap3A_1304 = vector.shape_cast %swap3A_1303 : vector<16xi32> to vector<16xi32>
      %swap3A_1305 = vector.shape_cast %add3A_1301 : vector<16xi32> to vector<16xi32>
      tpu.vector_store %arg10[%swap3A_1302], %swap3A_1305 {strides = array<i32>} : memref<128xi32, #tpu.memory_space<vmem>>, vector<16xi32>,
      %add3A_1306 = arith.constant 65536 : i32
      %add3A_1307 = vector.broadcast %add3A_1306 : i32 to vector<16xi32>
      %add3A_1308 = arith.addi %add3A_1301, %add3A_1307 : vector<16xi32>
      %min3A_1309 = arith.constant 1048575 : i32
      %min3A_1310 = vector.broadcast %min3A_1309 : i32 to vector<16xi32>
      %min3A_1311 = arith.minsi %add3A_1308, %min3A_1310 : vector<16xi32>
      %swap3A_1312 = arith.constant 112 : index
      %swap3A_1313 = tpu.vector_load %arg11[%swap3A_1312] {strides = array<i32>} : memref<128xi32, #tpu.memory_space<vmem>>, vector<16xi32>,
      %swap3A_1314 = vector.shape_cast %swap3A_1313 : vector<16xi32> to vector<16xi32>
      %swap3A_1315 = vector.shape_cast %min3A_1311 : vector<16xi32> to vector<16xi32>
      tpu.vector_store %arg11[%swap3A_1312], %swap3A_1315 {strides = array<i32>} : memref<128xi32, #tpu.memory_space<vmem>>, vector<16xi32>,
      %add3A_1316 = arith.constant 4096 : i32
      %add3A_1317 = vector.broadcast %add3A_1316 : i32 to vector<16xi32>
      %add3A_1318 = arith.addi %add3A_1301, %add3A_1317 : vector<16xi32>
      %min3A_1319 = arith.constant 1048575 : i32
      %min3A_1320 = vector.broadcast %min3A_1319 : i32 to vector<16xi32>
      %min3A_1321 = arith.minsi %add3A_1318, %min3A_1320 : vector<16xi32>
      %swap3A_1322 = arith.constant 112 : index
      %swap3A_1323 = tpu.vector_load %arg12[%swap3A_1322] {strides = array<i32>} : memref<128xi32, #tpu.memory_space<vmem>>, vector<16xi32>,
      %swap3A_1324 = vector.shape_cast %swap3A_1323 : vector<16xi32> to vector<16xi32>
      %swap3A_1325 = vector.shape_cast %min3A_1321 : vector<16xi32> to vector<16xi32>
      tpu.vector_store %arg12[%swap3A_1322], %swap3A_1325 {strides = array<i32>} : memref<128xi32, #tpu.memory_space<vmem>>, vector<16xi32>,
      %add3A_1326 = arith.constant 69632 : i32
      %add3A_1327 = vector.broadcast %add3A_1326 : i32 to vector<16xi32>
      %add3A_1328 = arith.addi %add3A_1301, %add3A_1327 : vector<16xi32>
      %min3A_1329 = arith.constant 1048575 : i32
      %min3A_1330 = vector.broadcast %min3A_1329 : i32 to vector<16xi32>
      %min3A_1331 = arith.minsi %add3A_1328, %min3A_1330 : vector<16xi32>
      %swap3A_1332 = arith.constant 112 : index
      %swap3A_1333 = tpu.vector_load %arg13[%swap3A_1332] {strides = array<i32>} : memref<128xi32, #tpu.memory_space<vmem>>, vector<16xi32>,
      %swap3A_1334 = vector.shape_cast %swap3A_1333 : vector<16xi32> to vector<16xi32>
      %swap3A_1335 = vector.shape_cast %min3A_1331 : vector<16xi32> to vector<16xi32>
      tpu.vector_store %arg13[%swap3A_1332], %swap3A_1335 {strides = array<i32>} : memref<128xi32, #tpu.memory_space<vmem>>, vector<16xi32>,
      %mul3A_1336 = arith.mulf %sub3A_1279, %sub3A_1282 : vector<16xf32>
      %mul3A_1337 = arith.mulf %mul3A_1336, %sub3A_1285 : vector<16xf32>
      %mul3A_1338 = arith.mulf %sub3A_1273, %sub3A_1276 : vector<16xf32>
      %mul3A_1339 = arith.mulf %mul3A_1338, %mul3A_1337 : vector<16xf32>
      %swap3A_1340 = arith.constant 112 : index
      %swap3A_1341 = tpu.vector_load %arg14[%swap3A_1340] {strides = array<i32>} : memref<128xf32, #tpu.memory_space<vmem>>, vector<16xf32>,
      %swap3A_1342 = vector.shape_cast %swap3A_1341 : vector<16xf32> to vector<16xf32>
      %swap3A_1343 = vector.shape_cast %mul3A_1339 : vector<16xf32> to vector<16xf32>
      tpu.vector_store %arg14[%swap3A_1340], %swap3A_1343 {strides = array<i32>} : memref<128xf32, #tpu.memory_space<vmem>>, vector<16xf32>,
      %mul3A_1344 = arith.mulf %sub3A_1262, %sub3A_1276 : vector<16xf32>
      %mul3A_1345 = arith.mulf %mul3A_1344, %mul3A_1337 : vector<16xf32>
      %swap3A_1346 = arith.constant 112 : index
      %swap3A_1347 = tpu.vector_load %arg15[%swap3A_1346] {strides = array<i32>} : memref<128xf32, #tpu.memory_space<vmem>>, vector<16xf32>,
      %swap3A_1348 = vector.shape_cast %swap3A_1347 : vector<16xf32> to vector<16xf32>
      %swap3A_1349 = vector.shape_cast %mul3A_1345 : vector<16xf32> to vector<16xf32>
      tpu.vector_store %arg15[%swap3A_1346], %swap3A_1349 {strides = array<i32>} : memref<128xf32, #tpu.memory_space<vmem>>, vector<16xf32>,
      %mul3A_1350 = arith.mulf %sub3A_1273, %sub3A_1264 : vector<16xf32>
      %mul3A_1351 = arith.mulf %mul3A_1350, %mul3A_1337 : vector<16xf32>
      %swap3A_1352 = arith.constant 112 : index
      %swap3A_1353 = tpu.vector_load %arg16[%swap3A_1352] {strides = array<i32>} : memref<128xf32, #tpu.memory_space<vmem>>, vector<16xf32>,
      %swap3A_1354 = vector.shape_cast %swap3A_1353 : vector<16xf32> to vector<16xf32>
      %swap3A_1355 = vector.shape_cast %mul3A_1351 : vector<16xf32> to vector<16xf32>
      tpu.vector_store %arg16[%swap3A_1352], %swap3A_1355 {strides = array<i32>} : memref<128xf32, #tpu.memory_space<vmem>>, vector<16xf32>,
      %mul3A_1356 = arith.mulf %sub3A_1262, %sub3A_1264 : vector<16xf32>
      %mul3A_1357 = arith.mulf %mul3A_1356, %mul3A_1337 : vector<16xf32>
      %swap3A_1358 = arith.constant 112 : index
      %swap3A_1359 = tpu.vector_load %arg17[%swap3A_1358] {strides = array<i32>} : memref<128xf32, #tpu.memory_space<vmem>>, vector<16xf32>,
      %swap3A_1360 = vector.shape_cast %swap3A_1359 : vector<16xf32> to vector<16xf32>
      %swap3A_1361 = vector.shape_cast %mul3A_1357 : vector<16xf32> to vector<16xf32>
      tpu.vector_store %arg17[%swap3A_1358], %swap3A_1361 {strides = array<i32>} : memref<128xf32, #tpu.memory_space<vmem>>, vector<16xf32>,
      %dma_start3A = arith.constant 0 : i32
      %dma_start3A_1362 = arith.constant 0 : i32
      %dma_start3A_1363 = tpu.memref_slice %arg2[%dma_start3A, %dma_start3A_1362] : memref<1048576x32xf32, #tpu.memory_space<hbm>> -> memref<1048576x32xf32, #tpu.memory_space<hbm>>
      tpu.enqueue_indirect_dma source(%dma_start3A_1363 : memref<1048576x32xf32, #tpu.memory_space<hbm>>) target(%arg18 : memref<128x32xf32, #tpu.memory_space<vmem>>) offsets(%arg10 : memref<128xi32, #tpu.memory_space<vmem>>) semaphore(%arg23 : memref<!tpu.dma_semaphore, #tpu.memory_space<semaphore_mem>>)
      %dma_start3A_1364 = arith.constant 0 : i32
      %dma_start3A_1365 = arith.constant 0 : i32
      %dma_start3A_1366 = tpu.memref_slice %arg2[%dma_start3A_1364, %dma_start3A_1365] : memref<1048576x32xf32, #tpu.memory_space<hbm>> -> memref<1048576x32xf32, #tpu.memory_space<hbm>>
      tpu.enqueue_indirect_dma source(%dma_start3A_1366 : memref<1048576x32xf32, #tpu.memory_space<hbm>>) target(%arg19 : memref<128x32xf32, #tpu.memory_space<vmem>>) offsets(%arg11 : memref<128xi32, #tpu.memory_space<vmem>>) semaphore(%arg23 : memref<!tpu.dma_semaphore, #tpu.memory_space<semaphore_mem>>)
      %dma_start3A_1367 = arith.constant 0 : i32
      %dma_start3A_1368 = arith.constant 0 : i32
      %dma_start3A_1369 = tpu.memref_slice %arg2[%dma_start3A_1367, %dma_start3A_1368] : memref<1048576x32xf32, #tpu.memory_space<hbm>> -> memref<1048576x32xf32, #tpu.memory_space<hbm>>
      tpu.enqueue_indirect_dma source(%dma_start3A_1369 : memref<1048576x32xf32, #tpu.memory_space<hbm>>) target(%arg20 : memref<128x32xf32, #tpu.memory_space<vmem>>) offsets(%arg12 : memref<128xi32, #tpu.memory_space<vmem>>) semaphore(%arg23 : memref<!tpu.dma_semaphore, #tpu.memory_space<semaphore_mem>>)
      %dma_start3A_1370 = arith.constant 0 : i32
      %dma_start3A_1371 = arith.constant 0 : i32
      %dma_start3A_1372 = tpu.memref_slice %arg2[%dma_start3A_1370, %dma_start3A_1371] : memref<1048576x32xf32, #tpu.memory_space<hbm>> -> memref<1048576x32xf32, #tpu.memory_space<hbm>>
      tpu.enqueue_indirect_dma source(%dma_start3A_1372 : memref<1048576x32xf32, #tpu.memory_space<hbm>>) target(%arg21 : memref<128x32xf32, #tpu.memory_space<vmem>>) offsets(%arg13 : memref<128xi32, #tpu.memory_space<vmem>>) semaphore(%arg23 : memref<!tpu.dma_semaphore, #tpu.memory_space<semaphore_mem>>)
      %dma_wait3A = arith.constant 0 : i32
      %dma_wait3A_1373 = arith.constant 0 : i32
      %dma_wait3A_1374 = tpu.memref_slice %arg2[%dma_wait3A, %dma_wait3A_1373] : memref<1048576x32xf32, #tpu.memory_space<hbm>> -> memref<1048576x32xf32, #tpu.memory_space<hbm>>
      tpu.wait_indirect_dma semaphore(%arg23 : memref<!tpu.dma_semaphore, #tpu.memory_space<semaphore_mem>>) src(%dma_wait3A_1374 : memref<1048576x32xf32, #tpu.memory_space<hbm>>) dst(%arg18 : memref<128x32xf32, #tpu.memory_space<vmem>>)
      %dma_wait3A_1375 = arith.constant 0 : i32
      %dma_wait3A_1376 = arith.constant 0 : i32
      %dma_wait3A_1377 = tpu.memref_slice %arg2[%dma_wait3A_1375, %dma_wait3A_1376] : memref<1048576x32xf32, #tpu.memory_space<hbm>> -> memref<1048576x32xf32, #tpu.memory_space<hbm>>
      tpu.wait_indirect_dma semaphore(%arg23 : memref<!tpu.dma_semaphore, #tpu.memory_space<semaphore_mem>>) src(%dma_wait3A_1377 : memref<1048576x32xf32, #tpu.memory_space<hbm>>) dst(%arg19 : memref<128x32xf32, #tpu.memory_space<vmem>>)
      %dma_wait3A_1378 = arith.constant 0 : i32
      %dma_wait3A_1379 = arith.constant 0 : i32
      %dma_wait3A_1380 = tpu.memref_slice %arg2[%dma_wait3A_1378, %dma_wait3A_1379] : memref<1048576x32xf32, #tpu.memory_space<hbm>> -> memref<1048576x32xf32, #tpu.memory_space<hbm>>
      tpu.wait_indirect_dma semaphore(%arg23 : memref<!tpu.dma_semaphore, #tpu.memory_space<semaphore_mem>>) src(%dma_wait3A_1380 : memref<1048576x32xf32, #tpu.memory_space<hbm>>) dst(%arg20 : memref<128x32xf32, #tpu.memory_space<vmem>>)
      %dma_wait3A_1381 = arith.constant 0 : i32
      %dma_wait3A_1382 = arith.constant 0 : i32
      %dma_wait3A_1383 = tpu.memref_slice %arg2[%dma_wait3A_1381, %dma_wait3A_1382] : memref<1048576x32xf32, #tpu.memory_space<hbm>> -> memref<1048576x32xf32, #tpu.memory_space<hbm>>
      tpu.wait_indirect_dma semaphore(%arg23 : memref<!tpu.dma_semaphore, #tpu.memory_space<semaphore_mem>>) src(%dma_wait3A_1383 : memref<1048576x32xf32, #tpu.memory_space<hbm>>) dst(%arg21 : memref<128x32xf32, #tpu.memory_space<vmem>>)
      %scan3A_1384 = arith.constant 0 : i32
      %scan3A_1385 = arith.constant 0 : i32
      %scan3A_1386 = arith.constant 8 : i32
      %scan3A_1387 = arith.addi %scan3A_1385, %scan3A_1386 : i32
      %scan3A_1388 = arith.constant 1 : i32
      %scan3A_1389 = scf.for %scan3A_1393 = %scan3A_1385 to %scan3A_1387 step %scan3A_1388 iter_args(%scan3A_1394 = %scan3A_1384) -> (i32)  : i32 {
        %mul3A_1395 = arith.constant 16 : i32
        %mul3A_1396 = arith.muli %scan3A_1393, %mul3A_1395 : i32
        %get3A_1397 = arith.index_cast %mul3A_1396 : i32 to index
        %get3A_1398 = tpu.vector_load %arg14[%get3A_1397] {strides = array<i32>} : memref<128xf32, #tpu.memory_space<vmem>>, vector<16xf32>,
        %get3A_1399 = vector.shape_cast %get3A_1398 : vector<16xf32> to vector<16xf32>
        %get3A_1400 = arith.index_cast %mul3A_1396 : i32 to index
        %get3A_1401 = tpu.vector_load %arg15[%get3A_1400] {strides = array<i32>} : memref<128xf32, #tpu.memory_space<vmem>>, vector<16xf32>,
        %get3A_1402 = vector.shape_cast %get3A_1401 : vector<16xf32> to vector<16xf32>
        %get3A_1403 = arith.index_cast %mul3A_1396 : i32 to index
        %get3A_1404 = tpu.vector_load %arg16[%get3A_1403] {strides = array<i32>} : memref<128xf32, #tpu.memory_space<vmem>>, vector<16xf32>,
        %get3A_1405 = vector.shape_cast %get3A_1404 : vector<16xf32> to vector<16xf32>
        %get3A_1406 = arith.index_cast %mul3A_1396 : i32 to index
        %get3A_1407 = tpu.vector_load %arg17[%get3A_1406] {strides = array<i32>} : memref<128xf32, #tpu.memory_space<vmem>>, vector<16xf32>,
        %get3A_1408 = vector.shape_cast %get3A_1407 : vector<16xf32> to vector<16xf32>
        %mul3A_1409 = arith.constant 16 : i32
        %mul3A_1410 = arith.muli %scan3A_1393, %mul3A_1409 : i32
        %add3A_1411 = arith.constant 0 : i32
        %add3A_1412 = arith.addi %mul3A_1410, %add3A_1411 : i32
        %get3A_1413 = arith.index_cast %add3A_1412 : i32 to index
        %get3A_1414 = arith.constant 0 : index
        %get3A_1415 = tpu.vector_load %arg18[%get3A_1413, %get3A_1414] {strides = array<i32>} : memref<128x32xf32, #tpu.memory_space<vmem>>, vector<1x16xf32>,
        %get3A_1416 = vector.shape_cast %get3A_1415 : vector<1x16xf32> to vector<16xf32>
        %slice3A = vector.extract_strided_slice %get3A_1399 {offsets = [0], sizes = [1], strides = [1]} : vector<16xf32> to vector<1xf32>
        %squeeze3A = vector.extract %slice3A[0] : f32 from vector<1xf32>
        %mul3A_1417 = vector.broadcast %squeeze3A : f32 to vector<16xf32>
        %mul3A_1418 = arith.mulf %get3A_1416, %mul3A_1417 : vector<16xf32>
        %get3A_1419 = arith.index_cast %add3A_1412 : i32 to index
        %get3A_1420 = arith.constant 0 : index
        %get3A_1421 = tpu.vector_load %arg19[%get3A_1419, %get3A_1420] {strides = array<i32>} : memref<128x32xf32, #tpu.memory_space<vmem>>, vector<1x16xf32>,
        %get3A_1422 = vector.shape_cast %get3A_1421 : vector<1x16xf32> to vector<16xf32>
        %slice3A_1423 = vector.extract_strided_slice %get3A_1402 {offsets = [0], sizes = [1], strides = [1]} : vector<16xf32> to vector<1xf32>
        %squeeze3A_1424 = vector.extract %slice3A_1423[0] : f32 from vector<1xf32>
        %mul3A_1425 = vector.broadcast %squeeze3A_1424 : f32 to vector<16xf32>
        %mul3A_1426 = arith.mulf %get3A_1422, %mul3A_1425 : vector<16xf32>
        %add3A_1427 = arith.addf %mul3A_1418, %mul3A_1426 : vector<16xf32>
        %get3A_1428 = arith.index_cast %add3A_1412 : i32 to index
        %get3A_1429 = arith.constant 0 : index
        %get3A_1430 = tpu.vector_load %arg20[%get3A_1428, %get3A_1429] {strides = array<i32>} : memref<128x32xf32, #tpu.memory_space<vmem>>, vector<1x16xf32>,
        %get3A_1431 = vector.shape_cast %get3A_1430 : vector<1x16xf32> to vector<16xf32>
        %slice3A_1432 = vector.extract_strided_slice %get3A_1405 {offsets = [0], sizes = [1], strides = [1]} : vector<16xf32> to vector<1xf32>
        %squeeze3A_1433 = vector.extract %slice3A_1432[0] : f32 from vector<1xf32>
        %mul3A_1434 = vector.broadcast %squeeze3A_1433 : f32 to vector<16xf32>
        %mul3A_1435 = arith.mulf %get3A_1431, %mul3A_1434 : vector<16xf32>
        %add3A_1436 = arith.addf %add3A_1427, %mul3A_1435 : vector<16xf32>
        %get3A_1437 = arith.index_cast %add3A_1412 : i32 to index
        %get3A_1438 = arith.constant 0 : index
        %get3A_1439 = tpu.vector_load %arg21[%get3A_1437, %get3A_1438] {strides = array<i32>} : memref<128x32xf32, #tpu.memory_space<vmem>>, vector<1x16xf32>,
        %get3A_1440 = vector.shape_cast %get3A_1439 : vector<1x16xf32> to vector<16xf32>
        %slice3A_1441 = vector.extract_strided_slice %get3A_1408 {offsets = [0], sizes = [1], strides = [1]} : vector<16xf32> to vector<1xf32>
        %squeeze3A_1442 = vector.extract %slice3A_1441[0] : f32 from vector<1xf32>
        %mul3A_1443 = vector.broadcast %squeeze3A_1442 : f32 to vector<16xf32>
        %mul3A_1444 = arith.mulf %get3A_1440, %mul3A_1443 : vector<16xf32>
        %add3A_1445 = arith.addf %add3A_1436, %mul3A_1444 : vector<16xf32>
        %get3A_1446 = arith.index_cast %add3A_1412 : i32 to index
        %get3A_1447 = arith.constant 16 : index
        %get3A_1448 = tpu.vector_load %arg18[%get3A_1446, %get3A_1447] {strides = array<i32>} : memref<128x32xf32, #tpu.memory_space<vmem>>, vector<1x16xf32>,
        %get3A_1449 = vector.shape_cast %get3A_1448 : vector<1x16xf32> to vector<16xf32>
        %slice3A_1450 = vector.extract_strided_slice %get3A_1399 {offsets = [0], sizes = [1], strides = [1]} : vector<16xf32> to vector<1xf32>
        %squeeze3A_1451 = vector.extract %slice3A_1450[0] : f32 from vector<1xf32>
        %mul3A_1452 = vector.broadcast %squeeze3A_1451 : f32 to vector<16xf32>
        %mul3A_1453 = arith.mulf %get3A_1449, %mul3A_1452 : vector<16xf32>
        %get3A_1454 = arith.index_cast %add3A_1412 : i32 to index
        %get3A_1455 = arith.constant 16 : index
        %get3A_1456 = tpu.vector_load %arg19[%get3A_1454, %get3A_1455] {strides = array<i32>} : memref<128x32xf32, #tpu.memory_space<vmem>>, vector<1x16xf32>,
        %get3A_1457 = vector.shape_cast %get3A_1456 : vector<1x16xf32> to vector<16xf32>
        %slice3A_1458 = vector.extract_strided_slice %get3A_1402 {offsets = [0], sizes = [1], strides = [1]} : vector<16xf32> to vector<1xf32>
        %squeeze3A_1459 = vector.extract %slice3A_1458[0] : f32 from vector<1xf32>
        %mul3A_1460 = vector.broadcast %squeeze3A_1459 : f32 to vector<16xf32>
        %mul3A_1461 = arith.mulf %get3A_1457, %mul3A_1460 : vector<16xf32>
        %add3A_1462 = arith.addf %mul3A_1453, %mul3A_1461 : vector<16xf32>
        %get3A_1463 = arith.index_cast %add3A_1412 : i32 to index
        %get3A_1464 = arith.constant 16 : index
        %get3A_1465 = tpu.vector_load %arg20[%get3A_1463, %get3A_1464] {strides = array<i32>} : memref<128x32xf32, #tpu.memory_space<vmem>>, vector<1x16xf32>,
        %get3A_1466 = vector.shape_cast %get3A_1465 : vector<1x16xf32> to vector<16xf32>
        %slice3A_1467 = vector.extract_strided_slice %get3A_1405 {offsets = [0], sizes = [1], strides = [1]} : vector<16xf32> to vector<1xf32>
        %squeeze3A_1468 = vector.extract %slice3A_1467[0] : f32 from vector<1xf32>
        %mul3A_1469 = vector.broadcast %squeeze3A_1468 : f32 to vector<16xf32>
        %mul3A_1470 = arith.mulf %get3A_1466, %mul3A_1469 : vector<16xf32>
        %add3A_1471 = arith.addf %add3A_1462, %mul3A_1470 : vector<16xf32>
        %get3A_1472 = arith.index_cast %add3A_1412 : i32 to index
        %get3A_1473 = arith.constant 16 : index
        %get3A_1474 = tpu.vector_load %arg21[%get3A_1472, %get3A_1473] {strides = array<i32>} : memref<128x32xf32, #tpu.memory_space<vmem>>, vector<1x16xf32>,
        %get3A_1475 = vector.shape_cast %get3A_1474 : vector<1x16xf32> to vector<16xf32>
        %slice3A_1476 = vector.extract_strided_slice %get3A_1408 {offsets = [0], sizes = [1], strides = [1]} : vector<16xf32> to vector<1xf32>
        %squeeze3A_1477 = vector.extract %slice3A_1476[0] : f32 from vector<1xf32>
        %mul3A_1478 = vector.broadcast %squeeze3A_1477 : f32 to vector<16xf32>
        %mul3A_1479 = arith.mulf %get3A_1475, %mul3A_1478 : vector<16xf32>
        %add3A_1480 = arith.addf %add3A_1471, %mul3A_1479 : vector<16xf32>
        %swap3A_1481 = arith.index_cast %add3A_1412 : i32 to index
        %swap3A_1482 = arith.constant 0 : index
        %swap3A_1483 = tpu.vector_load %arg22[%swap3A_1481, %swap3A_1482] {strides = array<i32>} : memref<128x32xf32, #tpu.memory_space<vmem>>, vector<1x16xf32>,
        %swap3A_1484 = vector.shape_cast %swap3A_1483 : vector<1x16xf32> to vector<16xf32>
        %swap3A_1485 = vector.shape_cast %add3A_1445 : vector<16xf32> to vector<1x16xf32>
        tpu.vector_store %arg22[%swap3A_1481, %swap3A_1482], %swap3A_1485 {strides = array<i32>} : memref<128x32xf32, #tpu.memory_space<vmem>>, vector<1x16xf32>,
        %swap3A_1486 = arith.index_cast %add3A_1412 : i32 to index
        %swap3A_1487 = arith.constant 16 : index
        %swap3A_1488 = tpu.vector_load %arg22[%swap3A_1486, %swap3A_1487] {strides = array<i32>} : memref<128x32xf32, #tpu.memory_space<vmem>>, vector<1x16xf32>,
        %swap3A_1489 = vector.shape_cast %swap3A_1488 : vector<1x16xf32> to vector<16xf32>
        %swap3A_1490 = vector.shape_cast %add3A_1480 : vector<16xf32> to vector<1x16xf32>
        tpu.vector_store %arg22[%swap3A_1486, %swap3A_1487], %swap3A_1490 {strides = array<i32>} : memref<128x32xf32, #tpu.memory_space<vmem>>, vector<1x16xf32>,
        %mul3A_1491 = arith.constant 16 : i32
        %mul3A_1492 = arith.muli %scan3A_1393, %mul3A_1491 : i32
        %add3A_1493 = arith.constant 1 : i32
        %add3A_1494 = arith.addi %mul3A_1492, %add3A_1493 : i32
        %get3A_1495 = arith.index_cast %add3A_1494 : i32 to index
        %get3A_1496 = arith.constant 0 : index
        %get3A_1497 = tpu.vector_load %arg18[%get3A_1495, %get3A_1496] {strides = array<i32>} : memref<128x32xf32, #tpu.memory_space<vmem>>, vector<1x16xf32>,
        %get3A_1498 = vector.shape_cast %get3A_1497 : vector<1x16xf32> to vector<16xf32>
        %slice3A_1499 = vector.extract_strided_slice %get3A_1399 {offsets = [1], sizes = [1], strides = [1]} : vector<16xf32> to vector<1xf32>
        %squeeze3A_1500 = vector.extract %slice3A_1499[0] : f32 from vector<1xf32>
        %mul3A_1501 = vector.broadcast %squeeze3A_1500 : f32 to vector<16xf32>
        %mul3A_1502 = arith.mulf %get3A_1498, %mul3A_1501 : vector<16xf32>
        %get3A_1503 = arith.index_cast %add3A_1494 : i32 to index
        %get3A_1504 = arith.constant 0 : index
        %get3A_1505 = tpu.vector_load %arg19[%get3A_1503, %get3A_1504] {strides = array<i32>} : memref<128x32xf32, #tpu.memory_space<vmem>>, vector<1x16xf32>,
        %get3A_1506 = vector.shape_cast %get3A_1505 : vector<1x16xf32> to vector<16xf32>
        %slice3A_1507 = vector.extract_strided_slice %get3A_1402 {offsets = [1], sizes = [1], strides = [1]} : vector<16xf32> to vector<1xf32>
        %squeeze3A_1508 = vector.extract %slice3A_1507[0] : f32 from vector<1xf32>
        %mul3A_1509 = vector.broadcast %squeeze3A_1508 : f32 to vector<16xf32>
        %mul3A_1510 = arith.mulf %get3A_1506, %mul3A_1509 : vector<16xf32>
        %add3A_1511 = arith.addf %mul3A_1502, %mul3A_1510 : vector<16xf32>
        %get3A_1512 = arith.index_cast %add3A_1494 : i32 to index
        %get3A_1513 = arith.constant 0 : index
        %get3A_1514 = tpu.vector_load %arg20[%get3A_1512, %get3A_1513] {strides = array<i32>} : memref<128x32xf32, #tpu.memory_space<vmem>>, vector<1x16xf32>,
        %get3A_1515 = vector.shape_cast %get3A_1514 : vector<1x16xf32> to vector<16xf32>
        %slice3A_1516 = vector.extract_strided_slice %get3A_1405 {offsets = [1], sizes = [1], strides = [1]} : vector<16xf32> to vector<1xf32>
        %squeeze3A_1517 = vector.extract %slice3A_1516[0] : f32 from vector<1xf32>
        %mul3A_1518 = vector.broadcast %squeeze3A_1517 : f32 to vector<16xf32>
        %mul3A_1519 = arith.mulf %get3A_1515, %mul3A_1518 : vector<16xf32>
        %add3A_1520 = arith.addf %add3A_1511, %mul3A_1519 : vector<16xf32>
        %get3A_1521 = arith.index_cast %add3A_1494 : i32 to index
        %get3A_1522 = arith.constant 0 : index
        %get3A_1523 = tpu.vector_load %arg21[%get3A_1521, %get3A_1522] {strides = array<i32>} : memref<128x32xf32, #tpu.memory_space<vmem>>, vector<1x16xf32>,
        %get3A_1524 = vector.shape_cast %get3A_1523 : vector<1x16xf32> to vector<16xf32>
        %slice3A_1525 = vector.extract_strided_slice %get3A_1408 {offsets = [1], sizes = [1], strides = [1]} : vector<16xf32> to vector<1xf32>
        %squeeze3A_1526 = vector.extract %slice3A_1525[0] : f32 from vector<1xf32>
        %mul3A_1527 = vector.broadcast %squeeze3A_1526 : f32 to vector<16xf32>
        %mul3A_1528 = arith.mulf %get3A_1524, %mul3A_1527 : vector<16xf32>
        %add3A_1529 = arith.addf %add3A_1520, %mul3A_1528 : vector<16xf32>
        %get3A_1530 = arith.index_cast %add3A_1494 : i32 to index
        %get3A_1531 = arith.constant 16 : index
        %get3A_1532 = tpu.vector_load %arg18[%get3A_1530, %get3A_1531] {strides = array<i32>} : memref<128x32xf32, #tpu.memory_space<vmem>>, vector<1x16xf32>,
        %get3A_1533 = vector.shape_cast %get3A_1532 : vector<1x16xf32> to vector<16xf32>
        %slice3A_1534 = vector.extract_strided_slice %get3A_1399 {offsets = [1], sizes = [1], strides = [1]} : vector<16xf32> to vector<1xf32>
        %squeeze3A_1535 = vector.extract %slice3A_1534[0] : f32 from vector<1xf32>
        %mul3A_1536 = vector.broadcast %squeeze3A_1535 : f32 to vector<16xf32>
        %mul3A_1537 = arith.mulf %get3A_1533, %mul3A_1536 : vector<16xf32>
        %get3A_1538 = arith.index_cast %add3A_1494 : i32 to index
        %get3A_1539 = arith.constant 16 : index
        %get3A_1540 = tpu.vector_load %arg19[%get3A_1538, %get3A_1539] {strides = array<i32>} : memref<128x32xf32, #tpu.memory_space<vmem>>, vector<1x16xf32>,
        %get3A_1541 = vector.shape_cast %get3A_1540 : vector<1x16xf32> to vector<16xf32>
        %slice3A_1542 = vector.extract_strided_slice %get3A_1402 {offsets = [1], sizes = [1], strides = [1]} : vector<16xf32> to vector<1xf32>
        %squeeze3A_1543 = vector.extract %slice3A_1542[0] : f32 from vector<1xf32>
        %mul3A_1544 = vector.broadcast %squeeze3A_1543 : f32 to vector<16xf32>
        %mul3A_1545 = arith.mulf %get3A_1541, %mul3A_1544 : vector<16xf32>
        %add3A_1546 = arith.addf %mul3A_1537, %mul3A_1545 : vector<16xf32>
        %get3A_1547 = arith.index_cast %add3A_1494 : i32 to index
        %get3A_1548 = arith.constant 16 : index
        %get3A_1549 = tpu.vector_load %arg20[%get3A_1547, %get3A_1548] {strides = array<i32>} : memref<128x32xf32, #tpu.memory_space<vmem>>, vector<1x16xf32>,
        %get3A_1550 = vector.shape_cast %get3A_1549 : vector<1x16xf32> to vector<16xf32>
        %slice3A_1551 = vector.extract_strided_slice %get3A_1405 {offsets = [1], sizes = [1], strides = [1]} : vector<16xf32> to vector<1xf32>
        %squeeze3A_1552 = vector.extract %slice3A_1551[0] : f32 from vector<1xf32>
        %mul3A_1553 = vector.broadcast %squeeze3A_1552 : f32 to vector<16xf32>
        %mul3A_1554 = arith.mulf %get3A_1550, %mul3A_1553 : vector<16xf32>
        %add3A_1555 = arith.addf %add3A_1546, %mul3A_1554 : vector<16xf32>
        %get3A_1556 = arith.index_cast %add3A_1494 : i32 to index
        %get3A_1557 = arith.constant 16 : index
        %get3A_1558 = tpu.vector_load %arg21[%get3A_1556, %get3A_1557] {strides = array<i32>} : memref<128x32xf32, #tpu.memory_space<vmem>>, vector<1x16xf32>,
        %get3A_1559 = vector.shape_cast %get3A_1558 : vector<1x16xf32> to vector<16xf32>
        %slice3A_1560 = vector.extract_strided_slice %get3A_1408 {offsets = [1], sizes = [1], strides = [1]} : vector<16xf32> to vector<1xf32>
        %squeeze3A_1561 = vector.extract %slice3A_1560[0] : f32 from vector<1xf32>
        %mul3A_1562 = vector.broadcast %squeeze3A_1561 : f32 to vector<16xf32>
        %mul3A_1563 = arith.mulf %get3A_1559, %mul3A_1562 : vector<16xf32>
        %add3A_1564 = arith.addf %add3A_1555, %mul3A_1563 : vector<16xf32>
        %swap3A_1565 = arith.index_cast %add3A_1494 : i32 to index
        %swap3A_1566 = arith.constant 0 : index
        %swap3A_1567 = tpu.vector_load %arg22[%swap3A_1565, %swap3A_1566] {strides = array<i32>} : memref<128x32xf32, #tpu.memory_space<vmem>>, vector<1x16xf32>,
        %swap3A_1568 = vector.shape_cast %swap3A_1567 : vector<1x16xf32> to vector<16xf32>
        %swap3A_1569 = vector.shape_cast %add3A_1529 : vector<16xf32> to vector<1x16xf32>
        tpu.vector_store %arg22[%swap3A_1565, %swap3A_1566], %swap3A_1569 {strides = array<i32>} : memref<128x32xf32, #tpu.memory_space<vmem>>, vector<1x16xf32>,
        %swap3A_1570 = arith.index_cast %add3A_1494 : i32 to index
        %swap3A_1571 = arith.constant 16 : index
        %swap3A_1572 = tpu.vector_load %arg22[%swap3A_1570, %swap3A_1571] {strides = array<i32>} : memref<128x32xf32, #tpu.memory_space<vmem>>, vector<1x16xf32>,
        %swap3A_1573 = vector.shape_cast %swap3A_1572 : vector<1x16xf32> to vector<16xf32>
        %swap3A_1574 = vector.shape_cast %add3A_1564 : vector<16xf32> to vector<1x16xf32>
        tpu.vector_store %arg22[%swap3A_1570, %swap3A_1571], %swap3A_1574 {strides = array<i32>} : memref<128x32xf32, #tpu.memory_space<vmem>>, vector<1x16xf32>,
        %mul3A_1575 = arith.constant 16 : i32
        %mul3A_1576 = arith.muli %scan3A_1393, %mul3A_1575 : i32
        %add3A_1577 = arith.constant 2 : i32
        %add3A_1578 = arith.addi %mul3A_1576, %add3A_1577 : i32
        %get3A_1579 = arith.index_cast %add3A_1578 : i32 to index
        %get3A_1580 = arith.constant 0 : index
        %get3A_1581 = tpu.vector_load %arg18[%get3A_1579, %get3A_1580] {strides = array<i32>} : memref<128x32xf32, #tpu.memory_space<vmem>>, vector<1x16xf32>,
        %get3A_1582 = vector.shape_cast %get3A_1581 : vector<1x16xf32> to vector<16xf32>
        %slice3A_1583 = vector.extract_strided_slice %get3A_1399 {offsets = [2], sizes = [1], strides = [1]} : vector<16xf32> to vector<1xf32>
        %squeeze3A_1584 = vector.extract %slice3A_1583[0] : f32 from vector<1xf32>
        %mul3A_1585 = vector.broadcast %squeeze3A_1584 : f32 to vector<16xf32>
        %mul3A_1586 = arith.mulf %get3A_1582, %mul3A_1585 : vector<16xf32>
        %get3A_1587 = arith.index_cast %add3A_1578 : i32 to index
        %get3A_1588 = arith.constant 0 : index
        %get3A_1589 = tpu.vector_load %arg19[%get3A_1587, %get3A_1588] {strides = array<i32>} : memref<128x32xf32, #tpu.memory_space<vmem>>, vector<1x16xf32>,
        %get3A_1590 = vector.shape_cast %get3A_1589 : vector<1x16xf32> to vector<16xf32>
        %slice3A_1591 = vector.extract_strided_slice %get3A_1402 {offsets = [2], sizes = [1], strides = [1]} : vector<16xf32> to vector<1xf32>
        %squeeze3A_1592 = vector.extract %slice3A_1591[0] : f32 from vector<1xf32>
        %mul3A_1593 = vector.broadcast %squeeze3A_1592 : f32 to vector<16xf32>
        %mul3A_1594 = arith.mulf %get3A_1590, %mul3A_1593 : vector<16xf32>
        %add3A_1595 = arith.addf %mul3A_1586, %mul3A_1594 : vector<16xf32>
        %get3A_1596 = arith.index_cast %add3A_1578 : i32 to index
        %get3A_1597 = arith.constant 0 : index
        %get3A_1598 = tpu.vector_load %arg20[%get3A_1596, %get3A_1597] {strides = array<i32>} : memref<128x32xf32, #tpu.memory_space<vmem>>, vector<1x16xf32>,
        %get3A_1599 = vector.shape_cast %get3A_1598 : vector<1x16xf32> to vector<16xf32>
        %slice3A_1600 = vector.extract_strided_slice %get3A_1405 {offsets = [2], sizes = [1], strides = [1]} : vector<16xf32> to vector<1xf32>
        %squeeze3A_1601 = vector.extract %slice3A_1600[0] : f32 from vector<1xf32>
        %mul3A_1602 = vector.broadcast %squeeze3A_1601 : f32 to vector<16xf32>
        %mul3A_1603 = arith.mulf %get3A_1599, %mul3A_1602 : vector<16xf32>
        %add3A_1604 = arith.addf %add3A_1595, %mul3A_1603 : vector<16xf32>
        %get3A_1605 = arith.index_cast %add3A_1578 : i32 to index
        %get3A_1606 = arith.constant 0 : index
        %get3A_1607 = tpu.vector_load %arg21[%get3A_1605, %get3A_1606] {strides = array<i32>} : memref<128x32xf32, #tpu.memory_space<vmem>>, vector<1x16xf32>,
        %get3A_1608 = vector.shape_cast %get3A_1607 : vector<1x16xf32> to vector<16xf32>
        %slice3A_1609 = vector.extract_strided_slice %get3A_1408 {offsets = [2], sizes = [1], strides = [1]} : vector<16xf32> to vector<1xf32>
        %squeeze3A_1610 = vector.extract %slice3A_1609[0] : f32 from vector<1xf32>
        %mul3A_1611 = vector.broadcast %squeeze3A_1610 : f32 to vector<16xf32>
        %mul3A_1612 = arith.mulf %get3A_1608, %mul3A_1611 : vector<16xf32>
        %add3A_1613 = arith.addf %add3A_1604, %mul3A_1612 : vector<16xf32>
        %get3A_1614 = arith.index_cast %add3A_1578 : i32 to index
        %get3A_1615 = arith.constant 16 : index
        %get3A_1616 = tpu.vector_load %arg18[%get3A_1614, %get3A_1615] {strides = array<i32>} : memref<128x32xf32, #tpu.memory_space<vmem>>, vector<1x16xf32>,
        %get3A_1617 = vector.shape_cast %get3A_1616 : vector<1x16xf32> to vector<16xf32>
        %slice3A_1618 = vector.extract_strided_slice %get3A_1399 {offsets = [2], sizes = [1], strides = [1]} : vector<16xf32> to vector<1xf32>
        %squeeze3A_1619 = vector.extract %slice3A_1618[0] : f32 from vector<1xf32>
        %mul3A_1620 = vector.broadcast %squeeze3A_1619 : f32 to vector<16xf32>
        %mul3A_1621 = arith.mulf %get3A_1617, %mul3A_1620 : vector<16xf32>
        %get3A_1622 = arith.index_cast %add3A_1578 : i32 to index
        %get3A_1623 = arith.constant 16 : index
        %get3A_1624 = tpu.vector_load %arg19[%get3A_1622, %get3A_1623] {strides = array<i32>} : memref<128x32xf32, #tpu.memory_space<vmem>>, vector<1x16xf32>,
        %get3A_1625 = vector.shape_cast %get3A_1624 : vector<1x16xf32> to vector<16xf32>
        %slice3A_1626 = vector.extract_strided_slice %get3A_1402 {offsets = [2], sizes = [1], strides = [1]} : vector<16xf32> to vector<1xf32>
        %squeeze3A_1627 = vector.extract %slice3A_1626[0] : f32 from vector<1xf32>
        %mul3A_1628 = vector.broadcast %squeeze3A_1627 : f32 to vector<16xf32>
        %mul3A_1629 = arith.mulf %get3A_1625, %mul3A_1628 : vector<16xf32>
        %add3A_1630 = arith.addf %mul3A_1621, %mul3A_1629 : vector<16xf32>
        %get3A_1631 = arith.index_cast %add3A_1578 : i32 to index
        %get3A_1632 = arith.constant 16 : index
        %get3A_1633 = tpu.vector_load %arg20[%get3A_1631, %get3A_1632] {strides = array<i32>} : memref<128x32xf32, #tpu.memory_space<vmem>>, vector<1x16xf32>,
        %get3A_1634 = vector.shape_cast %get3A_1633 : vector<1x16xf32> to vector<16xf32>
        %slice3A_1635 = vector.extract_strided_slice %get3A_1405 {offsets = [2], sizes = [1], strides = [1]} : vector<16xf32> to vector<1xf32>
        %squeeze3A_1636 = vector.extract %slice3A_1635[0] : f32 from vector<1xf32>
        %mul3A_1637 = vector.broadcast %squeeze3A_1636 : f32 to vector<16xf32>
        %mul3A_1638 = arith.mulf %get3A_1634, %mul3A_1637 : vector<16xf32>
        %add3A_1639 = arith.addf %add3A_1630, %mul3A_1638 : vector<16xf32>
        %get3A_1640 = arith.index_cast %add3A_1578 : i32 to index
        %get3A_1641 = arith.constant 16 : index
        %get3A_1642 = tpu.vector_load %arg21[%get3A_1640, %get3A_1641] {strides = array<i32>} : memref<128x32xf32, #tpu.memory_space<vmem>>, vector<1x16xf32>,
        %get3A_1643 = vector.shape_cast %get3A_1642 : vector<1x16xf32> to vector<16xf32>
        %slice3A_1644 = vector.extract_strided_slice %get3A_1408 {offsets = [2], sizes = [1], strides = [1]} : vector<16xf32> to vector<1xf32>
        %squeeze3A_1645 = vector.extract %slice3A_1644[0] : f32 from vector<1xf32>
        %mul3A_1646 = vector.broadcast %squeeze3A_1645 : f32 to vector<16xf32>
        %mul3A_1647 = arith.mulf %get3A_1643, %mul3A_1646 : vector<16xf32>
        %add3A_1648 = arith.addf %add3A_1639, %mul3A_1647 : vector<16xf32>
        %swap3A_1649 = arith.index_cast %add3A_1578 : i32 to index
        %swap3A_1650 = arith.constant 0 : index
        %swap3A_1651 = tpu.vector_load %arg22[%swap3A_1649, %swap3A_1650] {strides = array<i32>} : memref<128x32xf32, #tpu.memory_space<vmem>>, vector<1x16xf32>,
        %swap3A_1652 = vector.shape_cast %swap3A_1651 : vector<1x16xf32> to vector<16xf32>
        %swap3A_1653 = vector.shape_cast %add3A_1613 : vector<16xf32> to vector<1x16xf32>
        tpu.vector_store %arg22[%swap3A_1649, %swap3A_1650], %swap3A_1653 {strides = array<i32>} : memref<128x32xf32, #tpu.memory_space<vmem>>, vector<1x16xf32>,
        %swap3A_1654 = arith.index_cast %add3A_1578 : i32 to index
        %swap3A_1655 = arith.constant 16 : index
        %swap3A_1656 = tpu.vector_load %arg22[%swap3A_1654, %swap3A_1655] {strides = array<i32>} : memref<128x32xf32, #tpu.memory_space<vmem>>, vector<1x16xf32>,
        %swap3A_1657 = vector.shape_cast %swap3A_1656 : vector<1x16xf32> to vector<16xf32>
        %swap3A_1658 = vector.shape_cast %add3A_1648 : vector<16xf32> to vector<1x16xf32>
        tpu.vector_store %arg22[%swap3A_1654, %swap3A_1655], %swap3A_1658 {strides = array<i32>} : memref<128x32xf32, #tpu.memory_space<vmem>>, vector<1x16xf32>,
        %mul3A_1659 = arith.constant 16 : i32
        %mul3A_1660 = arith.muli %scan3A_1393, %mul3A_1659 : i32
        %add3A_1661 = arith.constant 3 : i32
        %add3A_1662 = arith.addi %mul3A_1660, %add3A_1661 : i32
        %get3A_1663 = arith.index_cast %add3A_1662 : i32 to index
        %get3A_1664 = arith.constant 0 : index
        %get3A_1665 = tpu.vector_load %arg18[%get3A_1663, %get3A_1664] {strides = array<i32>} : memref<128x32xf32, #tpu.memory_space<vmem>>, vector<1x16xf32>,
        %get3A_1666 = vector.shape_cast %get3A_1665 : vector<1x16xf32> to vector<16xf32>
        %slice3A_1667 = vector.extract_strided_slice %get3A_1399 {offsets = [3], sizes = [1], strides = [1]} : vector<16xf32> to vector<1xf32>
        %squeeze3A_1668 = vector.extract %slice3A_1667[0] : f32 from vector<1xf32>
        %mul3A_1669 = vector.broadcast %squeeze3A_1668 : f32 to vector<16xf32>
        %mul3A_1670 = arith.mulf %get3A_1666, %mul3A_1669 : vector<16xf32>
        %get3A_1671 = arith.index_cast %add3A_1662 : i32 to index
        %get3A_1672 = arith.constant 0 : index
        %get3A_1673 = tpu.vector_load %arg19[%get3A_1671, %get3A_1672] {strides = array<i32>} : memref<128x32xf32, #tpu.memory_space<vmem>>, vector<1x16xf32>,
        %get3A_1674 = vector.shape_cast %get3A_1673 : vector<1x16xf32> to vector<16xf32>
        %slice3A_1675 = vector.extract_strided_slice %get3A_1402 {offsets = [3], sizes = [1], strides = [1]} : vector<16xf32> to vector<1xf32>
        %squeeze3A_1676 = vector.extract %slice3A_1675[0] : f32 from vector<1xf32>
        %mul3A_1677 = vector.broadcast %squeeze3A_1676 : f32 to vector<16xf32>
        %mul3A_1678 = arith.mulf %get3A_1674, %mul3A_1677 : vector<16xf32>
        %add3A_1679 = arith.addf %mul3A_1670, %mul3A_1678 : vector<16xf32>
        %get3A_1680 = arith.index_cast %add3A_1662 : i32 to index
        %get3A_1681 = arith.constant 0 : index
        %get3A_1682 = tpu.vector_load %arg20[%get3A_1680, %get3A_1681] {strides = array<i32>} : memref<128x32xf32, #tpu.memory_space<vmem>>, vector<1x16xf32>,
        %get3A_1683 = vector.shape_cast %get3A_1682 : vector<1x16xf32> to vector<16xf32>
        %slice3A_1684 = vector.extract_strided_slice %get3A_1405 {offsets = [3], sizes = [1], strides = [1]} : vector<16xf32> to vector<1xf32>
        %squeeze3A_1685 = vector.extract %slice3A_1684[0] : f32 from vector<1xf32>
        %mul3A_1686 = vector.broadcast %squeeze3A_1685 : f32 to vector<16xf32>
        %mul3A_1687 = arith.mulf %get3A_1683, %mul3A_1686 : vector<16xf32>
        %add3A_1688 = arith.addf %add3A_1679, %mul3A_1687 : vector<16xf32>
        %get3A_1689 = arith.index_cast %add3A_1662 : i32 to index
        %get3A_1690 = arith.constant 0 : index
        %get3A_1691 = tpu.vector_load %arg21[%get3A_1689, %get3A_1690] {strides = array<i32>} : memref<128x32xf32, #tpu.memory_space<vmem>>, vector<1x16xf32>,
        %get3A_1692 = vector.shape_cast %get3A_1691 : vector<1x16xf32> to vector<16xf32>
        %slice3A_1693 = vector.extract_strided_slice %get3A_1408 {offsets = [3], sizes = [1], strides = [1]} : vector<16xf32> to vector<1xf32>
        %squeeze3A_1694 = vector.extract %slice3A_1693[0] : f32 from vector<1xf32>
        %mul3A_1695 = vector.broadcast %squeeze3A_1694 : f32 to vector<16xf32>
        %mul3A_1696 = arith.mulf %get3A_1692, %mul3A_1695 : vector<16xf32>
        %add3A_1697 = arith.addf %add3A_1688, %mul3A_1696 : vector<16xf32>
        %get3A_1698 = arith.index_cast %add3A_1662 : i32 to index
        %get3A_1699 = arith.constant 16 : index
        %get3A_1700 = tpu.vector_load %arg18[%get3A_1698, %get3A_1699] {strides = array<i32>} : memref<128x32xf32, #tpu.memory_space<vmem>>, vector<1x16xf32>,
        %get3A_1701 = vector.shape_cast %get3A_1700 : vector<1x16xf32> to vector<16xf32>
        %slice3A_1702 = vector.extract_strided_slice %get3A_1399 {offsets = [3], sizes = [1], strides = [1]} : vector<16xf32> to vector<1xf32>
        %squeeze3A_1703 = vector.extract %slice3A_1702[0] : f32 from vector<1xf32>
        %mul3A_1704 = vector.broadcast %squeeze3A_1703 : f32 to vector<16xf32>
        %mul3A_1705 = arith.mulf %get3A_1701, %mul3A_1704 : vector<16xf32>
        %get3A_1706 = arith.index_cast %add3A_1662 : i32 to index
        %get3A_1707 = arith.constant 16 : index
        %get3A_1708 = tpu.vector_load %arg19[%get3A_1706, %get3A_1707] {strides = array<i32>} : memref<128x32xf32, #tpu.memory_space<vmem>>, vector<1x16xf32>,
        %get3A_1709 = vector.shape_cast %get3A_1708 : vector<1x16xf32> to vector<16xf32>
        %slice3A_1710 = vector.extract_strided_slice %get3A_1402 {offsets = [3], sizes = [1], strides = [1]} : vector<16xf32> to vector<1xf32>
        %squeeze3A_1711 = vector.extract %slice3A_1710[0] : f32 from vector<1xf32>
        %mul3A_1712 = vector.broadcast %squeeze3A_1711 : f32 to vector<16xf32>
        %mul3A_1713 = arith.mulf %get3A_1709, %mul3A_1712 : vector<16xf32>
        %add3A_1714 = arith.addf %mul3A_1705, %mul3A_1713 : vector<16xf32>
        %get3A_1715 = arith.index_cast %add3A_1662 : i32 to index
        %get3A_1716 = arith.constant 16 : index
        %get3A_1717 = tpu.vector_load %arg20[%get3A_1715, %get3A_1716] {strides = array<i32>} : memref<128x32xf32, #tpu.memory_space<vmem>>, vector<1x16xf32>,
        %get3A_1718 = vector.shape_cast %get3A_1717 : vector<1x16xf32> to vector<16xf32>
        %slice3A_1719 = vector.extract_strided_slice %get3A_1405 {offsets = [3], sizes = [1], strides = [1]} : vector<16xf32> to vector<1xf32>
        %squeeze3A_1720 = vector.extract %slice3A_1719[0] : f32 from vector<1xf32>
        %mul3A_1721 = vector.broadcast %squeeze3A_1720 : f32 to vector<16xf32>
        %mul3A_1722 = arith.mulf %get3A_1718, %mul3A_1721 : vector<16xf32>
        %add3A_1723 = arith.addf %add3A_1714, %mul3A_1722 : vector<16xf32>
        %get3A_1724 = arith.index_cast %add3A_1662 : i32 to index
        %get3A_1725 = arith.constant 16 : index
        %get3A_1726 = tpu.vector_load %arg21[%get3A_1724, %get3A_1725] {strides = array<i32>} : memref<128x32xf32, #tpu.memory_space<vmem>>, vector<1x16xf32>,
        %get3A_1727 = vector.shape_cast %get3A_1726 : vector<1x16xf32> to vector<16xf32>
        %slice3A_1728 = vector.extract_strided_slice %get3A_1408 {offsets = [3], sizes = [1], strides = [1]} : vector<16xf32> to vector<1xf32>
        %squeeze3A_1729 = vector.extract %slice3A_1728[0] : f32 from vector<1xf32>
        %mul3A_1730 = vector.broadcast %squeeze3A_1729 : f32 to vector<16xf32>
        %mul3A_1731 = arith.mulf %get3A_1727, %mul3A_1730 : vector<16xf32>
        %add3A_1732 = arith.addf %add3A_1723, %mul3A_1731 : vector<16xf32>
        %swap3A_1733 = arith.index_cast %add3A_1662 : i32 to index
        %swap3A_1734 = arith.constant 0 : index
        %swap3A_1735 = tpu.vector_load %arg22[%swap3A_1733, %swap3A_1734] {strides = array<i32>} : memref<128x32xf32, #tpu.memory_space<vmem>>, vector<1x16xf32>,
        %swap3A_1736 = vector.shape_cast %swap3A_1735 : vector<1x16xf32> to vector<16xf32>
        %swap3A_1737 = vector.shape_cast %add3A_1697 : vector<16xf32> to vector<1x16xf32>
        tpu.vector_store %arg22[%swap3A_1733, %swap3A_1734], %swap3A_1737 {strides = array<i32>} : memref<128x32xf32, #tpu.memory_space<vmem>>, vector<1x16xf32>,
        %swap3A_1738 = arith.index_cast %add3A_1662 : i32 to index
        %swap3A_1739 = arith.constant 16 : index
        %swap3A_1740 = tpu.vector_load %arg22[%swap3A_1738, %swap3A_1739] {strides = array<i32>} : memref<128x32xf32, #tpu.memory_space<vmem>>, vector<1x16xf32>,
        %swap3A_1741 = vector.shape_cast %swap3A_1740 : vector<1x16xf32> to vector<16xf32>
        %swap3A_1742 = vector.shape_cast %add3A_1732 : vector<16xf32> to vector<1x16xf32>
        tpu.vector_store %arg22[%swap3A_1738, %swap3A_1739], %swap3A_1742 {strides = array<i32>} : memref<128x32xf32, #tpu.memory_space<vmem>>, vector<1x16xf32>,
        %mul3A_1743 = arith.constant 16 : i32
        %mul3A_1744 = arith.muli %scan3A_1393, %mul3A_1743 : i32
        %add3A_1745 = arith.constant 4 : i32
        %add3A_1746 = arith.addi %mul3A_1744, %add3A_1745 : i32
        %get3A_1747 = arith.index_cast %add3A_1746 : i32 to index
        %get3A_1748 = arith.constant 0 : index
        %get3A_1749 = tpu.vector_load %arg18[%get3A_1747, %get3A_1748] {strides = array<i32>} : memref<128x32xf32, #tpu.memory_space<vmem>>, vector<1x16xf32>,
        %get3A_1750 = vector.shape_cast %get3A_1749 : vector<1x16xf32> to vector<16xf32>
        %slice3A_1751 = vector.extract_strided_slice %get3A_1399 {offsets = [4], sizes = [1], strides = [1]} : vector<16xf32> to vector<1xf32>
        %squeeze3A_1752 = vector.extract %slice3A_1751[0] : f32 from vector<1xf32>
        %mul3A_1753 = vector.broadcast %squeeze3A_1752 : f32 to vector<16xf32>
        %mul3A_1754 = arith.mulf %get3A_1750, %mul3A_1753 : vector<16xf32>
        %get3A_1755 = arith.index_cast %add3A_1746 : i32 to index
        %get3A_1756 = arith.constant 0 : index
        %get3A_1757 = tpu.vector_load %arg19[%get3A_1755, %get3A_1756] {strides = array<i32>} : memref<128x32xf32, #tpu.memory_space<vmem>>, vector<1x16xf32>,
        %get3A_1758 = vector.shape_cast %get3A_1757 : vector<1x16xf32> to vector<16xf32>
        %slice3A_1759 = vector.extract_strided_slice %get3A_1402 {offsets = [4], sizes = [1], strides = [1]} : vector<16xf32> to vector<1xf32>
        %squeeze3A_1760 = vector.extract %slice3A_1759[0] : f32 from vector<1xf32>
        %mul3A_1761 = vector.broadcast %squeeze3A_1760 : f32 to vector<16xf32>
        %mul3A_1762 = arith.mulf %get3A_1758, %mul3A_1761 : vector<16xf32>
        %add3A_1763 = arith.addf %mul3A_1754, %mul3A_1762 : vector<16xf32>
        %get3A_1764 = arith.index_cast %add3A_1746 : i32 to index
        %get3A_1765 = arith.constant 0 : index
        %get3A_1766 = tpu.vector_load %arg20[%get3A_1764, %get3A_1765] {strides = array<i32>} : memref<128x32xf32, #tpu.memory_space<vmem>>, vector<1x16xf32>,
        %get3A_1767 = vector.shape_cast %get3A_1766 : vector<1x16xf32> to vector<16xf32>
        %slice3A_1768 = vector.extract_strided_slice %get3A_1405 {offsets = [4], sizes = [1], strides = [1]} : vector<16xf32> to vector<1xf32>
        %squeeze3A_1769 = vector.extract %slice3A_1768[0] : f32 from vector<1xf32>
        %mul3A_1770 = vector.broadcast %squeeze3A_1769 : f32 to vector<16xf32>
        %mul3A_1771 = arith.mulf %get3A_1767, %mul3A_1770 : vector<16xf32>
        %add3A_1772 = arith.addf %add3A_1763, %mul3A_1771 : vector<16xf32>
        %get3A_1773 = arith.index_cast %add3A_1746 : i32 to index
        %get3A_1774 = arith.constant 0 : index
        %get3A_1775 = tpu.vector_load %arg21[%get3A_1773, %get3A_1774] {strides = array<i32>} : memref<128x32xf32, #tpu.memory_space<vmem>>, vector<1x16xf32>,
        %get3A_1776 = vector.shape_cast %get3A_1775 : vector<1x16xf32> to vector<16xf32>
        %slice3A_1777 = vector.extract_strided_slice %get3A_1408 {offsets = [4], sizes = [1], strides = [1]} : vector<16xf32> to vector<1xf32>
        %squeeze3A_1778 = vector.extract %slice3A_1777[0] : f32 from vector<1xf32>
        %mul3A_1779 = vector.broadcast %squeeze3A_1778 : f32 to vector<16xf32>
        %mul3A_1780 = arith.mulf %get3A_1776, %mul3A_1779 : vector<16xf32>
        %add3A_1781 = arith.addf %add3A_1772, %mul3A_1780 : vector<16xf32>
        %get3A_1782 = arith.index_cast %add3A_1746 : i32 to index
        %get3A_1783 = arith.constant 16 : index
        %get3A_1784 = tpu.vector_load %arg18[%get3A_1782, %get3A_1783] {strides = array<i32>} : memref<128x32xf32, #tpu.memory_space<vmem>>, vector<1x16xf32>,
        %get3A_1785 = vector.shape_cast %get3A_1784 : vector<1x16xf32> to vector<16xf32>
        %slice3A_1786 = vector.extract_strided_slice %get3A_1399 {offsets = [4], sizes = [1], strides = [1]} : vector<16xf32> to vector<1xf32>
        %squeeze3A_1787 = vector.extract %slice3A_1786[0] : f32 from vector<1xf32>
        %mul3A_1788 = vector.broadcast %squeeze3A_1787 : f32 to vector<16xf32>
        %mul3A_1789 = arith.mulf %get3A_1785, %mul3A_1788 : vector<16xf32>
        %get3A_1790 = arith.index_cast %add3A_1746 : i32 to index
        %get3A_1791 = arith.constant 16 : index
        %get3A_1792 = tpu.vector_load %arg19[%get3A_1790, %get3A_1791] {strides = array<i32>} : memref<128x32xf32, #tpu.memory_space<vmem>>, vector<1x16xf32>,
        %get3A_1793 = vector.shape_cast %get3A_1792 : vector<1x16xf32> to vector<16xf32>
        %slice3A_1794 = vector.extract_strided_slice %get3A_1402 {offsets = [4], sizes = [1], strides = [1]} : vector<16xf32> to vector<1xf32>
        %squeeze3A_1795 = vector.extract %slice3A_1794[0] : f32 from vector<1xf32>
        %mul3A_1796 = vector.broadcast %squeeze3A_1795 : f32 to vector<16xf32>
        %mul3A_1797 = arith.mulf %get3A_1793, %mul3A_1796 : vector<16xf32>
        %add3A_1798 = arith.addf %mul3A_1789, %mul3A_1797 : vector<16xf32>
        %get3A_1799 = arith.index_cast %add3A_1746 : i32 to index
        %get3A_1800 = arith.constant 16 : index
        %get3A_1801 = tpu.vector_load %arg20[%get3A_1799, %get3A_1800] {strides = array<i32>} : memref<128x32xf32, #tpu.memory_space<vmem>>, vector<1x16xf32>,
        %get3A_1802 = vector.shape_cast %get3A_1801 : vector<1x16xf32> to vector<16xf32>
        %slice3A_1803 = vector.extract_strided_slice %get3A_1405 {offsets = [4], sizes = [1], strides = [1]} : vector<16xf32> to vector<1xf32>
        %squeeze3A_1804 = vector.extract %slice3A_1803[0] : f32 from vector<1xf32>
        %mul3A_1805 = vector.broadcast %squeeze3A_1804 : f32 to vector<16xf32>
        %mul3A_1806 = arith.mulf %get3A_1802, %mul3A_1805 : vector<16xf32>
        %add3A_1807 = arith.addf %add3A_1798, %mul3A_1806 : vector<16xf32>
        %get3A_1808 = arith.index_cast %add3A_1746 : i32 to index
        %get3A_1809 = arith.constant 16 : index
        %get3A_1810 = tpu.vector_load %arg21[%get3A_1808, %get3A_1809] {strides = array<i32>} : memref<128x32xf32, #tpu.memory_space<vmem>>, vector<1x16xf32>,
        %get3A_1811 = vector.shape_cast %get3A_1810 : vector<1x16xf32> to vector<16xf32>
        %slice3A_1812 = vector.extract_strided_slice %get3A_1408 {offsets = [4], sizes = [1], strides = [1]} : vector<16xf32> to vector<1xf32>
        %squeeze3A_1813 = vector.extract %slice3A_1812[0] : f32 from vector<1xf32>
        %mul3A_1814 = vector.broadcast %squeeze3A_1813 : f32 to vector<16xf32>
        %mul3A_1815 = arith.mulf %get3A_1811, %mul3A_1814 : vector<16xf32>
        %add3A_1816 = arith.addf %add3A_1807, %mul3A_1815 : vector<16xf32>
        %swap3A_1817 = arith.index_cast %add3A_1746 : i32 to index
        %swap3A_1818 = arith.constant 0 : index
        %swap3A_1819 = tpu.vector_load %arg22[%swap3A_1817, %swap3A_1818] {strides = array<i32>} : memref<128x32xf32, #tpu.memory_space<vmem>>, vector<1x16xf32>,
        %swap3A_1820 = vector.shape_cast %swap3A_1819 : vector<1x16xf32> to vector<16xf32>
        %swap3A_1821 = vector.shape_cast %add3A_1781 : vector<16xf32> to vector<1x16xf32>
        tpu.vector_store %arg22[%swap3A_1817, %swap3A_1818], %swap3A_1821 {strides = array<i32>} : memref<128x32xf32, #tpu.memory_space<vmem>>, vector<1x16xf32>,
        %swap3A_1822 = arith.index_cast %add3A_1746 : i32 to index
        %swap3A_1823 = arith.constant 16 : index
        %swap3A_1824 = tpu.vector_load %arg22[%swap3A_1822, %swap3A_1823] {strides = array<i32>} : memref<128x32xf32, #tpu.memory_space<vmem>>, vector<1x16xf32>,
        %swap3A_1825 = vector.shape_cast %swap3A_1824 : vector<1x16xf32> to vector<16xf32>
        %swap3A_1826 = vector.shape_cast %add3A_1816 : vector<16xf32> to vector<1x16xf32>
        tpu.vector_store %arg22[%swap3A_1822, %swap3A_1823], %swap3A_1826 {strides = array<i32>} : memref<128x32xf32, #tpu.memory_space<vmem>>, vector<1x16xf32>,
        %mul3A_1827 = arith.constant 16 : i32
        %mul3A_1828 = arith.muli %scan3A_1393, %mul3A_1827 : i32
        %add3A_1829 = arith.constant 5 : i32
        %add3A_1830 = arith.addi %mul3A_1828, %add3A_1829 : i32
        %get3A_1831 = arith.index_cast %add3A_1830 : i32 to index
        %get3A_1832 = arith.constant 0 : index
        %get3A_1833 = tpu.vector_load %arg18[%get3A_1831, %get3A_1832] {strides = array<i32>} : memref<128x32xf32, #tpu.memory_space<vmem>>, vector<1x16xf32>,
        %get3A_1834 = vector.shape_cast %get3A_1833 : vector<1x16xf32> to vector<16xf32>
        %slice3A_1835 = vector.extract_strided_slice %get3A_1399 {offsets = [5], sizes = [1], strides = [1]} : vector<16xf32> to vector<1xf32>
        %squeeze3A_1836 = vector.extract %slice3A_1835[0] : f32 from vector<1xf32>
        %mul3A_1837 = vector.broadcast %squeeze3A_1836 : f32 to vector<16xf32>
        %mul3A_1838 = arith.mulf %get3A_1834, %mul3A_1837 : vector<16xf32>
        %get3A_1839 = arith.index_cast %add3A_1830 : i32 to index
        %get3A_1840 = arith.constant 0 : index
        %get3A_1841 = tpu.vector_load %arg19[%get3A_1839, %get3A_1840] {strides = array<i32>} : memref<128x32xf32, #tpu.memory_space<vmem>>, vector<1x16xf32>,
        %get3A_1842 = vector.shape_cast %get3A_1841 : vector<1x16xf32> to vector<16xf32>
        %slice3A_1843 = vector.extract_strided_slice %get3A_1402 {offsets = [5], sizes = [1], strides = [1]} : vector<16xf32> to vector<1xf32>
        %squeeze3A_1844 = vector.extract %slice3A_1843[0] : f32 from vector<1xf32>
        %mul3A_1845 = vector.broadcast %squeeze3A_1844 : f32 to vector<16xf32>
        %mul3A_1846 = arith.mulf %get3A_1842, %mul3A_1845 : vector<16xf32>
        %add3A_1847 = arith.addf %mul3A_1838, %mul3A_1846 : vector<16xf32>
        %get3A_1848 = arith.index_cast %add3A_1830 : i32 to index
        %get3A_1849 = arith.constant 0 : index
        %get3A_1850 = tpu.vector_load %arg20[%get3A_1848, %get3A_1849] {strides = array<i32>} : memref<128x32xf32, #tpu.memory_space<vmem>>, vector<1x16xf32>,
        %get3A_1851 = vector.shape_cast %get3A_1850 : vector<1x16xf32> to vector<16xf32>
        %slice3A_1852 = vector.extract_strided_slice %get3A_1405 {offsets = [5], sizes = [1], strides = [1]} : vector<16xf32> to vector<1xf32>
        %squeeze3A_1853 = vector.extract %slice3A_1852[0] : f32 from vector<1xf32>
        %mul3A_1854 = vector.broadcast %squeeze3A_1853 : f32 to vector<16xf32>
        %mul3A_1855 = arith.mulf %get3A_1851, %mul3A_1854 : vector<16xf32>
        %add3A_1856 = arith.addf %add3A_1847, %mul3A_1855 : vector<16xf32>
        %get3A_1857 = arith.index_cast %add3A_1830 : i32 to index
        %get3A_1858 = arith.constant 0 : index
        %get3A_1859 = tpu.vector_load %arg21[%get3A_1857, %get3A_1858] {strides = array<i32>} : memref<128x32xf32, #tpu.memory_space<vmem>>, vector<1x16xf32>,
        %get3A_1860 = vector.shape_cast %get3A_1859 : vector<1x16xf32> to vector<16xf32>
        %slice3A_1861 = vector.extract_strided_slice %get3A_1408 {offsets = [5], sizes = [1], strides = [1]} : vector<16xf32> to vector<1xf32>
        %squeeze3A_1862 = vector.extract %slice3A_1861[0] : f32 from vector<1xf32>
        %mul3A_1863 = vector.broadcast %squeeze3A_1862 : f32 to vector<16xf32>
        %mul3A_1864 = arith.mulf %get3A_1860, %mul3A_1863 : vector<16xf32>
        %add3A_1865 = arith.addf %add3A_1856, %mul3A_1864 : vector<16xf32>
        %get3A_1866 = arith.index_cast %add3A_1830 : i32 to index
        %get3A_1867 = arith.constant 16 : index
        %get3A_1868 = tpu.vector_load %arg18[%get3A_1866, %get3A_1867] {strides = array<i32>} : memref<128x32xf32, #tpu.memory_space<vmem>>, vector<1x16xf32>,
        %get3A_1869 = vector.shape_cast %get3A_1868 : vector<1x16xf32> to vector<16xf32>
        %slice3A_1870 = vector.extract_strided_slice %get3A_1399 {offsets = [5], sizes = [1], strides = [1]} : vector<16xf32> to vector<1xf32>
        %squeeze3A_1871 = vector.extract %slice3A_1870[0] : f32 from vector<1xf32>
        %mul3A_1872 = vector.broadcast %squeeze3A_1871 : f32 to vector<16xf32>
        %mul3A_1873 = arith.mulf %get3A_1869, %mul3A_1872 : vector<16xf32>
        %get3A_1874 = arith.index_cast %add3A_1830 : i32 to index
        %get3A_1875 = arith.constant 16 : index
        %get3A_1876 = tpu.vector_load %arg19[%get3A_1874, %get3A_1875] {strides = array<i32>} : memref<128x32xf32, #tpu.memory_space<vmem>>, vector<1x16xf32>,
        %get3A_1877 = vector.shape_cast %get3A_1876 : vector<1x16xf32> to vector<16xf32>
        %slice3A_1878 = vector.extract_strided_slice %get3A_1402 {offsets = [5], sizes = [1], strides = [1]} : vector<16xf32> to vector<1xf32>
        %squeeze3A_1879 = vector.extract %slice3A_1878[0] : f32 from vector<1xf32>
        %mul3A_1880 = vector.broadcast %squeeze3A_1879 : f32 to vector<16xf32>
        %mul3A_1881 = arith.mulf %get3A_1877, %mul3A_1880 : vector<16xf32>
        %add3A_1882 = arith.addf %mul3A_1873, %mul3A_1881 : vector<16xf32>
        %get3A_1883 = arith.index_cast %add3A_1830 : i32 to index
        %get3A_1884 = arith.constant 16 : index
        %get3A_1885 = tpu.vector_load %arg20[%get3A_1883, %get3A_1884] {strides = array<i32>} : memref<128x32xf32, #tpu.memory_space<vmem>>, vector<1x16xf32>,
        %get3A_1886 = vector.shape_cast %get3A_1885 : vector<1x16xf32> to vector<16xf32>
        %slice3A_1887 = vector.extract_strided_slice %get3A_1405 {offsets = [5], sizes = [1], strides = [1]} : vector<16xf32> to vector<1xf32>
        %squeeze3A_1888 = vector.extract %slice3A_1887[0] : f32 from vector<1xf32>
        %mul3A_1889 = vector.broadcast %squeeze3A_1888 : f32 to vector<16xf32>
        %mul3A_1890 = arith.mulf %get3A_1886, %mul3A_1889 : vector<16xf32>
        %add3A_1891 = arith.addf %add3A_1882, %mul3A_1890 : vector<16xf32>
        %get3A_1892 = arith.index_cast %add3A_1830 : i32 to index
        %get3A_1893 = arith.constant 16 : index
        %get3A_1894 = tpu.vector_load %arg21[%get3A_1892, %get3A_1893] {strides = array<i32>} : memref<128x32xf32, #tpu.memory_space<vmem>>, vector<1x16xf32>,
        %get3A_1895 = vector.shape_cast %get3A_1894 : vector<1x16xf32> to vector<16xf32>
        %slice3A_1896 = vector.extract_strided_slice %get3A_1408 {offsets = [5], sizes = [1], strides = [1]} : vector<16xf32> to vector<1xf32>
        %squeeze3A_1897 = vector.extract %slice3A_1896[0] : f32 from vector<1xf32>
        %mul3A_1898 = vector.broadcast %squeeze3A_1897 : f32 to vector<16xf32>
        %mul3A_1899 = arith.mulf %get3A_1895, %mul3A_1898 : vector<16xf32>
        %add3A_1900 = arith.addf %add3A_1891, %mul3A_1899 : vector<16xf32>
        %swap3A_1901 = arith.index_cast %add3A_1830 : i32 to index
        %swap3A_1902 = arith.constant 0 : index
        %swap3A_1903 = tpu.vector_load %arg22[%swap3A_1901, %swap3A_1902] {strides = array<i32>} : memref<128x32xf32, #tpu.memory_space<vmem>>, vector<1x16xf32>,
        %swap3A_1904 = vector.shape_cast %swap3A_1903 : vector<1x16xf32> to vector<16xf32>
        %swap3A_1905 = vector.shape_cast %add3A_1865 : vector<16xf32> to vector<1x16xf32>
        tpu.vector_store %arg22[%swap3A_1901, %swap3A_1902], %swap3A_1905 {strides = array<i32>} : memref<128x32xf32, #tpu.memory_space<vmem>>, vector<1x16xf32>,
        %swap3A_1906 = arith.index_cast %add3A_1830 : i32 to index
        %swap3A_1907 = arith.constant 16 : index
        %swap3A_1908 = tpu.vector_load %arg22[%swap3A_1906, %swap3A_1907] {strides = array<i32>} : memref<128x32xf32, #tpu.memory_space<vmem>>, vector<1x16xf32>,
        %swap3A_1909 = vector.shape_cast %swap3A_1908 : vector<1x16xf32> to vector<16xf32>
        %swap3A_1910 = vector.shape_cast %add3A_1900 : vector<16xf32> to vector<1x16xf32>
        tpu.vector_store %arg22[%swap3A_1906, %swap3A_1907], %swap3A_1910 {strides = array<i32>} : memref<128x32xf32, #tpu.memory_space<vmem>>, vector<1x16xf32>,
        %mul3A_1911 = arith.constant 16 : i32
        %mul3A_1912 = arith.muli %scan3A_1393, %mul3A_1911 : i32
        %add3A_1913 = arith.constant 6 : i32
        %add3A_1914 = arith.addi %mul3A_1912, %add3A_1913 : i32
        %get3A_1915 = arith.index_cast %add3A_1914 : i32 to index
        %get3A_1916 = arith.constant 0 : index
        %get3A_1917 = tpu.vector_load %arg18[%get3A_1915, %get3A_1916] {strides = array<i32>} : memref<128x32xf32, #tpu.memory_space<vmem>>, vector<1x16xf32>,
        %get3A_1918 = vector.shape_cast %get3A_1917 : vector<1x16xf32> to vector<16xf32>
        %slice3A_1919 = vector.extract_strided_slice %get3A_1399 {offsets = [6], sizes = [1], strides = [1]} : vector<16xf32> to vector<1xf32>
        %squeeze3A_1920 = vector.extract %slice3A_1919[0] : f32 from vector<1xf32>
        %mul3A_1921 = vector.broadcast %squeeze3A_1920 : f32 to vector<16xf32>
        %mul3A_1922 = arith.mulf %get3A_1918, %mul3A_1921 : vector<16xf32>
        %get3A_1923 = arith.index_cast %add3A_1914 : i32 to index
        %get3A_1924 = arith.constant 0 : index
        %get3A_1925 = tpu.vector_load %arg19[%get3A_1923, %get3A_1924] {strides = array<i32>} : memref<128x32xf32, #tpu.memory_space<vmem>>, vector<1x16xf32>,
        %get3A_1926 = vector.shape_cast %get3A_1925 : vector<1x16xf32> to vector<16xf32>
        %slice3A_1927 = vector.extract_strided_slice %get3A_1402 {offsets = [6], sizes = [1], strides = [1]} : vector<16xf32> to vector<1xf32>
        %squeeze3A_1928 = vector.extract %slice3A_1927[0] : f32 from vector<1xf32>
        %mul3A_1929 = vector.broadcast %squeeze3A_1928 : f32 to vector<16xf32>
        %mul3A_1930 = arith.mulf %get3A_1926, %mul3A_1929 : vector<16xf32>
        %add3A_1931 = arith.addf %mul3A_1922, %mul3A_1930 : vector<16xf32>
        %get3A_1932 = arith.index_cast %add3A_1914 : i32 to index
        %get3A_1933 = arith.constant 0 : index
        %get3A_1934 = tpu.vector_load %arg20[%get3A_1932, %get3A_1933] {strides = array<i32>} : memref<128x32xf32, #tpu.memory_space<vmem>>, vector<1x16xf32>,
        %get3A_1935 = vector.shape_cast %get3A_1934 : vector<1x16xf32> to vector<16xf32>
        %slice3A_1936 = vector.extract_strided_slice %get3A_1405 {offsets = [6], sizes = [1], strides = [1]} : vector<16xf32> to vector<1xf32>
        %squeeze3A_1937 = vector.extract %slice3A_1936[0] : f32 from vector<1xf32>
        %mul3A_1938 = vector.broadcast %squeeze3A_1937 : f32 to vector<16xf32>
        %mul3A_1939 = arith.mulf %get3A_1935, %mul3A_1938 : vector<16xf32>
        %add3A_1940 = arith.addf %add3A_1931, %mul3A_1939 : vector<16xf32>
        %get3A_1941 = arith.index_cast %add3A_1914 : i32 to index
        %get3A_1942 = arith.constant 0 : index
        %get3A_1943 = tpu.vector_load %arg21[%get3A_1941, %get3A_1942] {strides = array<i32>} : memref<128x32xf32, #tpu.memory_space<vmem>>, vector<1x16xf32>,
        %get3A_1944 = vector.shape_cast %get3A_1943 : vector<1x16xf32> to vector<16xf32>
        %slice3A_1945 = vector.extract_strided_slice %get3A_1408 {offsets = [6], sizes = [1], strides = [1]} : vector<16xf32> to vector<1xf32>
        %squeeze3A_1946 = vector.extract %slice3A_1945[0] : f32 from vector<1xf32>
        %mul3A_1947 = vector.broadcast %squeeze3A_1946 : f32 to vector<16xf32>
        %mul3A_1948 = arith.mulf %get3A_1944, %mul3A_1947 : vector<16xf32>
        %add3A_1949 = arith.addf %add3A_1940, %mul3A_1948 : vector<16xf32>
        %get3A_1950 = arith.index_cast %add3A_1914 : i32 to index
        %get3A_1951 = arith.constant 16 : index
        %get3A_1952 = tpu.vector_load %arg18[%get3A_1950, %get3A_1951] {strides = array<i32>} : memref<128x32xf32, #tpu.memory_space<vmem>>, vector<1x16xf32>,
        %get3A_1953 = vector.shape_cast %get3A_1952 : vector<1x16xf32> to vector<16xf32>
        %slice3A_1954 = vector.extract_strided_slice %get3A_1399 {offsets = [6], sizes = [1], strides = [1]} : vector<16xf32> to vector<1xf32>
        %squeeze3A_1955 = vector.extract %slice3A_1954[0] : f32 from vector<1xf32>
        %mul3A_1956 = vector.broadcast %squeeze3A_1955 : f32 to vector<16xf32>
        %mul3A_1957 = arith.mulf %get3A_1953, %mul3A_1956 : vector<16xf32>
        %get3A_1958 = arith.index_cast %add3A_1914 : i32 to index
        %get3A_1959 = arith.constant 16 : index
        %get3A_1960 = tpu.vector_load %arg19[%get3A_1958, %get3A_1959] {strides = array<i32>} : memref<128x32xf32, #tpu.memory_space<vmem>>, vector<1x16xf32>,
        %get3A_1961 = vector.shape_cast %get3A_1960 : vector<1x16xf32> to vector<16xf32>
        %slice3A_1962 = vector.extract_strided_slice %get3A_1402 {offsets = [6], sizes = [1], strides = [1]} : vector<16xf32> to vector<1xf32>
        %squeeze3A_1963 = vector.extract %slice3A_1962[0] : f32 from vector<1xf32>
        %mul3A_1964 = vector.broadcast %squeeze3A_1963 : f32 to vector<16xf32>
        %mul3A_1965 = arith.mulf %get3A_1961, %mul3A_1964 : vector<16xf32>
        %add3A_1966 = arith.addf %mul3A_1957, %mul3A_1965 : vector<16xf32>
        %get3A_1967 = arith.index_cast %add3A_1914 : i32 to index
        %get3A_1968 = arith.constant 16 : index
        %get3A_1969 = tpu.vector_load %arg20[%get3A_1967, %get3A_1968] {strides = array<i32>} : memref<128x32xf32, #tpu.memory_space<vmem>>, vector<1x16xf32>,
        %get3A_1970 = vector.shape_cast %get3A_1969 : vector<1x16xf32> to vector<16xf32>
        %slice3A_1971 = vector.extract_strided_slice %get3A_1405 {offsets = [6], sizes = [1], strides = [1]} : vector<16xf32> to vector<1xf32>
        %squeeze3A_1972 = vector.extract %slice3A_1971[0] : f32 from vector<1xf32>
        %mul3A_1973 = vector.broadcast %squeeze3A_1972 : f32 to vector<16xf32>
        %mul3A_1974 = arith.mulf %get3A_1970, %mul3A_1973 : vector<16xf32>
        %add3A_1975 = arith.addf %add3A_1966, %mul3A_1974 : vector<16xf32>
        %get3A_1976 = arith.index_cast %add3A_1914 : i32 to index
        %get3A_1977 = arith.constant 16 : index
        %get3A_1978 = tpu.vector_load %arg21[%get3A_1976, %get3A_1977] {strides = array<i32>} : memref<128x32xf32, #tpu.memory_space<vmem>>, vector<1x16xf32>,
        %get3A_1979 = vector.shape_cast %get3A_1978 : vector<1x16xf32> to vector<16xf32>
        %slice3A_1980 = vector.extract_strided_slice %get3A_1408 {offsets = [6], sizes = [1], strides = [1]} : vector<16xf32> to vector<1xf32>
        %squeeze3A_1981 = vector.extract %slice3A_1980[0] : f32 from vector<1xf32>
        %mul3A_1982 = vector.broadcast %squeeze3A_1981 : f32 to vector<16xf32>
        %mul3A_1983 = arith.mulf %get3A_1979, %mul3A_1982 : vector<16xf32>
        %add3A_1984 = arith.addf %add3A_1975, %mul3A_1983 : vector<16xf32>
        %swap3A_1985 = arith.index_cast %add3A_1914 : i32 to index
        %swap3A_1986 = arith.constant 0 : index
        %swap3A_1987 = tpu.vector_load %arg22[%swap3A_1985, %swap3A_1986] {strides = array<i32>} : memref<128x32xf32, #tpu.memory_space<vmem>>, vector<1x16xf32>,
        %swap3A_1988 = vector.shape_cast %swap3A_1987 : vector<1x16xf32> to vector<16xf32>
        %swap3A_1989 = vector.shape_cast %add3A_1949 : vector<16xf32> to vector<1x16xf32>
        tpu.vector_store %arg22[%swap3A_1985, %swap3A_1986], %swap3A_1989 {strides = array<i32>} : memref<128x32xf32, #tpu.memory_space<vmem>>, vector<1x16xf32>,
        %swap3A_1990 = arith.index_cast %add3A_1914 : i32 to index
        %swap3A_1991 = arith.constant 16 : index
        %swap3A_1992 = tpu.vector_load %arg22[%swap3A_1990, %swap3A_1991] {strides = array<i32>} : memref<128x32xf32, #tpu.memory_space<vmem>>, vector<1x16xf32>,
        %swap3A_1993 = vector.shape_cast %swap3A_1992 : vector<1x16xf32> to vector<16xf32>
        %swap3A_1994 = vector.shape_cast %add3A_1984 : vector<16xf32> to vector<1x16xf32>
        tpu.vector_store %arg22[%swap3A_1990, %swap3A_1991], %swap3A_1994 {strides = array<i32>} : memref<128x32xf32, #tpu.memory_space<vmem>>, vector<1x16xf32>,
        %mul3A_1995 = arith.constant 16 : i32
        %mul3A_1996 = arith.muli %scan3A_1393, %mul3A_1995 : i32
        %add3A_1997 = arith.constant 7 : i32
        %add3A_1998 = arith.addi %mul3A_1996, %add3A_1997 : i32
        %get3A_1999 = arith.index_cast %add3A_1998 : i32 to index
        %get3A_2000 = arith.constant 0 : index
        %get3A_2001 = tpu.vector_load %arg18[%get3A_1999, %get3A_2000] {strides = array<i32>} : memref<128x32xf32, #tpu.memory_space<vmem>>, vector<1x16xf32>,
        %get3A_2002 = vector.shape_cast %get3A_2001 : vector<1x16xf32> to vector<16xf32>
        %slice3A_2003 = vector.extract_strided_slice %get3A_1399 {offsets = [7], sizes = [1], strides = [1]} : vector<16xf32> to vector<1xf32>
        %squeeze3A_2004 = vector.extract %slice3A_2003[0] : f32 from vector<1xf32>
        %mul3A_2005 = vector.broadcast %squeeze3A_2004 : f32 to vector<16xf32>
        %mul3A_2006 = arith.mulf %get3A_2002, %mul3A_2005 : vector<16xf32>
        %get3A_2007 = arith.index_cast %add3A_1998 : i32 to index
        %get3A_2008 = arith.constant 0 : index
        %get3A_2009 = tpu.vector_load %arg19[%get3A_2007, %get3A_2008] {strides = array<i32>} : memref<128x32xf32, #tpu.memory_space<vmem>>, vector<1x16xf32>,
        %get3A_2010 = vector.shape_cast %get3A_2009 : vector<1x16xf32> to vector<16xf32>
        %slice3A_2011 = vector.extract_strided_slice %get3A_1402 {offsets = [7], sizes = [1], strides = [1]} : vector<16xf32> to vector<1xf32>
        %squeeze3A_2012 = vector.extract %slice3A_2011[0] : f32 from vector<1xf32>
        %mul3A_2013 = vector.broadcast %squeeze3A_2012 : f32 to vector<16xf32>
        %mul3A_2014 = arith.mulf %get3A_2010, %mul3A_2013 : vector<16xf32>
        %add3A_2015 = arith.addf %mul3A_2006, %mul3A_2014 : vector<16xf32>
        %get3A_2016 = arith.index_cast %add3A_1998 : i32 to index
        %get3A_2017 = arith.constant 0 : index
        %get3A_2018 = tpu.vector_load %arg20[%get3A_2016, %get3A_2017] {strides = array<i32>} : memref<128x32xf32, #tpu.memory_space<vmem>>, vector<1x16xf32>,
        %get3A_2019 = vector.shape_cast %get3A_2018 : vector<1x16xf32> to vector<16xf32>
        %slice3A_2020 = vector.extract_strided_slice %get3A_1405 {offsets = [7], sizes = [1], strides = [1]} : vector<16xf32> to vector<1xf32>
        %squeeze3A_2021 = vector.extract %slice3A_2020[0] : f32 from vector<1xf32>
        %mul3A_2022 = vector.broadcast %squeeze3A_2021 : f32 to vector<16xf32>
        %mul3A_2023 = arith.mulf %get3A_2019, %mul3A_2022 : vector<16xf32>
        %add3A_2024 = arith.addf %add3A_2015, %mul3A_2023 : vector<16xf32>
        %get3A_2025 = arith.index_cast %add3A_1998 : i32 to index
        %get3A_2026 = arith.constant 0 : index
        %get3A_2027 = tpu.vector_load %arg21[%get3A_2025, %get3A_2026] {strides = array<i32>} : memref<128x32xf32, #tpu.memory_space<vmem>>, vector<1x16xf32>,
        %get3A_2028 = vector.shape_cast %get3A_2027 : vector<1x16xf32> to vector<16xf32>
        %slice3A_2029 = vector.extract_strided_slice %get3A_1408 {offsets = [7], sizes = [1], strides = [1]} : vector<16xf32> to vector<1xf32>
        %squeeze3A_2030 = vector.extract %slice3A_2029[0] : f32 from vector<1xf32>
        %mul3A_2031 = vector.broadcast %squeeze3A_2030 : f32 to vector<16xf32>
        %mul3A_2032 = arith.mulf %get3A_2028, %mul3A_2031 : vector<16xf32>
        %add3A_2033 = arith.addf %add3A_2024, %mul3A_2032 : vector<16xf32>
        %get3A_2034 = arith.index_cast %add3A_1998 : i32 to index
        %get3A_2035 = arith.constant 16 : index
        %get3A_2036 = tpu.vector_load %arg18[%get3A_2034, %get3A_2035] {strides = array<i32>} : memref<128x32xf32, #tpu.memory_space<vmem>>, vector<1x16xf32>,
        %get3A_2037 = vector.shape_cast %get3A_2036 : vector<1x16xf32> to vector<16xf32>
        %slice3A_2038 = vector.extract_strided_slice %get3A_1399 {offsets = [7], sizes = [1], strides = [1]} : vector<16xf32> to vector<1xf32>
        %squeeze3A_2039 = vector.extract %slice3A_2038[0] : f32 from vector<1xf32>
        %mul3A_2040 = vector.broadcast %squeeze3A_2039 : f32 to vector<16xf32>
        %mul3A_2041 = arith.mulf %get3A_2037, %mul3A_2040 : vector<16xf32>
        %get3A_2042 = arith.index_cast %add3A_1998 : i32 to index
        %get3A_2043 = arith.constant 16 : index
        %get3A_2044 = tpu.vector_load %arg19[%get3A_2042, %get3A_2043] {strides = array<i32>} : memref<128x32xf32, #tpu.memory_space<vmem>>, vector<1x16xf32>,
        %get3A_2045 = vector.shape_cast %get3A_2044 : vector<1x16xf32> to vector<16xf32>
        %slice3A_2046 = vector.extract_strided_slice %get3A_1402 {offsets = [7], sizes = [1], strides = [1]} : vector<16xf32> to vector<1xf32>
        %squeeze3A_2047 = vector.extract %slice3A_2046[0] : f32 from vector<1xf32>
        %mul3A_2048 = vector.broadcast %squeeze3A_2047 : f32 to vector<16xf32>
        %mul3A_2049 = arith.mulf %get3A_2045, %mul3A_2048 : vector<16xf32>
        %add3A_2050 = arith.addf %mul3A_2041, %mul3A_2049 : vector<16xf32>
        %get3A_2051 = arith.index_cast %add3A_1998 : i32 to index
        %get3A_2052 = arith.constant 16 : index
        %get3A_2053 = tpu.vector_load %arg20[%get3A_2051, %get3A_2052] {strides = array<i32>} : memref<128x32xf32, #tpu.memory_space<vmem>>, vector<1x16xf32>,
        %get3A_2054 = vector.shape_cast %get3A_2053 : vector<1x16xf32> to vector<16xf32>
        %slice3A_2055 = vector.extract_strided_slice %get3A_1405 {offsets = [7], sizes = [1], strides = [1]} : vector<16xf32> to vector<1xf32>
        %squeeze3A_2056 = vector.extract %slice3A_2055[0] : f32 from vector<1xf32>
        %mul3A_2057 = vector.broadcast %squeeze3A_2056 : f32 to vector<16xf32>
        %mul3A_2058 = arith.mulf %get3A_2054, %mul3A_2057 : vector<16xf32>
        %add3A_2059 = arith.addf %add3A_2050, %mul3A_2058 : vector<16xf32>
        %get3A_2060 = arith.index_cast %add3A_1998 : i32 to index
        %get3A_2061 = arith.constant 16 : index
        %get3A_2062 = tpu.vector_load %arg21[%get3A_2060, %get3A_2061] {strides = array<i32>} : memref<128x32xf32, #tpu.memory_space<vmem>>, vector<1x16xf32>,
        %get3A_2063 = vector.shape_cast %get3A_2062 : vector<1x16xf32> to vector<16xf32>
        %slice3A_2064 = vector.extract_strided_slice %get3A_1408 {offsets = [7], sizes = [1], strides = [1]} : vector<16xf32> to vector<1xf32>
        %squeeze3A_2065 = vector.extract %slice3A_2064[0] : f32 from vector<1xf32>
        %mul3A_2066 = vector.broadcast %squeeze3A_2065 : f32 to vector<16xf32>
        %mul3A_2067 = arith.mulf %get3A_2063, %mul3A_2066 : vector<16xf32>
        %add3A_2068 = arith.addf %add3A_2059, %mul3A_2067 : vector<16xf32>
        %swap3A_2069 = arith.index_cast %add3A_1998 : i32 to index
        %swap3A_2070 = arith.constant 0 : index
        %swap3A_2071 = tpu.vector_load %arg22[%swap3A_2069, %swap3A_2070] {strides = array<i32>} : memref<128x32xf32, #tpu.memory_space<vmem>>, vector<1x16xf32>,
        %swap3A_2072 = vector.shape_cast %swap3A_2071 : vector<1x16xf32> to vector<16xf32>
        %swap3A_2073 = vector.shape_cast %add3A_2033 : vector<16xf32> to vector<1x16xf32>
        tpu.vector_store %arg22[%swap3A_2069, %swap3A_2070], %swap3A_2073 {strides = array<i32>} : memref<128x32xf32, #tpu.memory_space<vmem>>, vector<1x16xf32>,
        %swap3A_2074 = arith.index_cast %add3A_1998 : i32 to index
        %swap3A_2075 = arith.constant 16 : index
        %swap3A_2076 = tpu.vector_load %arg22[%swap3A_2074, %swap3A_2075] {strides = array<i32>} : memref<128x32xf32, #tpu.memory_space<vmem>>, vector<1x16xf32>,
        %swap3A_2077 = vector.shape_cast %swap3A_2076 : vector<1x16xf32> to vector<16xf32>
        %swap3A_2078 = vector.shape_cast %add3A_2068 : vector<16xf32> to vector<1x16xf32>
        tpu.vector_store %arg22[%swap3A_2074, %swap3A_2075], %swap3A_2078 {strides = array<i32>} : memref<128x32xf32, #tpu.memory_space<vmem>>, vector<1x16xf32>,
        %mul3A_2079 = arith.constant 16 : i32
        %mul3A_2080 = arith.muli %scan3A_1393, %mul3A_2079 : i32
        %add3A_2081 = arith.constant 8 : i32
        %add3A_2082 = arith.addi %mul3A_2080, %add3A_2081 : i32
        %get3A_2083 = arith.index_cast %add3A_2082 : i32 to index
        %get3A_2084 = arith.constant 0 : index
        %get3A_2085 = tpu.vector_load %arg18[%get3A_2083, %get3A_2084] {strides = array<i32>} : memref<128x32xf32, #tpu.memory_space<vmem>>, vector<1x16xf32>,
        %get3A_2086 = vector.shape_cast %get3A_2085 : vector<1x16xf32> to vector<16xf32>
        %slice3A_2087 = vector.extract_strided_slice %get3A_1399 {offsets = [8], sizes = [1], strides = [1]} : vector<16xf32> to vector<1xf32>
        %squeeze3A_2088 = vector.extract %slice3A_2087[0] : f32 from vector<1xf32>
        %mul3A_2089 = vector.broadcast %squeeze3A_2088 : f32 to vector<16xf32>
        %mul3A_2090 = arith.mulf %get3A_2086, %mul3A_2089 : vector<16xf32>
        %get3A_2091 = arith.index_cast %add3A_2082 : i32 to index
        %get3A_2092 = arith.constant 0 : index
        %get3A_2093 = tpu.vector_load %arg19[%get3A_2091, %get3A_2092] {strides = array<i32>} : memref<128x32xf32, #tpu.memory_space<vmem>>, vector<1x16xf32>,
        %get3A_2094 = vector.shape_cast %get3A_2093 : vector<1x16xf32> to vector<16xf32>
        %slice3A_2095 = vector.extract_strided_slice %get3A_1402 {offsets = [8], sizes = [1], strides = [1]} : vector<16xf32> to vector<1xf32>
        %squeeze3A_2096 = vector.extract %slice3A_2095[0] : f32 from vector<1xf32>
        %mul3A_2097 = vector.broadcast %squeeze3A_2096 : f32 to vector<16xf32>
        %mul3A_2098 = arith.mulf %get3A_2094, %mul3A_2097 : vector<16xf32>
        %add3A_2099 = arith.addf %mul3A_2090, %mul3A_2098 : vector<16xf32>
        %get3A_2100 = arith.index_cast %add3A_2082 : i32 to index
        %get3A_2101 = arith.constant 0 : index
        %get3A_2102 = tpu.vector_load %arg20[%get3A_2100, %get3A_2101] {strides = array<i32>} : memref<128x32xf32, #tpu.memory_space<vmem>>, vector<1x16xf32>,
        %get3A_2103 = vector.shape_cast %get3A_2102 : vector<1x16xf32> to vector<16xf32>
        %slice3A_2104 = vector.extract_strided_slice %get3A_1405 {offsets = [8], sizes = [1], strides = [1]} : vector<16xf32> to vector<1xf32>
        %squeeze3A_2105 = vector.extract %slice3A_2104[0] : f32 from vector<1xf32>
        %mul3A_2106 = vector.broadcast %squeeze3A_2105 : f32 to vector<16xf32>
        %mul3A_2107 = arith.mulf %get3A_2103, %mul3A_2106 : vector<16xf32>
        %add3A_2108 = arith.addf %add3A_2099, %mul3A_2107 : vector<16xf32>
        %get3A_2109 = arith.index_cast %add3A_2082 : i32 to index
        %get3A_2110 = arith.constant 0 : index
        %get3A_2111 = tpu.vector_load %arg21[%get3A_2109, %get3A_2110] {strides = array<i32>} : memref<128x32xf32, #tpu.memory_space<vmem>>, vector<1x16xf32>,
        %get3A_2112 = vector.shape_cast %get3A_2111 : vector<1x16xf32> to vector<16xf32>
        %slice3A_2113 = vector.extract_strided_slice %get3A_1408 {offsets = [8], sizes = [1], strides = [1]} : vector<16xf32> to vector<1xf32>
        %squeeze3A_2114 = vector.extract %slice3A_2113[0] : f32 from vector<1xf32>
        %mul3A_2115 = vector.broadcast %squeeze3A_2114 : f32 to vector<16xf32>
        %mul3A_2116 = arith.mulf %get3A_2112, %mul3A_2115 : vector<16xf32>
        %add3A_2117 = arith.addf %add3A_2108, %mul3A_2116 : vector<16xf32>
        %get3A_2118 = arith.index_cast %add3A_2082 : i32 to index
        %get3A_2119 = arith.constant 16 : index
        %get3A_2120 = tpu.vector_load %arg18[%get3A_2118, %get3A_2119] {strides = array<i32>} : memref<128x32xf32, #tpu.memory_space<vmem>>, vector<1x16xf32>,
        %get3A_2121 = vector.shape_cast %get3A_2120 : vector<1x16xf32> to vector<16xf32>
        %slice3A_2122 = vector.extract_strided_slice %get3A_1399 {offsets = [8], sizes = [1], strides = [1]} : vector<16xf32> to vector<1xf32>
        %squeeze3A_2123 = vector.extract %slice3A_2122[0] : f32 from vector<1xf32>
        %mul3A_2124 = vector.broadcast %squeeze3A_2123 : f32 to vector<16xf32>
        %mul3A_2125 = arith.mulf %get3A_2121, %mul3A_2124 : vector<16xf32>
        %get3A_2126 = arith.index_cast %add3A_2082 : i32 to index
        %get3A_2127 = arith.constant 16 : index
        %get3A_2128 = tpu.vector_load %arg19[%get3A_2126, %get3A_2127] {strides = array<i32>} : memref<128x32xf32, #tpu.memory_space<vmem>>, vector<1x16xf32>,
        %get3A_2129 = vector.shape_cast %get3A_2128 : vector<1x16xf32> to vector<16xf32>
        %slice3A_2130 = vector.extract_strided_slice %get3A_1402 {offsets = [8], sizes = [1], strides = [1]} : vector<16xf32> to vector<1xf32>
        %squeeze3A_2131 = vector.extract %slice3A_2130[0] : f32 from vector<1xf32>
        %mul3A_2132 = vector.broadcast %squeeze3A_2131 : f32 to vector<16xf32>
        %mul3A_2133 = arith.mulf %get3A_2129, %mul3A_2132 : vector<16xf32>
        %add3A_2134 = arith.addf %mul3A_2125, %mul3A_2133 : vector<16xf32>
        %get3A_2135 = arith.index_cast %add3A_2082 : i32 to index
        %get3A_2136 = arith.constant 16 : index
        %get3A_2137 = tpu.vector_load %arg20[%get3A_2135, %get3A_2136] {strides = array<i32>} : memref<128x32xf32, #tpu.memory_space<vmem>>, vector<1x16xf32>,
        %get3A_2138 = vector.shape_cast %get3A_2137 : vector<1x16xf32> to vector<16xf32>
        %slice3A_2139 = vector.extract_strided_slice %get3A_1405 {offsets = [8], sizes = [1], strides = [1]} : vector<16xf32> to vector<1xf32>
        %squeeze3A_2140 = vector.extract %slice3A_2139[0] : f32 from vector<1xf32>
        %mul3A_2141 = vector.broadcast %squeeze3A_2140 : f32 to vector<16xf32>
        %mul3A_2142 = arith.mulf %get3A_2138, %mul3A_2141 : vector<16xf32>
        %add3A_2143 = arith.addf %add3A_2134, %mul3A_2142 : vector<16xf32>
        %get3A_2144 = arith.index_cast %add3A_2082 : i32 to index
        %get3A_2145 = arith.constant 16 : index
        %get3A_2146 = tpu.vector_load %arg21[%get3A_2144, %get3A_2145] {strides = array<i32>} : memref<128x32xf32, #tpu.memory_space<vmem>>, vector<1x16xf32>,
        %get3A_2147 = vector.shape_cast %get3A_2146 : vector<1x16xf32> to vector<16xf32>
        %slice3A_2148 = vector.extract_strided_slice %get3A_1408 {offsets = [8], sizes = [1], strides = [1]} : vector<16xf32> to vector<1xf32>
        %squeeze3A_2149 = vector.extract %slice3A_2148[0] : f32 from vector<1xf32>
        %mul3A_2150 = vector.broadcast %squeeze3A_2149 : f32 to vector<16xf32>
        %mul3A_2151 = arith.mulf %get3A_2147, %mul3A_2150 : vector<16xf32>
        %add3A_2152 = arith.addf %add3A_2143, %mul3A_2151 : vector<16xf32>
        %swap3A_2153 = arith.index_cast %add3A_2082 : i32 to index
        %swap3A_2154 = arith.constant 0 : index
        %swap3A_2155 = tpu.vector_load %arg22[%swap3A_2153, %swap3A_2154] {strides = array<i32>} : memref<128x32xf32, #tpu.memory_space<vmem>>, vector<1x16xf32>,
        %swap3A_2156 = vector.shape_cast %swap3A_2155 : vector<1x16xf32> to vector<16xf32>
        %swap3A_2157 = vector.shape_cast %add3A_2117 : vector<16xf32> to vector<1x16xf32>
        tpu.vector_store %arg22[%swap3A_2153, %swap3A_2154], %swap3A_2157 {strides = array<i32>} : memref<128x32xf32, #tpu.memory_space<vmem>>, vector<1x16xf32>,
        %swap3A_2158 = arith.index_cast %add3A_2082 : i32 to index
        %swap3A_2159 = arith.constant 16 : index
        %swap3A_2160 = tpu.vector_load %arg22[%swap3A_2158, %swap3A_2159] {strides = array<i32>} : memref<128x32xf32, #tpu.memory_space<vmem>>, vector<1x16xf32>,
        %swap3A_2161 = vector.shape_cast %swap3A_2160 : vector<1x16xf32> to vector<16xf32>
        %swap3A_2162 = vector.shape_cast %add3A_2152 : vector<16xf32> to vector<1x16xf32>
        tpu.vector_store %arg22[%swap3A_2158, %swap3A_2159], %swap3A_2162 {strides = array<i32>} : memref<128x32xf32, #tpu.memory_space<vmem>>, vector<1x16xf32>,
        %mul3A_2163 = arith.constant 16 : i32
        %mul3A_2164 = arith.muli %scan3A_1393, %mul3A_2163 : i32
        %add3A_2165 = arith.constant 9 : i32
        %add3A_2166 = arith.addi %mul3A_2164, %add3A_2165 : i32
        %get3A_2167 = arith.index_cast %add3A_2166 : i32 to index
        %get3A_2168 = arith.constant 0 : index
        %get3A_2169 = tpu.vector_load %arg18[%get3A_2167, %get3A_2168] {strides = array<i32>} : memref<128x32xf32, #tpu.memory_space<vmem>>, vector<1x16xf32>,
        %get3A_2170 = vector.shape_cast %get3A_2169 : vector<1x16xf32> to vector<16xf32>
        %slice3A_2171 = vector.extract_strided_slice %get3A_1399 {offsets = [9], sizes = [1], strides = [1]} : vector<16xf32> to vector<1xf32>
        %squeeze3A_2172 = vector.extract %slice3A_2171[0] : f32 from vector<1xf32>
        %mul3A_2173 = vector.broadcast %squeeze3A_2172 : f32 to vector<16xf32>
        %mul3A_2174 = arith.mulf %get3A_2170, %mul3A_2173 : vector<16xf32>
        %get3A_2175 = arith.index_cast %add3A_2166 : i32 to index
        %get3A_2176 = arith.constant 0 : index
        %get3A_2177 = tpu.vector_load %arg19[%get3A_2175, %get3A_2176] {strides = array<i32>} : memref<128x32xf32, #tpu.memory_space<vmem>>, vector<1x16xf32>,
        %get3A_2178 = vector.shape_cast %get3A_2177 : vector<1x16xf32> to vector<16xf32>
        %slice3A_2179 = vector.extract_strided_slice %get3A_1402 {offsets = [9], sizes = [1], strides = [1]} : vector<16xf32> to vector<1xf32>
        %squeeze3A_2180 = vector.extract %slice3A_2179[0] : f32 from vector<1xf32>
        %mul3A_2181 = vector.broadcast %squeeze3A_2180 : f32 to vector<16xf32>
        %mul3A_2182 = arith.mulf %get3A_2178, %mul3A_2181 : vector<16xf32>
        %add3A_2183 = arith.addf %mul3A_2174, %mul3A_2182 : vector<16xf32>
        %get3A_2184 = arith.index_cast %add3A_2166 : i32 to index
        %get3A_2185 = arith.constant 0 : index
        %get3A_2186 = tpu.vector_load %arg20[%get3A_2184, %get3A_2185] {strides = array<i32>} : memref<128x32xf32, #tpu.memory_space<vmem>>, vector<1x16xf32>,
        %get3A_2187 = vector.shape_cast %get3A_2186 : vector<1x16xf32> to vector<16xf32>
        %slice3A_2188 = vector.extract_strided_slice %get3A_1405 {offsets = [9], sizes = [1], strides = [1]} : vector<16xf32> to vector<1xf32>
        %squeeze3A_2189 = vector.extract %slice3A_2188[0] : f32 from vector<1xf32>
        %mul3A_2190 = vector.broadcast %squeeze3A_2189 : f32 to vector<16xf32>
        %mul3A_2191 = arith.mulf %get3A_2187, %mul3A_2190 : vector<16xf32>
        %add3A_2192 = arith.addf %add3A_2183, %mul3A_2191 : vector<16xf32>
        %get3A_2193 = arith.index_cast %add3A_2166 : i32 to index
        %get3A_2194 = arith.constant 0 : index
        %get3A_2195 = tpu.vector_load %arg21[%get3A_2193, %get3A_2194] {strides = array<i32>} : memref<128x32xf32, #tpu.memory_space<vmem>>, vector<1x16xf32>,
        %get3A_2196 = vector.shape_cast %get3A_2195 : vector<1x16xf32> to vector<16xf32>
        %slice3A_2197 = vector.extract_strided_slice %get3A_1408 {offsets = [9], sizes = [1], strides = [1]} : vector<16xf32> to vector<1xf32>
        %squeeze3A_2198 = vector.extract %slice3A_2197[0] : f32 from vector<1xf32>
        %mul3A_2199 = vector.broadcast %squeeze3A_2198 : f32 to vector<16xf32>
        %mul3A_2200 = arith.mulf %get3A_2196, %mul3A_2199 : vector<16xf32>
        %add3A_2201 = arith.addf %add3A_2192, %mul3A_2200 : vector<16xf32>
        %get3A_2202 = arith.index_cast %add3A_2166 : i32 to index
        %get3A_2203 = arith.constant 16 : index
        %get3A_2204 = tpu.vector_load %arg18[%get3A_2202, %get3A_2203] {strides = array<i32>} : memref<128x32xf32, #tpu.memory_space<vmem>>, vector<1x16xf32>,
        %get3A_2205 = vector.shape_cast %get3A_2204 : vector<1x16xf32> to vector<16xf32>
        %slice3A_2206 = vector.extract_strided_slice %get3A_1399 {offsets = [9], sizes = [1], strides = [1]} : vector<16xf32> to vector<1xf32>
        %squeeze3A_2207 = vector.extract %slice3A_2206[0] : f32 from vector<1xf32>
        %mul3A_2208 = vector.broadcast %squeeze3A_2207 : f32 to vector<16xf32>
        %mul3A_2209 = arith.mulf %get3A_2205, %mul3A_2208 : vector<16xf32>
        %get3A_2210 = arith.index_cast %add3A_2166 : i32 to index
        %get3A_2211 = arith.constant 16 : index
        %get3A_2212 = tpu.vector_load %arg19[%get3A_2210, %get3A_2211] {strides = array<i32>} : memref<128x32xf32, #tpu.memory_space<vmem>>, vector<1x16xf32>,
        %get3A_2213 = vector.shape_cast %get3A_2212 : vector<1x16xf32> to vector<16xf32>
        %slice3A_2214 = vector.extract_strided_slice %get3A_1402 {offsets = [9], sizes = [1], strides = [1]} : vector<16xf32> to vector<1xf32>
        %squeeze3A_2215 = vector.extract %slice3A_2214[0] : f32 from vector<1xf32>
        %mul3A_2216 = vector.broadcast %squeeze3A_2215 : f32 to vector<16xf32>
        %mul3A_2217 = arith.mulf %get3A_2213, %mul3A_2216 : vector<16xf32>
        %add3A_2218 = arith.addf %mul3A_2209, %mul3A_2217 : vector<16xf32>
        %get3A_2219 = arith.index_cast %add3A_2166 : i32 to index
        %get3A_2220 = arith.constant 16 : index
        %get3A_2221 = tpu.vector_load %arg20[%get3A_2219, %get3A_2220] {strides = array<i32>} : memref<128x32xf32, #tpu.memory_space<vmem>>, vector<1x16xf32>,
        %get3A_2222 = vector.shape_cast %get3A_2221 : vector<1x16xf32> to vector<16xf32>
        %slice3A_2223 = vector.extract_strided_slice %get3A_1405 {offsets = [9], sizes = [1], strides = [1]} : vector<16xf32> to vector<1xf32>
        %squeeze3A_2224 = vector.extract %slice3A_2223[0] : f32 from vector<1xf32>
        %mul3A_2225 = vector.broadcast %squeeze3A_2224 : f32 to vector<16xf32>
        %mul3A_2226 = arith.mulf %get3A_2222, %mul3A_2225 : vector<16xf32>
        %add3A_2227 = arith.addf %add3A_2218, %mul3A_2226 : vector<16xf32>
        %get3A_2228 = arith.index_cast %add3A_2166 : i32 to index
        %get3A_2229 = arith.constant 16 : index
        %get3A_2230 = tpu.vector_load %arg21[%get3A_2228, %get3A_2229] {strides = array<i32>} : memref<128x32xf32, #tpu.memory_space<vmem>>, vector<1x16xf32>,
        %get3A_2231 = vector.shape_cast %get3A_2230 : vector<1x16xf32> to vector<16xf32>
        %slice3A_2232 = vector.extract_strided_slice %get3A_1408 {offsets = [9], sizes = [1], strides = [1]} : vector<16xf32> to vector<1xf32>
        %squeeze3A_2233 = vector.extract %slice3A_2232[0] : f32 from vector<1xf32>
        %mul3A_2234 = vector.broadcast %squeeze3A_2233 : f32 to vector<16xf32>
        %mul3A_2235 = arith.mulf %get3A_2231, %mul3A_2234 : vector<16xf32>
        %add3A_2236 = arith.addf %add3A_2227, %mul3A_2235 : vector<16xf32>
        %swap3A_2237 = arith.index_cast %add3A_2166 : i32 to index
        %swap3A_2238 = arith.constant 0 : index
        %swap3A_2239 = tpu.vector_load %arg22[%swap3A_2237, %swap3A_2238] {strides = array<i32>} : memref<128x32xf32, #tpu.memory_space<vmem>>, vector<1x16xf32>,
        %swap3A_2240 = vector.shape_cast %swap3A_2239 : vector<1x16xf32> to vector<16xf32>
        %swap3A_2241 = vector.shape_cast %add3A_2201 : vector<16xf32> to vector<1x16xf32>
        tpu.vector_store %arg22[%swap3A_2237, %swap3A_2238], %swap3A_2241 {strides = array<i32>} : memref<128x32xf32, #tpu.memory_space<vmem>>, vector<1x16xf32>,
        %swap3A_2242 = arith.index_cast %add3A_2166 : i32 to index
        %swap3A_2243 = arith.constant 16 : index
        %swap3A_2244 = tpu.vector_load %arg22[%swap3A_2242, %swap3A_2243] {strides = array<i32>} : memref<128x32xf32, #tpu.memory_space<vmem>>, vector<1x16xf32>,
        %swap3A_2245 = vector.shape_cast %swap3A_2244 : vector<1x16xf32> to vector<16xf32>
        %swap3A_2246 = vector.shape_cast %add3A_2236 : vector<16xf32> to vector<1x16xf32>
        tpu.vector_store %arg22[%swap3A_2242, %swap3A_2243], %swap3A_2246 {strides = array<i32>} : memref<128x32xf32, #tpu.memory_space<vmem>>, vector<1x16xf32>,
        %mul3A_2247 = arith.constant 16 : i32
        %mul3A_2248 = arith.muli %scan3A_1393, %mul3A_2247 : i32
        %add3A_2249 = arith.constant 10 : i32
        %add3A_2250 = arith.addi %mul3A_2248, %add3A_2249 : i32
        %get3A_2251 = arith.index_cast %add3A_2250 : i32 to index
        %get3A_2252 = arith.constant 0 : index
        %get3A_2253 = tpu.vector_load %arg18[%get3A_2251, %get3A_2252] {strides = array<i32>} : memref<128x32xf32, #tpu.memory_space<vmem>>, vector<1x16xf32>,
        %get3A_2254 = vector.shape_cast %get3A_2253 : vector<1x16xf32> to vector<16xf32>
        %slice3A_2255 = vector.extract_strided_slice %get3A_1399 {offsets = [10], sizes = [1], strides = [1]} : vector<16xf32> to vector<1xf32>
        %squeeze3A_2256 = vector.extract %slice3A_2255[0] : f32 from vector<1xf32>
        %mul3A_2257 = vector.broadcast %squeeze3A_2256 : f32 to vector<16xf32>
        %mul3A_2258 = arith.mulf %get3A_2254, %mul3A_2257 : vector<16xf32>
        %get3A_2259 = arith.index_cast %add3A_2250 : i32 to index
        %get3A_2260 = arith.constant 0 : index
        %get3A_2261 = tpu.vector_load %arg19[%get3A_2259, %get3A_2260] {strides = array<i32>} : memref<128x32xf32, #tpu.memory_space<vmem>>, vector<1x16xf32>,
        %get3A_2262 = vector.shape_cast %get3A_2261 : vector<1x16xf32> to vector<16xf32>
        %slice3A_2263 = vector.extract_strided_slice %get3A_1402 {offsets = [10], sizes = [1], strides = [1]} : vector<16xf32> to vector<1xf32>
        %squeeze3A_2264 = vector.extract %slice3A_2263[0] : f32 from vector<1xf32>
        %mul3A_2265 = vector.broadcast %squeeze3A_2264 : f32 to vector<16xf32>
        %mul3A_2266 = arith.mulf %get3A_2262, %mul3A_2265 : vector<16xf32>
        %add3A_2267 = arith.addf %mul3A_2258, %mul3A_2266 : vector<16xf32>
        %get3A_2268 = arith.index_cast %add3A_2250 : i32 to index
        %get3A_2269 = arith.constant 0 : index
        %get3A_2270 = tpu.vector_load %arg20[%get3A_2268, %get3A_2269] {strides = array<i32>} : memref<128x32xf32, #tpu.memory_space<vmem>>, vector<1x16xf32>,
        %get3A_2271 = vector.shape_cast %get3A_2270 : vector<1x16xf32> to vector<16xf32>
        %slice3A_2272 = vector.extract_strided_slice %get3A_1405 {offsets = [10], sizes = [1], strides = [1]} : vector<16xf32> to vector<1xf32>
        %squeeze3A_2273 = vector.extract %slice3A_2272[0] : f32 from vector<1xf32>
        %mul3A_2274 = vector.broadcast %squeeze3A_2273 : f32 to vector<16xf32>
        %mul3A_2275 = arith.mulf %get3A_2271, %mul3A_2274 : vector<16xf32>
        %add3A_2276 = arith.addf %add3A_2267, %mul3A_2275 : vector<16xf32>
        %get3A_2277 = arith.index_cast %add3A_2250 : i32 to index
        %get3A_2278 = arith.constant 0 : index
        %get3A_2279 = tpu.vector_load %arg21[%get3A_2277, %get3A_2278] {strides = array<i32>} : memref<128x32xf32, #tpu.memory_space<vmem>>, vector<1x16xf32>,
        %get3A_2280 = vector.shape_cast %get3A_2279 : vector<1x16xf32> to vector<16xf32>
        %slice3A_2281 = vector.extract_strided_slice %get3A_1408 {offsets = [10], sizes = [1], strides = [1]} : vector<16xf32> to vector<1xf32>
        %squeeze3A_2282 = vector.extract %slice3A_2281[0] : f32 from vector<1xf32>
        %mul3A_2283 = vector.broadcast %squeeze3A_2282 : f32 to vector<16xf32>
        %mul3A_2284 = arith.mulf %get3A_2280, %mul3A_2283 : vector<16xf32>
        %add3A_2285 = arith.addf %add3A_2276, %mul3A_2284 : vector<16xf32>
        %get3A_2286 = arith.index_cast %add3A_2250 : i32 to index
        %get3A_2287 = arith.constant 16 : index
        %get3A_2288 = tpu.vector_load %arg18[%get3A_2286, %get3A_2287] {strides = array<i32>} : memref<128x32xf32, #tpu.memory_space<vmem>>, vector<1x16xf32>,
        %get3A_2289 = vector.shape_cast %get3A_2288 : vector<1x16xf32> to vector<16xf32>
        %slice3A_2290 = vector.extract_strided_slice %get3A_1399 {offsets = [10], sizes = [1], strides = [1]} : vector<16xf32> to vector<1xf32>
        %squeeze3A_2291 = vector.extract %slice3A_2290[0] : f32 from vector<1xf32>
        %mul3A_2292 = vector.broadcast %squeeze3A_2291 : f32 to vector<16xf32>
        %mul3A_2293 = arith.mulf %get3A_2289, %mul3A_2292 : vector<16xf32>
        %get3A_2294 = arith.index_cast %add3A_2250 : i32 to index
        %get3A_2295 = arith.constant 16 : index
        %get3A_2296 = tpu.vector_load %arg19[%get3A_2294, %get3A_2295] {strides = array<i32>} : memref<128x32xf32, #tpu.memory_space<vmem>>, vector<1x16xf32>,
        %get3A_2297 = vector.shape_cast %get3A_2296 : vector<1x16xf32> to vector<16xf32>
        %slice3A_2298 = vector.extract_strided_slice %get3A_1402 {offsets = [10], sizes = [1], strides = [1]} : vector<16xf32> to vector<1xf32>
        %squeeze3A_2299 = vector.extract %slice3A_2298[0] : f32 from vector<1xf32>
        %mul3A_2300 = vector.broadcast %squeeze3A_2299 : f32 to vector<16xf32>
        %mul3A_2301 = arith.mulf %get3A_2297, %mul3A_2300 : vector<16xf32>
        %add3A_2302 = arith.addf %mul3A_2293, %mul3A_2301 : vector<16xf32>
        %get3A_2303 = arith.index_cast %add3A_2250 : i32 to index
        %get3A_2304 = arith.constant 16 : index
        %get3A_2305 = tpu.vector_load %arg20[%get3A_2303, %get3A_2304] {strides = array<i32>} : memref<128x32xf32, #tpu.memory_space<vmem>>, vector<1x16xf32>,
        %get3A_2306 = vector.shape_cast %get3A_2305 : vector<1x16xf32> to vector<16xf32>
        %slice3A_2307 = vector.extract_strided_slice %get3A_1405 {offsets = [10], sizes = [1], strides = [1]} : vector<16xf32> to vector<1xf32>
        %squeeze3A_2308 = vector.extract %slice3A_2307[0] : f32 from vector<1xf32>
        %mul3A_2309 = vector.broadcast %squeeze3A_2308 : f32 to vector<16xf32>
        %mul3A_2310 = arith.mulf %get3A_2306, %mul3A_2309 : vector<16xf32>
        %add3A_2311 = arith.addf %add3A_2302, %mul3A_2310 : vector<16xf32>
        %get3A_2312 = arith.index_cast %add3A_2250 : i32 to index
        %get3A_2313 = arith.constant 16 : index
        %get3A_2314 = tpu.vector_load %arg21[%get3A_2312, %get3A_2313] {strides = array<i32>} : memref<128x32xf32, #tpu.memory_space<vmem>>, vector<1x16xf32>,
        %get3A_2315 = vector.shape_cast %get3A_2314 : vector<1x16xf32> to vector<16xf32>
        %slice3A_2316 = vector.extract_strided_slice %get3A_1408 {offsets = [10], sizes = [1], strides = [1]} : vector<16xf32> to vector<1xf32>
        %squeeze3A_2317 = vector.extract %slice3A_2316[0] : f32 from vector<1xf32>
        %mul3A_2318 = vector.broadcast %squeeze3A_2317 : f32 to vector<16xf32>
        %mul3A_2319 = arith.mulf %get3A_2315, %mul3A_2318 : vector<16xf32>
        %add3A_2320 = arith.addf %add3A_2311, %mul3A_2319 : vector<16xf32>
        %swap3A_2321 = arith.index_cast %add3A_2250 : i32 to index
        %swap3A_2322 = arith.constant 0 : index
        %swap3A_2323 = tpu.vector_load %arg22[%swap3A_2321, %swap3A_2322] {strides = array<i32>} : memref<128x32xf32, #tpu.memory_space<vmem>>, vector<1x16xf32>,
        %swap3A_2324 = vector.shape_cast %swap3A_2323 : vector<1x16xf32> to vector<16xf32>
        %swap3A_2325 = vector.shape_cast %add3A_2285 : vector<16xf32> to vector<1x16xf32>
        tpu.vector_store %arg22[%swap3A_2321, %swap3A_2322], %swap3A_2325 {strides = array<i32>} : memref<128x32xf32, #tpu.memory_space<vmem>>, vector<1x16xf32>,
        %swap3A_2326 = arith.index_cast %add3A_2250 : i32 to index
        %swap3A_2327 = arith.constant 16 : index
        %swap3A_2328 = tpu.vector_load %arg22[%swap3A_2326, %swap3A_2327] {strides = array<i32>} : memref<128x32xf32, #tpu.memory_space<vmem>>, vector<1x16xf32>,
        %swap3A_2329 = vector.shape_cast %swap3A_2328 : vector<1x16xf32> to vector<16xf32>
        %swap3A_2330 = vector.shape_cast %add3A_2320 : vector<16xf32> to vector<1x16xf32>
        tpu.vector_store %arg22[%swap3A_2326, %swap3A_2327], %swap3A_2330 {strides = array<i32>} : memref<128x32xf32, #tpu.memory_space<vmem>>, vector<1x16xf32>,
        %mul3A_2331 = arith.constant 16 : i32
        %mul3A_2332 = arith.muli %scan3A_1393, %mul3A_2331 : i32
        %add3A_2333 = arith.constant 11 : i32
        %add3A_2334 = arith.addi %mul3A_2332, %add3A_2333 : i32
        %get3A_2335 = arith.index_cast %add3A_2334 : i32 to index
        %get3A_2336 = arith.constant 0 : index
        %get3A_2337 = tpu.vector_load %arg18[%get3A_2335, %get3A_2336] {strides = array<i32>} : memref<128x32xf32, #tpu.memory_space<vmem>>, vector<1x16xf32>,
        %get3A_2338 = vector.shape_cast %get3A_2337 : vector<1x16xf32> to vector<16xf32>
        %slice3A_2339 = vector.extract_strided_slice %get3A_1399 {offsets = [11], sizes = [1], strides = [1]} : vector<16xf32> to vector<1xf32>
        %squeeze3A_2340 = vector.extract %slice3A_2339[0] : f32 from vector<1xf32>
        %mul3A_2341 = vector.broadcast %squeeze3A_2340 : f32 to vector<16xf32>
        %mul3A_2342 = arith.mulf %get3A_2338, %mul3A_2341 : vector<16xf32>
        %get3A_2343 = arith.index_cast %add3A_2334 : i32 to index
        %get3A_2344 = arith.constant 0 : index
        %get3A_2345 = tpu.vector_load %arg19[%get3A_2343, %get3A_2344] {strides = array<i32>} : memref<128x32xf32, #tpu.memory_space<vmem>>, vector<1x16xf32>,
        %get3A_2346 = vector.shape_cast %get3A_2345 : vector<1x16xf32> to vector<16xf32>
        %slice3A_2347 = vector.extract_strided_slice %get3A_1402 {offsets = [11], sizes = [1], strides = [1]} : vector<16xf32> to vector<1xf32>
        %squeeze3A_2348 = vector.extract %slice3A_2347[0] : f32 from vector<1xf32>
        %mul3A_2349 = vector.broadcast %squeeze3A_2348 : f32 to vector<16xf32>
        %mul3A_2350 = arith.mulf %get3A_2346, %mul3A_2349 : vector<16xf32>
        %add3A_2351 = arith.addf %mul3A_2342, %mul3A_2350 : vector<16xf32>
        %get3A_2352 = arith.index_cast %add3A_2334 : i32 to index
        %get3A_2353 = arith.constant 0 : index
        %get3A_2354 = tpu.vector_load %arg20[%get3A_2352, %get3A_2353] {strides = array<i32>} : memref<128x32xf32, #tpu.memory_space<vmem>>, vector<1x16xf32>,
        %get3A_2355 = vector.shape_cast %get3A_2354 : vector<1x16xf32> to vector<16xf32>
        %slice3A_2356 = vector.extract_strided_slice %get3A_1405 {offsets = [11], sizes = [1], strides = [1]} : vector<16xf32> to vector<1xf32>
        %squeeze3A_2357 = vector.extract %slice3A_2356[0] : f32 from vector<1xf32>
        %mul3A_2358 = vector.broadcast %squeeze3A_2357 : f32 to vector<16xf32>
        %mul3A_2359 = arith.mulf %get3A_2355, %mul3A_2358 : vector<16xf32>
        %add3A_2360 = arith.addf %add3A_2351, %mul3A_2359 : vector<16xf32>
        %get3A_2361 = arith.index_cast %add3A_2334 : i32 to index
        %get3A_2362 = arith.constant 0 : index
        %get3A_2363 = tpu.vector_load %arg21[%get3A_2361, %get3A_2362] {strides = array<i32>} : memref<128x32xf32, #tpu.memory_space<vmem>>, vector<1x16xf32>,
        %get3A_2364 = vector.shape_cast %get3A_2363 : vector<1x16xf32> to vector<16xf32>
        %slice3A_2365 = vector.extract_strided_slice %get3A_1408 {offsets = [11], sizes = [1], strides = [1]} : vector<16xf32> to vector<1xf32>
        %squeeze3A_2366 = vector.extract %slice3A_2365[0] : f32 from vector<1xf32>
        %mul3A_2367 = vector.broadcast %squeeze3A_2366 : f32 to vector<16xf32>
        %mul3A_2368 = arith.mulf %get3A_2364, %mul3A_2367 : vector<16xf32>
        %add3A_2369 = arith.addf %add3A_2360, %mul3A_2368 : vector<16xf32>
        %get3A_2370 = arith.index_cast %add3A_2334 : i32 to index
        %get3A_2371 = arith.constant 16 : index
        %get3A_2372 = tpu.vector_load %arg18[%get3A_2370, %get3A_2371] {strides = array<i32>} : memref<128x32xf32, #tpu.memory_space<vmem>>, vector<1x16xf32>,
        %get3A_2373 = vector.shape_cast %get3A_2372 : vector<1x16xf32> to vector<16xf32>
        %slice3A_2374 = vector.extract_strided_slice %get3A_1399 {offsets = [11], sizes = [1], strides = [1]} : vector<16xf32> to vector<1xf32>
        %squeeze3A_2375 = vector.extract %slice3A_2374[0] : f32 from vector<1xf32>
        %mul3A_2376 = vector.broadcast %squeeze3A_2375 : f32 to vector<16xf32>
        %mul3A_2377 = arith.mulf %get3A_2373, %mul3A_2376 : vector<16xf32>
        %get3A_2378 = arith.index_cast %add3A_2334 : i32 to index
        %get3A_2379 = arith.constant 16 : index
        %get3A_2380 = tpu.vector_load %arg19[%get3A_2378, %get3A_2379] {strides = array<i32>} : memref<128x32xf32, #tpu.memory_space<vmem>>, vector<1x16xf32>,
        %get3A_2381 = vector.shape_cast %get3A_2380 : vector<1x16xf32> to vector<16xf32>
        %slice3A_2382 = vector.extract_strided_slice %get3A_1402 {offsets = [11], sizes = [1], strides = [1]} : vector<16xf32> to vector<1xf32>
        %squeeze3A_2383 = vector.extract %slice3A_2382[0] : f32 from vector<1xf32>
        %mul3A_2384 = vector.broadcast %squeeze3A_2383 : f32 to vector<16xf32>
        %mul3A_2385 = arith.mulf %get3A_2381, %mul3A_2384 : vector<16xf32>
        %add3A_2386 = arith.addf %mul3A_2377, %mul3A_2385 : vector<16xf32>
        %get3A_2387 = arith.index_cast %add3A_2334 : i32 to index
        %get3A_2388 = arith.constant 16 : index
        %get3A_2389 = tpu.vector_load %arg20[%get3A_2387, %get3A_2388] {strides = array<i32>} : memref<128x32xf32, #tpu.memory_space<vmem>>, vector<1x16xf32>,
        %get3A_2390 = vector.shape_cast %get3A_2389 : vector<1x16xf32> to vector<16xf32>
        %slice3A_2391 = vector.extract_strided_slice %get3A_1405 {offsets = [11], sizes = [1], strides = [1]} : vector<16xf32> to vector<1xf32>
        %squeeze3A_2392 = vector.extract %slice3A_2391[0] : f32 from vector<1xf32>
        %mul3A_2393 = vector.broadcast %squeeze3A_2392 : f32 to vector<16xf32>
        %mul3A_2394 = arith.mulf %get3A_2390, %mul3A_2393 : vector<16xf32>
        %add3A_2395 = arith.addf %add3A_2386, %mul3A_2394 : vector<16xf32>
        %get3A_2396 = arith.index_cast %add3A_2334 : i32 to index
        %get3A_2397 = arith.constant 16 : index
        %get3A_2398 = tpu.vector_load %arg21[%get3A_2396, %get3A_2397] {strides = array<i32>} : memref<128x32xf32, #tpu.memory_space<vmem>>, vector<1x16xf32>,
        %get3A_2399 = vector.shape_cast %get3A_2398 : vector<1x16xf32> to vector<16xf32>
        %slice3A_2400 = vector.extract_strided_slice %get3A_1408 {offsets = [11], sizes = [1], strides = [1]} : vector<16xf32> to vector<1xf32>
        %squeeze3A_2401 = vector.extract %slice3A_2400[0] : f32 from vector<1xf32>
        %mul3A_2402 = vector.broadcast %squeeze3A_2401 : f32 to vector<16xf32>
        %mul3A_2403 = arith.mulf %get3A_2399, %mul3A_2402 : vector<16xf32>
        %add3A_2404 = arith.addf %add3A_2395, %mul3A_2403 : vector<16xf32>
        %swap3A_2405 = arith.index_cast %add3A_2334 : i32 to index
        %swap3A_2406 = arith.constant 0 : index
        %swap3A_2407 = tpu.vector_load %arg22[%swap3A_2405, %swap3A_2406] {strides = array<i32>} : memref<128x32xf32, #tpu.memory_space<vmem>>, vector<1x16xf32>,
        %swap3A_2408 = vector.shape_cast %swap3A_2407 : vector<1x16xf32> to vector<16xf32>
        %swap3A_2409 = vector.shape_cast %add3A_2369 : vector<16xf32> to vector<1x16xf32>
        tpu.vector_store %arg22[%swap3A_2405, %swap3A_2406], %swap3A_2409 {strides = array<i32>} : memref<128x32xf32, #tpu.memory_space<vmem>>, vector<1x16xf32>,
        %swap3A_2410 = arith.index_cast %add3A_2334 : i32 to index
        %swap3A_2411 = arith.constant 16 : index
        %swap3A_2412 = tpu.vector_load %arg22[%swap3A_2410, %swap3A_2411] {strides = array<i32>} : memref<128x32xf32, #tpu.memory_space<vmem>>, vector<1x16xf32>,
        %swap3A_2413 = vector.shape_cast %swap3A_2412 : vector<1x16xf32> to vector<16xf32>
        %swap3A_2414 = vector.shape_cast %add3A_2404 : vector<16xf32> to vector<1x16xf32>
        tpu.vector_store %arg22[%swap3A_2410, %swap3A_2411], %swap3A_2414 {strides = array<i32>} : memref<128x32xf32, #tpu.memory_space<vmem>>, vector<1x16xf32>,
        %mul3A_2415 = arith.constant 16 : i32
        %mul3A_2416 = arith.muli %scan3A_1393, %mul3A_2415 : i32
        %add3A_2417 = arith.constant 12 : i32
        %add3A_2418 = arith.addi %mul3A_2416, %add3A_2417 : i32
        %get3A_2419 = arith.index_cast %add3A_2418 : i32 to index
        %get3A_2420 = arith.constant 0 : index
        %get3A_2421 = tpu.vector_load %arg18[%get3A_2419, %get3A_2420] {strides = array<i32>} : memref<128x32xf32, #tpu.memory_space<vmem>>, vector<1x16xf32>,
        %get3A_2422 = vector.shape_cast %get3A_2421 : vector<1x16xf32> to vector<16xf32>
        %slice3A_2423 = vector.extract_strided_slice %get3A_1399 {offsets = [12], sizes = [1], strides = [1]} : vector<16xf32> to vector<1xf32>
        %squeeze3A_2424 = vector.extract %slice3A_2423[0] : f32 from vector<1xf32>
        %mul3A_2425 = vector.broadcast %squeeze3A_2424 : f32 to vector<16xf32>
        %mul3A_2426 = arith.mulf %get3A_2422, %mul3A_2425 : vector<16xf32>
        %get3A_2427 = arith.index_cast %add3A_2418 : i32 to index
        %get3A_2428 = arith.constant 0 : index
        %get3A_2429 = tpu.vector_load %arg19[%get3A_2427, %get3A_2428] {strides = array<i32>} : memref<128x32xf32, #tpu.memory_space<vmem>>, vector<1x16xf32>,
        %get3A_2430 = vector.shape_cast %get3A_2429 : vector<1x16xf32> to vector<16xf32>
        %slice3A_2431 = vector.extract_strided_slice %get3A_1402 {offsets = [12], sizes = [1], strides = [1]} : vector<16xf32> to vector<1xf32>
        %squeeze3A_2432 = vector.extract %slice3A_2431[0] : f32 from vector<1xf32>
        %mul3A_2433 = vector.broadcast %squeeze3A_2432 : f32 to vector<16xf32>
        %mul3A_2434 = arith.mulf %get3A_2430, %mul3A_2433 : vector<16xf32>
        %add3A_2435 = arith.addf %mul3A_2426, %mul3A_2434 : vector<16xf32>
        %get3A_2436 = arith.index_cast %add3A_2418 : i32 to index
        %get3A_2437 = arith.constant 0 : index
        %get3A_2438 = tpu.vector_load %arg20[%get3A_2436, %get3A_2437] {strides = array<i32>} : memref<128x32xf32, #tpu.memory_space<vmem>>, vector<1x16xf32>,
        %get3A_2439 = vector.shape_cast %get3A_2438 : vector<1x16xf32> to vector<16xf32>
        %slice3A_2440 = vector.extract_strided_slice %get3A_1405 {offsets = [12], sizes = [1], strides = [1]} : vector<16xf32> to vector<1xf32>
        %squeeze3A_2441 = vector.extract %slice3A_2440[0] : f32 from vector<1xf32>
        %mul3A_2442 = vector.broadcast %squeeze3A_2441 : f32 to vector<16xf32>
        %mul3A_2443 = arith.mulf %get3A_2439, %mul3A_2442 : vector<16xf32>
        %add3A_2444 = arith.addf %add3A_2435, %mul3A_2443 : vector<16xf32>
        %get3A_2445 = arith.index_cast %add3A_2418 : i32 to index
        %get3A_2446 = arith.constant 0 : index
        %get3A_2447 = tpu.vector_load %arg21[%get3A_2445, %get3A_2446] {strides = array<i32>} : memref<128x32xf32, #tpu.memory_space<vmem>>, vector<1x16xf32>,
        %get3A_2448 = vector.shape_cast %get3A_2447 : vector<1x16xf32> to vector<16xf32>
        %slice3A_2449 = vector.extract_strided_slice %get3A_1408 {offsets = [12], sizes = [1], strides = [1]} : vector<16xf32> to vector<1xf32>
        %squeeze3A_2450 = vector.extract %slice3A_2449[0] : f32 from vector<1xf32>
        %mul3A_2451 = vector.broadcast %squeeze3A_2450 : f32 to vector<16xf32>
        %mul3A_2452 = arith.mulf %get3A_2448, %mul3A_2451 : vector<16xf32>
        %add3A_2453 = arith.addf %add3A_2444, %mul3A_2452 : vector<16xf32>
        %get3A_2454 = arith.index_cast %add3A_2418 : i32 to index
        %get3A_2455 = arith.constant 16 : index
        %get3A_2456 = tpu.vector_load %arg18[%get3A_2454, %get3A_2455] {strides = array<i32>} : memref<128x32xf32, #tpu.memory_space<vmem>>, vector<1x16xf32>,
        %get3A_2457 = vector.shape_cast %get3A_2456 : vector<1x16xf32> to vector<16xf32>
        %slice3A_2458 = vector.extract_strided_slice %get3A_1399 {offsets = [12], sizes = [1], strides = [1]} : vector<16xf32> to vector<1xf32>
        %squeeze3A_2459 = vector.extract %slice3A_2458[0] : f32 from vector<1xf32>
        %mul3A_2460 = vector.broadcast %squeeze3A_2459 : f32 to vector<16xf32>
        %mul3A_2461 = arith.mulf %get3A_2457, %mul3A_2460 : vector<16xf32>
        %get3A_2462 = arith.index_cast %add3A_2418 : i32 to index
        %get3A_2463 = arith.constant 16 : index
        %get3A_2464 = tpu.vector_load %arg19[%get3A_2462, %get3A_2463] {strides = array<i32>} : memref<128x32xf32, #tpu.memory_space<vmem>>, vector<1x16xf32>,
        %get3A_2465 = vector.shape_cast %get3A_2464 : vector<1x16xf32> to vector<16xf32>
        %slice3A_2466 = vector.extract_strided_slice %get3A_1402 {offsets = [12], sizes = [1], strides = [1]} : vector<16xf32> to vector<1xf32>
        %squeeze3A_2467 = vector.extract %slice3A_2466[0] : f32 from vector<1xf32>
        %mul3A_2468 = vector.broadcast %squeeze3A_2467 : f32 to vector<16xf32>
        %mul3A_2469 = arith.mulf %get3A_2465, %mul3A_2468 : vector<16xf32>
        %add3A_2470 = arith.addf %mul3A_2461, %mul3A_2469 : vector<16xf32>
        %get3A_2471 = arith.index_cast %add3A_2418 : i32 to index
        %get3A_2472 = arith.constant 16 : index
        %get3A_2473 = tpu.vector_load %arg20[%get3A_2471, %get3A_2472] {strides = array<i32>} : memref<128x32xf32, #tpu.memory_space<vmem>>, vector<1x16xf32>,
        %get3A_2474 = vector.shape_cast %get3A_2473 : vector<1x16xf32> to vector<16xf32>
        %slice3A_2475 = vector.extract_strided_slice %get3A_1405 {offsets = [12], sizes = [1], strides = [1]} : vector<16xf32> to vector<1xf32>
        %squeeze3A_2476 = vector.extract %slice3A_2475[0] : f32 from vector<1xf32>
        %mul3A_2477 = vector.broadcast %squeeze3A_2476 : f32 to vector<16xf32>
        %mul3A_2478 = arith.mulf %get3A_2474, %mul3A_2477 : vector<16xf32>
        %add3A_2479 = arith.addf %add3A_2470, %mul3A_2478 : vector<16xf32>
        %get3A_2480 = arith.index_cast %add3A_2418 : i32 to index
        %get3A_2481 = arith.constant 16 : index
        %get3A_2482 = tpu.vector_load %arg21[%get3A_2480, %get3A_2481] {strides = array<i32>} : memref<128x32xf32, #tpu.memory_space<vmem>>, vector<1x16xf32>,
        %get3A_2483 = vector.shape_cast %get3A_2482 : vector<1x16xf32> to vector<16xf32>
        %slice3A_2484 = vector.extract_strided_slice %get3A_1408 {offsets = [12], sizes = [1], strides = [1]} : vector<16xf32> to vector<1xf32>
        %squeeze3A_2485 = vector.extract %slice3A_2484[0] : f32 from vector<1xf32>
        %mul3A_2486 = vector.broadcast %squeeze3A_2485 : f32 to vector<16xf32>
        %mul3A_2487 = arith.mulf %get3A_2483, %mul3A_2486 : vector<16xf32>
        %add3A_2488 = arith.addf %add3A_2479, %mul3A_2487 : vector<16xf32>
        %swap3A_2489 = arith.index_cast %add3A_2418 : i32 to index
        %swap3A_2490 = arith.constant 0 : index
        %swap3A_2491 = tpu.vector_load %arg22[%swap3A_2489, %swap3A_2490] {strides = array<i32>} : memref<128x32xf32, #tpu.memory_space<vmem>>, vector<1x16xf32>,
        %swap3A_2492 = vector.shape_cast %swap3A_2491 : vector<1x16xf32> to vector<16xf32>
        %swap3A_2493 = vector.shape_cast %add3A_2453 : vector<16xf32> to vector<1x16xf32>
        tpu.vector_store %arg22[%swap3A_2489, %swap3A_2490], %swap3A_2493 {strides = array<i32>} : memref<128x32xf32, #tpu.memory_space<vmem>>, vector<1x16xf32>,
        %swap3A_2494 = arith.index_cast %add3A_2418 : i32 to index
        %swap3A_2495 = arith.constant 16 : index
        %swap3A_2496 = tpu.vector_load %arg22[%swap3A_2494, %swap3A_2495] {strides = array<i32>} : memref<128x32xf32, #tpu.memory_space<vmem>>, vector<1x16xf32>,
        %swap3A_2497 = vector.shape_cast %swap3A_2496 : vector<1x16xf32> to vector<16xf32>
        %swap3A_2498 = vector.shape_cast %add3A_2488 : vector<16xf32> to vector<1x16xf32>
        tpu.vector_store %arg22[%swap3A_2494, %swap3A_2495], %swap3A_2498 {strides = array<i32>} : memref<128x32xf32, #tpu.memory_space<vmem>>, vector<1x16xf32>,
        %mul3A_2499 = arith.constant 16 : i32
        %mul3A_2500 = arith.muli %scan3A_1393, %mul3A_2499 : i32
        %add3A_2501 = arith.constant 13 : i32
        %add3A_2502 = arith.addi %mul3A_2500, %add3A_2501 : i32
        %get3A_2503 = arith.index_cast %add3A_2502 : i32 to index
        %get3A_2504 = arith.constant 0 : index
        %get3A_2505 = tpu.vector_load %arg18[%get3A_2503, %get3A_2504] {strides = array<i32>} : memref<128x32xf32, #tpu.memory_space<vmem>>, vector<1x16xf32>,
        %get3A_2506 = vector.shape_cast %get3A_2505 : vector<1x16xf32> to vector<16xf32>
        %slice3A_2507 = vector.extract_strided_slice %get3A_1399 {offsets = [13], sizes = [1], strides = [1]} : vector<16xf32> to vector<1xf32>
        %squeeze3A_2508 = vector.extract %slice3A_2507[0] : f32 from vector<1xf32>
        %mul3A_2509 = vector.broadcast %squeeze3A_2508 : f32 to vector<16xf32>
        %mul3A_2510 = arith.mulf %get3A_2506, %mul3A_2509 : vector<16xf32>
        %get3A_2511 = arith.index_cast %add3A_2502 : i32 to index
        %get3A_2512 = arith.constant 0 : index
        %get3A_2513 = tpu.vector_load %arg19[%get3A_2511, %get3A_2512] {strides = array<i32>} : memref<128x32xf32, #tpu.memory_space<vmem>>, vector<1x16xf32>,
        %get3A_2514 = vector.shape_cast %get3A_2513 : vector<1x16xf32> to vector<16xf32>
        %slice3A_2515 = vector.extract_strided_slice %get3A_1402 {offsets = [13], sizes = [1], strides = [1]} : vector<16xf32> to vector<1xf32>
        %squeeze3A_2516 = vector.extract %slice3A_2515[0] : f32 from vector<1xf32>
        %mul3A_2517 = vector.broadcast %squeeze3A_2516 : f32 to vector<16xf32>
        %mul3A_2518 = arith.mulf %get3A_2514, %mul3A_2517 : vector<16xf32>
        %add3A_2519 = arith.addf %mul3A_2510, %mul3A_2518 : vector<16xf32>
        %get3A_2520 = arith.index_cast %add3A_2502 : i32 to index
        %get3A_2521 = arith.constant 0 : index
        %get3A_2522 = tpu.vector_load %arg20[%get3A_2520, %get3A_2521] {strides = array<i32>} : memref<128x32xf32, #tpu.memory_space<vmem>>, vector<1x16xf32>,
        %get3A_2523 = vector.shape_cast %get3A_2522 : vector<1x16xf32> to vector<16xf32>
        %slice3A_2524 = vector.extract_strided_slice %get3A_1405 {offsets = [13], sizes = [1], strides = [1]} : vector<16xf32> to vector<1xf32>
        %squeeze3A_2525 = vector.extract %slice3A_2524[0] : f32 from vector<1xf32>
        %mul3A_2526 = vector.broadcast %squeeze3A_2525 : f32 to vector<16xf32>
        %mul3A_2527 = arith.mulf %get3A_2523, %mul3A_2526 : vector<16xf32>
        %add3A_2528 = arith.addf %add3A_2519, %mul3A_2527 : vector<16xf32>
        %get3A_2529 = arith.index_cast %add3A_2502 : i32 to index
        %get3A_2530 = arith.constant 0 : index
        %get3A_2531 = tpu.vector_load %arg21[%get3A_2529, %get3A_2530] {strides = array<i32>} : memref<128x32xf32, #tpu.memory_space<vmem>>, vector<1x16xf32>,
        %get3A_2532 = vector.shape_cast %get3A_2531 : vector<1x16xf32> to vector<16xf32>
        %slice3A_2533 = vector.extract_strided_slice %get3A_1408 {offsets = [13], sizes = [1], strides = [1]} : vector<16xf32> to vector<1xf32>
        %squeeze3A_2534 = vector.extract %slice3A_2533[0] : f32 from vector<1xf32>
        %mul3A_2535 = vector.broadcast %squeeze3A_2534 : f32 to vector<16xf32>
        %mul3A_2536 = arith.mulf %get3A_2532, %mul3A_2535 : vector<16xf32>
        %add3A_2537 = arith.addf %add3A_2528, %mul3A_2536 : vector<16xf32>
        %get3A_2538 = arith.index_cast %add3A_2502 : i32 to index
        %get3A_2539 = arith.constant 16 : index
        %get3A_2540 = tpu.vector_load %arg18[%get3A_2538, %get3A_2539] {strides = array<i32>} : memref<128x32xf32, #tpu.memory_space<vmem>>, vector<1x16xf32>,
        %get3A_2541 = vector.shape_cast %get3A_2540 : vector<1x16xf32> to vector<16xf32>
        %slice3A_2542 = vector.extract_strided_slice %get3A_1399 {offsets = [13], sizes = [1], strides = [1]} : vector<16xf32> to vector<1xf32>
        %squeeze3A_2543 = vector.extract %slice3A_2542[0] : f32 from vector<1xf32>
        %mul3A_2544 = vector.broadcast %squeeze3A_2543 : f32 to vector<16xf32>
        %mul3A_2545 = arith.mulf %get3A_2541, %mul3A_2544 : vector<16xf32>
        %get3A_2546 = arith.index_cast %add3A_2502 : i32 to index
        %get3A_2547 = arith.constant 16 : index
        %get3A_2548 = tpu.vector_load %arg19[%get3A_2546, %get3A_2547] {strides = array<i32>} : memref<128x32xf32, #tpu.memory_space<vmem>>, vector<1x16xf32>,
        %get3A_2549 = vector.shape_cast %get3A_2548 : vector<1x16xf32> to vector<16xf32>
        %slice3A_2550 = vector.extract_strided_slice %get3A_1402 {offsets = [13], sizes = [1], strides = [1]} : vector<16xf32> to vector<1xf32>
        %squeeze3A_2551 = vector.extract %slice3A_2550[0] : f32 from vector<1xf32>
        %mul3A_2552 = vector.broadcast %squeeze3A_2551 : f32 to vector<16xf32>
        %mul3A_2553 = arith.mulf %get3A_2549, %mul3A_2552 : vector<16xf32>
        %add3A_2554 = arith.addf %mul3A_2545, %mul3A_2553 : vector<16xf32>
        %get3A_2555 = arith.index_cast %add3A_2502 : i32 to index
        %get3A_2556 = arith.constant 16 : index
        %get3A_2557 = tpu.vector_load %arg20[%get3A_2555, %get3A_2556] {strides = array<i32>} : memref<128x32xf32, #tpu.memory_space<vmem>>, vector<1x16xf32>,
        %get3A_2558 = vector.shape_cast %get3A_2557 : vector<1x16xf32> to vector<16xf32>
        %slice3A_2559 = vector.extract_strided_slice %get3A_1405 {offsets = [13], sizes = [1], strides = [1]} : vector<16xf32> to vector<1xf32>
        %squeeze3A_2560 = vector.extract %slice3A_2559[0] : f32 from vector<1xf32>
        %mul3A_2561 = vector.broadcast %squeeze3A_2560 : f32 to vector<16xf32>
        %mul3A_2562 = arith.mulf %get3A_2558, %mul3A_2561 : vector<16xf32>
        %add3A_2563 = arith.addf %add3A_2554, %mul3A_2562 : vector<16xf32>
        %get3A_2564 = arith.index_cast %add3A_2502 : i32 to index
        %get3A_2565 = arith.constant 16 : index
        %get3A_2566 = tpu.vector_load %arg21[%get3A_2564, %get3A_2565] {strides = array<i32>} : memref<128x32xf32, #tpu.memory_space<vmem>>, vector<1x16xf32>,
        %get3A_2567 = vector.shape_cast %get3A_2566 : vector<1x16xf32> to vector<16xf32>
        %slice3A_2568 = vector.extract_strided_slice %get3A_1408 {offsets = [13], sizes = [1], strides = [1]} : vector<16xf32> to vector<1xf32>
        %squeeze3A_2569 = vector.extract %slice3A_2568[0] : f32 from vector<1xf32>
        %mul3A_2570 = vector.broadcast %squeeze3A_2569 : f32 to vector<16xf32>
        %mul3A_2571 = arith.mulf %get3A_2567, %mul3A_2570 : vector<16xf32>
        %add3A_2572 = arith.addf %add3A_2563, %mul3A_2571 : vector<16xf32>
        %swap3A_2573 = arith.index_cast %add3A_2502 : i32 to index
        %swap3A_2574 = arith.constant 0 : index
        %swap3A_2575 = tpu.vector_load %arg22[%swap3A_2573, %swap3A_2574] {strides = array<i32>} : memref<128x32xf32, #tpu.memory_space<vmem>>, vector<1x16xf32>,
        %swap3A_2576 = vector.shape_cast %swap3A_2575 : vector<1x16xf32> to vector<16xf32>
        %swap3A_2577 = vector.shape_cast %add3A_2537 : vector<16xf32> to vector<1x16xf32>
        tpu.vector_store %arg22[%swap3A_2573, %swap3A_2574], %swap3A_2577 {strides = array<i32>} : memref<128x32xf32, #tpu.memory_space<vmem>>, vector<1x16xf32>,
        %swap3A_2578 = arith.index_cast %add3A_2502 : i32 to index
        %swap3A_2579 = arith.constant 16 : index
        %swap3A_2580 = tpu.vector_load %arg22[%swap3A_2578, %swap3A_2579] {strides = array<i32>} : memref<128x32xf32, #tpu.memory_space<vmem>>, vector<1x16xf32>,
        %swap3A_2581 = vector.shape_cast %swap3A_2580 : vector<1x16xf32> to vector<16xf32>
        %swap3A_2582 = vector.shape_cast %add3A_2572 : vector<16xf32> to vector<1x16xf32>
        tpu.vector_store %arg22[%swap3A_2578, %swap3A_2579], %swap3A_2582 {strides = array<i32>} : memref<128x32xf32, #tpu.memory_space<vmem>>, vector<1x16xf32>,
        %mul3A_2583 = arith.constant 16 : i32
        %mul3A_2584 = arith.muli %scan3A_1393, %mul3A_2583 : i32
        %add3A_2585 = arith.constant 14 : i32
        %add3A_2586 = arith.addi %mul3A_2584, %add3A_2585 : i32
        %get3A_2587 = arith.index_cast %add3A_2586 : i32 to index
        %get3A_2588 = arith.constant 0 : index
        %get3A_2589 = tpu.vector_load %arg18[%get3A_2587, %get3A_2588] {strides = array<i32>} : memref<128x32xf32, #tpu.memory_space<vmem>>, vector<1x16xf32>,
        %get3A_2590 = vector.shape_cast %get3A_2589 : vector<1x16xf32> to vector<16xf32>
        %slice3A_2591 = vector.extract_strided_slice %get3A_1399 {offsets = [14], sizes = [1], strides = [1]} : vector<16xf32> to vector<1xf32>
        %squeeze3A_2592 = vector.extract %slice3A_2591[0] : f32 from vector<1xf32>
        %mul3A_2593 = vector.broadcast %squeeze3A_2592 : f32 to vector<16xf32>
        %mul3A_2594 = arith.mulf %get3A_2590, %mul3A_2593 : vector<16xf32>
        %get3A_2595 = arith.index_cast %add3A_2586 : i32 to index
        %get3A_2596 = arith.constant 0 : index
        %get3A_2597 = tpu.vector_load %arg19[%get3A_2595, %get3A_2596] {strides = array<i32>} : memref<128x32xf32, #tpu.memory_space<vmem>>, vector<1x16xf32>,
        %get3A_2598 = vector.shape_cast %get3A_2597 : vector<1x16xf32> to vector<16xf32>
        %slice3A_2599 = vector.extract_strided_slice %get3A_1402 {offsets = [14], sizes = [1], strides = [1]} : vector<16xf32> to vector<1xf32>
        %squeeze3A_2600 = vector.extract %slice3A_2599[0] : f32 from vector<1xf32>
        %mul3A_2601 = vector.broadcast %squeeze3A_2600 : f32 to vector<16xf32>
        %mul3A_2602 = arith.mulf %get3A_2598, %mul3A_2601 : vector<16xf32>
        %add3A_2603 = arith.addf %mul3A_2594, %mul3A_2602 : vector<16xf32>
        %get3A_2604 = arith.index_cast %add3A_2586 : i32 to index
        %get3A_2605 = arith.constant 0 : index
        %get3A_2606 = tpu.vector_load %arg20[%get3A_2604, %get3A_2605] {strides = array<i32>} : memref<128x32xf32, #tpu.memory_space<vmem>>, vector<1x16xf32>,
        %get3A_2607 = vector.shape_cast %get3A_2606 : vector<1x16xf32> to vector<16xf32>
        %slice3A_2608 = vector.extract_strided_slice %get3A_1405 {offsets = [14], sizes = [1], strides = [1]} : vector<16xf32> to vector<1xf32>
        %squeeze3A_2609 = vector.extract %slice3A_2608[0] : f32 from vector<1xf32>
        %mul3A_2610 = vector.broadcast %squeeze3A_2609 : f32 to vector<16xf32>
        %mul3A_2611 = arith.mulf %get3A_2607, %mul3A_2610 : vector<16xf32>
        %add3A_2612 = arith.addf %add3A_2603, %mul3A_2611 : vector<16xf32>
        %get3A_2613 = arith.index_cast %add3A_2586 : i32 to index
        %get3A_2614 = arith.constant 0 : index
        %get3A_2615 = tpu.vector_load %arg21[%get3A_2613, %get3A_2614] {strides = array<i32>} : memref<128x32xf32, #tpu.memory_space<vmem>>, vector<1x16xf32>,
        %get3A_2616 = vector.shape_cast %get3A_2615 : vector<1x16xf32> to vector<16xf32>
        %slice3A_2617 = vector.extract_strided_slice %get3A_1408 {offsets = [14], sizes = [1], strides = [1]} : vector<16xf32> to vector<1xf32>
        %squeeze3A_2618 = vector.extract %slice3A_2617[0] : f32 from vector<1xf32>
        %mul3A_2619 = vector.broadcast %squeeze3A_2618 : f32 to vector<16xf32>
        %mul3A_2620 = arith.mulf %get3A_2616, %mul3A_2619 : vector<16xf32>
        %add3A_2621 = arith.addf %add3A_2612, %mul3A_2620 : vector<16xf32>
        %get3A_2622 = arith.index_cast %add3A_2586 : i32 to index
        %get3A_2623 = arith.constant 16 : index
        %get3A_2624 = tpu.vector_load %arg18[%get3A_2622, %get3A_2623] {strides = array<i32>} : memref<128x32xf32, #tpu.memory_space<vmem>>, vector<1x16xf32>,
        %get3A_2625 = vector.shape_cast %get3A_2624 : vector<1x16xf32> to vector<16xf32>
        %slice3A_2626 = vector.extract_strided_slice %get3A_1399 {offsets = [14], sizes = [1], strides = [1]} : vector<16xf32> to vector<1xf32>
        %squeeze3A_2627 = vector.extract %slice3A_2626[0] : f32 from vector<1xf32>
        %mul3A_2628 = vector.broadcast %squeeze3A_2627 : f32 to vector<16xf32>
        %mul3A_2629 = arith.mulf %get3A_2625, %mul3A_2628 : vector<16xf32>
        %get3A_2630 = arith.index_cast %add3A_2586 : i32 to index
        %get3A_2631 = arith.constant 16 : index
        %get3A_2632 = tpu.vector_load %arg19[%get3A_2630, %get3A_2631] {strides = array<i32>} : memref<128x32xf32, #tpu.memory_space<vmem>>, vector<1x16xf32>,
        %get3A_2633 = vector.shape_cast %get3A_2632 : vector<1x16xf32> to vector<16xf32>
        %slice3A_2634 = vector.extract_strided_slice %get3A_1402 {offsets = [14], sizes = [1], strides = [1]} : vector<16xf32> to vector<1xf32>
        %squeeze3A_2635 = vector.extract %slice3A_2634[0] : f32 from vector<1xf32>
        %mul3A_2636 = vector.broadcast %squeeze3A_2635 : f32 to vector<16xf32>
        %mul3A_2637 = arith.mulf %get3A_2633, %mul3A_2636 : vector<16xf32>
        %add3A_2638 = arith.addf %mul3A_2629, %mul3A_2637 : vector<16xf32>
        %get3A_2639 = arith.index_cast %add3A_2586 : i32 to index
        %get3A_2640 = arith.constant 16 : index
        %get3A_2641 = tpu.vector_load %arg20[%get3A_2639, %get3A_2640] {strides = array<i32>} : memref<128x32xf32, #tpu.memory_space<vmem>>, vector<1x16xf32>,
        %get3A_2642 = vector.shape_cast %get3A_2641 : vector<1x16xf32> to vector<16xf32>
        %slice3A_2643 = vector.extract_strided_slice %get3A_1405 {offsets = [14], sizes = [1], strides = [1]} : vector<16xf32> to vector<1xf32>
        %squeeze3A_2644 = vector.extract %slice3A_2643[0] : f32 from vector<1xf32>
        %mul3A_2645 = vector.broadcast %squeeze3A_2644 : f32 to vector<16xf32>
        %mul3A_2646 = arith.mulf %get3A_2642, %mul3A_2645 : vector<16xf32>
        %add3A_2647 = arith.addf %add3A_2638, %mul3A_2646 : vector<16xf32>
        %get3A_2648 = arith.index_cast %add3A_2586 : i32 to index
        %get3A_2649 = arith.constant 16 : index
        %get3A_2650 = tpu.vector_load %arg21[%get3A_2648, %get3A_2649] {strides = array<i32>} : memref<128x32xf32, #tpu.memory_space<vmem>>, vector<1x16xf32>,
        %get3A_2651 = vector.shape_cast %get3A_2650 : vector<1x16xf32> to vector<16xf32>
        %slice3A_2652 = vector.extract_strided_slice %get3A_1408 {offsets = [14], sizes = [1], strides = [1]} : vector<16xf32> to vector<1xf32>
        %squeeze3A_2653 = vector.extract %slice3A_2652[0] : f32 from vector<1xf32>
        %mul3A_2654 = vector.broadcast %squeeze3A_2653 : f32 to vector<16xf32>
        %mul3A_2655 = arith.mulf %get3A_2651, %mul3A_2654 : vector<16xf32>
        %add3A_2656 = arith.addf %add3A_2647, %mul3A_2655 : vector<16xf32>
        %swap3A_2657 = arith.index_cast %add3A_2586 : i32 to index
        %swap3A_2658 = arith.constant 0 : index
        %swap3A_2659 = tpu.vector_load %arg22[%swap3A_2657, %swap3A_2658] {strides = array<i32>} : memref<128x32xf32, #tpu.memory_space<vmem>>, vector<1x16xf32>,
        %swap3A_2660 = vector.shape_cast %swap3A_2659 : vector<1x16xf32> to vector<16xf32>
        %swap3A_2661 = vector.shape_cast %add3A_2621 : vector<16xf32> to vector<1x16xf32>
        tpu.vector_store %arg22[%swap3A_2657, %swap3A_2658], %swap3A_2661 {strides = array<i32>} : memref<128x32xf32, #tpu.memory_space<vmem>>, vector<1x16xf32>,
        %swap3A_2662 = arith.index_cast %add3A_2586 : i32 to index
        %swap3A_2663 = arith.constant 16 : index
        %swap3A_2664 = tpu.vector_load %arg22[%swap3A_2662, %swap3A_2663] {strides = array<i32>} : memref<128x32xf32, #tpu.memory_space<vmem>>, vector<1x16xf32>,
        %swap3A_2665 = vector.shape_cast %swap3A_2664 : vector<1x16xf32> to vector<16xf32>
        %swap3A_2666 = vector.shape_cast %add3A_2656 : vector<16xf32> to vector<1x16xf32>
        tpu.vector_store %arg22[%swap3A_2662, %swap3A_2663], %swap3A_2666 {strides = array<i32>} : memref<128x32xf32, #tpu.memory_space<vmem>>, vector<1x16xf32>,
        %mul3A_2667 = arith.constant 16 : i32
        %mul3A_2668 = arith.muli %scan3A_1393, %mul3A_2667 : i32
        %add3A_2669 = arith.constant 15 : i32
        %add3A_2670 = arith.addi %mul3A_2668, %add3A_2669 : i32
        %get3A_2671 = arith.index_cast %add3A_2670 : i32 to index
        %get3A_2672 = arith.constant 0 : index
        %get3A_2673 = tpu.vector_load %arg18[%get3A_2671, %get3A_2672] {strides = array<i32>} : memref<128x32xf32, #tpu.memory_space<vmem>>, vector<1x16xf32>,
        %get3A_2674 = vector.shape_cast %get3A_2673 : vector<1x16xf32> to vector<16xf32>
        %slice3A_2675 = vector.extract_strided_slice %get3A_1399 {offsets = [15], sizes = [1], strides = [1]} : vector<16xf32> to vector<1xf32>
        %squeeze3A_2676 = vector.extract %slice3A_2675[0] : f32 from vector<1xf32>
        %mul3A_2677 = vector.broadcast %squeeze3A_2676 : f32 to vector<16xf32>
        %mul3A_2678 = arith.mulf %get3A_2674, %mul3A_2677 : vector<16xf32>
        %get3A_2679 = arith.index_cast %add3A_2670 : i32 to index
        %get3A_2680 = arith.constant 0 : index
        %get3A_2681 = tpu.vector_load %arg19[%get3A_2679, %get3A_2680] {strides = array<i32>} : memref<128x32xf32, #tpu.memory_space<vmem>>, vector<1x16xf32>,
        %get3A_2682 = vector.shape_cast %get3A_2681 : vector<1x16xf32> to vector<16xf32>
        %slice3A_2683 = vector.extract_strided_slice %get3A_1402 {offsets = [15], sizes = [1], strides = [1]} : vector<16xf32> to vector<1xf32>
        %squeeze3A_2684 = vector.extract %slice3A_2683[0] : f32 from vector<1xf32>
        %mul3A_2685 = vector.broadcast %squeeze3A_2684 : f32 to vector<16xf32>
        %mul3A_2686 = arith.mulf %get3A_2682, %mul3A_2685 : vector<16xf32>
        %add3A_2687 = arith.addf %mul3A_2678, %mul3A_2686 : vector<16xf32>
        %get3A_2688 = arith.index_cast %add3A_2670 : i32 to index
        %get3A_2689 = arith.constant 0 : index
        %get3A_2690 = tpu.vector_load %arg20[%get3A_2688, %get3A_2689] {strides = array<i32>} : memref<128x32xf32, #tpu.memory_space<vmem>>, vector<1x16xf32>,
        %get3A_2691 = vector.shape_cast %get3A_2690 : vector<1x16xf32> to vector<16xf32>
        %slice3A_2692 = vector.extract_strided_slice %get3A_1405 {offsets = [15], sizes = [1], strides = [1]} : vector<16xf32> to vector<1xf32>
        %squeeze3A_2693 = vector.extract %slice3A_2692[0] : f32 from vector<1xf32>
        %mul3A_2694 = vector.broadcast %squeeze3A_2693 : f32 to vector<16xf32>
        %mul3A_2695 = arith.mulf %get3A_2691, %mul3A_2694 : vector<16xf32>
        %add3A_2696 = arith.addf %add3A_2687, %mul3A_2695 : vector<16xf32>
        %get3A_2697 = arith.index_cast %add3A_2670 : i32 to index
        %get3A_2698 = arith.constant 0 : index
        %get3A_2699 = tpu.vector_load %arg21[%get3A_2697, %get3A_2698] {strides = array<i32>} : memref<128x32xf32, #tpu.memory_space<vmem>>, vector<1x16xf32>,
        %get3A_2700 = vector.shape_cast %get3A_2699 : vector<1x16xf32> to vector<16xf32>
        %slice3A_2701 = vector.extract_strided_slice %get3A_1408 {offsets = [15], sizes = [1], strides = [1]} : vector<16xf32> to vector<1xf32>
        %squeeze3A_2702 = vector.extract %slice3A_2701[0] : f32 from vector<1xf32>
        %mul3A_2703 = vector.broadcast %squeeze3A_2702 : f32 to vector<16xf32>
        %mul3A_2704 = arith.mulf %get3A_2700, %mul3A_2703 : vector<16xf32>
        %add3A_2705 = arith.addf %add3A_2696, %mul3A_2704 : vector<16xf32>
        %get3A_2706 = arith.index_cast %add3A_2670 : i32 to index
        %get3A_2707 = arith.constant 16 : index
        %get3A_2708 = tpu.vector_load %arg18[%get3A_2706, %get3A_2707] {strides = array<i32>} : memref<128x32xf32, #tpu.memory_space<vmem>>, vector<1x16xf32>,
        %get3A_2709 = vector.shape_cast %get3A_2708 : vector<1x16xf32> to vector<16xf32>
        %slice3A_2710 = vector.extract_strided_slice %get3A_1399 {offsets = [15], sizes = [1], strides = [1]} : vector<16xf32> to vector<1xf32>
        %squeeze3A_2711 = vector.extract %slice3A_2710[0] : f32 from vector<1xf32>
        %mul3A_2712 = vector.broadcast %squeeze3A_2711 : f32 to vector<16xf32>
        %mul3A_2713 = arith.mulf %get3A_2709, %mul3A_2712 : vector<16xf32>
        %get3A_2714 = arith.index_cast %add3A_2670 : i32 to index
        %get3A_2715 = arith.constant 16 : index
        %get3A_2716 = tpu.vector_load %arg19[%get3A_2714, %get3A_2715] {strides = array<i32>} : memref<128x32xf32, #tpu.memory_space<vmem>>, vector<1x16xf32>,
        %get3A_2717 = vector.shape_cast %get3A_2716 : vector<1x16xf32> to vector<16xf32>
        %slice3A_2718 = vector.extract_strided_slice %get3A_1402 {offsets = [15], sizes = [1], strides = [1]} : vector<16xf32> to vector<1xf32>
        %squeeze3A_2719 = vector.extract %slice3A_2718[0] : f32 from vector<1xf32>
        %mul3A_2720 = vector.broadcast %squeeze3A_2719 : f32 to vector<16xf32>
        %mul3A_2721 = arith.mulf %get3A_2717, %mul3A_2720 : vector<16xf32>
        %add3A_2722 = arith.addf %mul3A_2713, %mul3A_2721 : vector<16xf32>
        %get3A_2723 = arith.index_cast %add3A_2670 : i32 to index
        %get3A_2724 = arith.constant 16 : index
        %get3A_2725 = tpu.vector_load %arg20[%get3A_2723, %get3A_2724] {strides = array<i32>} : memref<128x32xf32, #tpu.memory_space<vmem>>, vector<1x16xf32>,
        %get3A_2726 = vector.shape_cast %get3A_2725 : vector<1x16xf32> to vector<16xf32>
        %slice3A_2727 = vector.extract_strided_slice %get3A_1405 {offsets = [15], sizes = [1], strides = [1]} : vector<16xf32> to vector<1xf32>
        %squeeze3A_2728 = vector.extract %slice3A_2727[0] : f32 from vector<1xf32>
        %mul3A_2729 = vector.broadcast %squeeze3A_2728 : f32 to vector<16xf32>
        %mul3A_2730 = arith.mulf %get3A_2726, %mul3A_2729 : vector<16xf32>
        %add3A_2731 = arith.addf %add3A_2722, %mul3A_2730 : vector<16xf32>
        %get3A_2732 = arith.index_cast %add3A_2670 : i32 to index
        %get3A_2733 = arith.constant 16 : index
        %get3A_2734 = tpu.vector_load %arg21[%get3A_2732, %get3A_2733] {strides = array<i32>} : memref<128x32xf32, #tpu.memory_space<vmem>>, vector<1x16xf32>,
        %get3A_2735 = vector.shape_cast %get3A_2734 : vector<1x16xf32> to vector<16xf32>
        %slice3A_2736 = vector.extract_strided_slice %get3A_1408 {offsets = [15], sizes = [1], strides = [1]} : vector<16xf32> to vector<1xf32>
        %squeeze3A_2737 = vector.extract %slice3A_2736[0] : f32 from vector<1xf32>
        %mul3A_2738 = vector.broadcast %squeeze3A_2737 : f32 to vector<16xf32>
        %mul3A_2739 = arith.mulf %get3A_2735, %mul3A_2738 : vector<16xf32>
        %add3A_2740 = arith.addf %add3A_2731, %mul3A_2739 : vector<16xf32>
        %swap3A_2741 = arith.index_cast %add3A_2670 : i32 to index
        %swap3A_2742 = arith.constant 0 : index
        %swap3A_2743 = tpu.vector_load %arg22[%swap3A_2741, %swap3A_2742] {strides = array<i32>} : memref<128x32xf32, #tpu.memory_space<vmem>>, vector<1x16xf32>,
        %swap3A_2744 = vector.shape_cast %swap3A_2743 : vector<1x16xf32> to vector<16xf32>
        %swap3A_2745 = vector.shape_cast %add3A_2705 : vector<16xf32> to vector<1x16xf32>
        tpu.vector_store %arg22[%swap3A_2741, %swap3A_2742], %swap3A_2745 {strides = array<i32>} : memref<128x32xf32, #tpu.memory_space<vmem>>, vector<1x16xf32>,
        %swap3A_2746 = arith.index_cast %add3A_2670 : i32 to index
        %swap3A_2747 = arith.constant 16 : index
        %swap3A_2748 = tpu.vector_load %arg22[%swap3A_2746, %swap3A_2747] {strides = array<i32>} : memref<128x32xf32, #tpu.memory_space<vmem>>, vector<1x16xf32>,
        %swap3A_2749 = vector.shape_cast %swap3A_2748 : vector<1x16xf32> to vector<16xf32>
        %swap3A_2750 = vector.shape_cast %add3A_2740 : vector<16xf32> to vector<1x16xf32>
        tpu.vector_store %arg22[%swap3A_2746, %swap3A_2747], %swap3A_2750 {strides = array<i32>} : memref<128x32xf32, #tpu.memory_space<vmem>>, vector<1x16xf32>,
        %scan3A_2751 = arith.constant 0 : i32
        scf.yield %scan3A_2751 : i32
      }
      %scan3A_1390 = arith.constant 8 : i32
      %add3A_1391 = arith.addi %mul3A_2, %mul3A_22 : i32
      "tpu.region"() ({
        %run_scoped3A = tpu.sem_alloc : memref<!tpu.dma_semaphore, #tpu.memory_space<semaphore_mem>>
        %dma_start3A_1393 = arith.constant 0 : i32
        %dma_start3A_1394 = tpu.memref_slice %arg4[%add3A_1391, %dma_start3A_1393] : memref<65536x32xf32, #tpu.memory_space<hbm>> -> memref<128x32xf32, #tpu.memory_space<hbm>>
        %dma_start3A_1395 = arith.constant 0 : i32
        %dma_start3A_1396 = tpu.memref_slice %arg4[%add3A_1391, %dma_start3A_1395] : memref<65536x32xf32, #tpu.memory_space<hbm>> -> memref<128x32xf32, #tpu.memory_space<hbm>>
        tpu.enqueue_dma source(%arg22 : memref<128x32xf32, #tpu.memory_space<vmem>>) target(%dma_start3A_1396 : memref<128x32xf32, #tpu.memory_space<hbm>>) target_semaphore(%run_scoped3A : memref<!tpu.dma_semaphore, #tpu.memory_space<semaphore_mem>>)
        %dma_wait3A_1397 = arith.constant 0 : i32
        %dma_wait3A_1398 = tpu.memref_slice %arg4[%add3A_1391, %dma_wait3A_1397] : memref<65536x32xf32, #tpu.memory_space<hbm>> -> memref<128x32xf32, #tpu.memory_space<hbm>>
        %dma_wait3A_1399 = arith.constant 0 : i32
        %dma_wait3A_1400 = tpu.memref_slice %arg4[%add3A_1391, %dma_wait3A_1399] : memref<65536x32xf32, #tpu.memory_space<hbm>> -> memref<128x32xf32, #tpu.memory_space<hbm>>
        tpu.wait_dma2 semaphore(%run_scoped3A : memref<!tpu.dma_semaphore, #tpu.memory_space<semaphore_mem>>) src(%arg22 : memref<128x32xf32, #tpu.memory_space<vmem>>) dst(%dma_wait3A_1400 : memref<128x32xf32, #tpu.memory_space<hbm>>)
        tpu.yield
      }) : () -> ()
      %scan3A_1392 = arith.constant 0 : i32
      scf.yield %scan3A_1392 : i32
    }
    %scan3A_18 = arith.constant 16 : i32
    return
  }
}

</mosaic_0001>

<sc_bundles>
// kernel: kernel.3.cloned.1.call-start
scs
__scs_entry_jumppad:
0x0: {  	(pc) =	sbr.rel $0x88, $3  }
0x1: {  	(tag) =	ssettag $0x0;
	lr =	simm.s32 $0x1  }
0x2: {  	[smem:$0x3F9F] =	sst lr;
	_ =	strace $0xD0000000  }
0x3: {  	_ = 	snop  }
0x4: {  	_ = 	snop  }
0x5: {  	_ = 	snop  }
0x6: {  	_ = 	snop  }
0x7: {  	_ = 	snop  }
__scs_overlays_trampoline_lowered:
0x8: {  	[smem:$0x3FAE] =	sst s0  }
0x9: {  	[smem:$0x3FAF] =	sst s1  }
0xa: {  	[smem:$0x3FB0] =	sst s2  }
0xb: {  	[smem:$0x3FB1] =	sst s3  }
0xc: {  	[smem:$0x3FB2] =	sst s4  }
0xd: {  	[smem:$0x3FB3] =	sst s5  }
0xe: {  	[smem:$0x3FB4] =	sst s6  }
0xf: {  	[smem:$0x3FB5] =	sst s7  }
0x10: {  	[smem:$0x3FB6] =	sst s8  }
0x11: {  	[smem:$0x3FB7] =	sst s9;
	s0 =	simm.s32 @!p0 $0x0  }
0x12: {  	s1 =	sld [smem:$0x3F9D];
	s0 =	simm.s32 @p0 $0x1  }
0x13: {  	[smem:$0x3FB8] =	sst s0;
	s0 =	simm.s32 @!p1 $0x0  }
0x14: {  	s2 =	sld [smem:$0x3F9C];
	s0 =	simm.s32 @p1 $0x1  }
0x15: {  	[smem:$0x3FB9] =	sst s0;
	s0 =	simm.s32 @!p2 $0x0  }
0x16: {  	s3 =	sld [smem:$0x3FDB];
	s0 =	simm.s32 @p2 $0x1  }
0x17: {  	s4 =	simm.s32 $0x1BF5;
	[smem:$0x3FBB] =	sst s0  }
0x18: {  	s0 =	sld [smem:$0x3F9E];
	_ =	swait.ge [sflag:s4], $0x0  }
0x19: {  	s7 =	sld [smem:$0x3F9F]  }
0x1a: {  	s8 =	sadd.s32 $0xFFFFE003, lr  }
0x1b: {  	s9 =	sadd.s32 $0xFFFFFEF7, lr;
	s5 =	simm.s32 $0xFFFFFFFF;
	p2 =	slt.u32 s8, $0xFFFFF086  }
0x1c: {  	p1 =	slt.u32 s9, $0xF7A;
	s5 =	simm.s32 @!p2 $0x0  }
0x1d: {  	s5 =	simm.s32 @p1 $0x1;
	p0 =	seq.s32 s7, s2  }
0x1e: {  	s7 =	smul.u32 @!p0 $0xF7A, s2;
	p2 =	seq.s32 @!p0 s5, $0x0  }
0x1f: {  	s9 =	smul.u32 $0xF7A, s1;
	s8 =	simm.s32 @!p0 $0x1BF5;
	p2 =	por !p2, p0  }
0x20: {  	[sflag:s8] =	ssyncset.s32 @!p0 $0xFFFFF086;
	s6 =	sadd.s32 @!p0 s3, s7;
	s7 =	simm.s32 @!p0 $0x108  }
0x21: {  	s3 =	sadd.s32 s3, s9;
	s6 =	sadd.s32 @!p0 $0x88, s6;
	s7 =	simm.s32 @p2 $0x1082  }
0x22: {  	[simem:s7], [sflag:s8] =	dma.local @!p0 [hbm:s6], $0xF7A  }
0x23: {  	s9 =	sor.u32 $0xD0000000, s2;
	s6 =	simm.s32 $0x108;
	_ =	swait.ge @!p0 [sflag:s8], $0x0  }
0x24: {  	s3 =	sadd.s32 $0x88, s3;
	s6 =	simm.s32 @!p1 $0x1082;
	[sflag:s4] =	ssyncset.s32 $0xFFFFF086  }
0x25: {  	[simem:s6], [sflag:s4] =	dma.local [hbm:s3], $0xF7A  }
0x26: {  	[smem:$0x3F9F] =	sst s1;
	(tag) =	ssettag s2;
	_ =	strace s9  }
0x27: {  	s1 =	sld [smem:$0x3FAF]  }
0x28: {  	s2 =	sld [smem:$0x3FB0]  }
0x29: {  	s4 =	sld [smem:$0x3FB2]  }
0x2a: {  	p0 =	seq.s32 s5, $0x0;
	s5 =	sld [smem:$0x3FB3]  }
0x2b: {  	s6 =	sld [smem:$0x3FB4]  }
0x2c: {  	s7 =	sld [smem:$0x3FB5]  }
0x2d: {  	s3 =	simm.s32 $0x108;
	s8 =	sld [smem:$0x3FB6]  }
0x2e: {  	s3 =	simm.s32 @!p0 $0x1082;
	s9 =	sld [smem:$0x3FB7]  }
0x2f: {  	lr =	sadd.s32 s0, s3;
	s0 =	sld [smem:$0x3FAE]  }
0x30: {  	s3 =	sld [smem:$0x3FB1]  }
0x31: {  	[smem:$0x3FBA] =	sst s10  }
0x32: {  	s10 =	sld [smem:$0x3FB8];
	_ =	sdelay $0x3  }
0x33: {  	p0 =	seq.s32 s10, $0x1;
	s10 =	sld [smem:$0x3FBA];
	_ =	sdelay $0x3  }
0x34: {  	[smem:$0x3FBA] =	sst s10  }
0x35: {  	s10 =	sld [smem:$0x3FB9];
	_ =	sdelay $0x3  }
0x36: {  	p1 =	seq.s32 s10, $0x1;
	s10 =	sld [smem:$0x3FBA];
	_ =	sdelay $0x3  }
0x37: {  	[smem:$0x3FBA] =	sst s10  }
0x38: {  	s10 =	sld [smem:$0x3FBB]  }
0x39: {  	_ = 	snop;
	(pc) =	sbr.ind lr, $3  }
0x3a: {  	_ = 	snop  }
0x3b: {  	_ = 	snop  }
0x3c: {  	p2 =	seq.s32 s10, $0x1;
	s10 =	sld [smem:$0x3FBA]  }
0x3d: {  	_ =	shalt  }
0x3e: {  	_ =	shalt  }
0x3f: {  	_ =	shalt  }
0x40: {  	_ =	shalt  }
0x41: {  	_ =	shalt  }
0x42: {  	_ =	shalt  }
0x43: {  	_ =	shalt  }
0x44: {  	_ =	shalt  }
0x45: {  	_ =	shalt  }
0x46: {  	_ =	shalt  }
0x47: {  	_ =	shalt  }
0x48: {  	_ =	shalt  }
0x49: {  	_ =	shalt  }
0x4a: {  	_ =	shalt  }
0x4b: {  	_ =	shalt  }
0x4c: {  	_ =	shalt  }
0x4d: {  	_ =	shalt  }
0x4e: {  	_ =	shalt  }
0x4f: {  	_ =	shalt  }
0x50: {  	_ =	shalt  }
0x51: {  	_ =	shalt  }
0x52: {  	_ =	shalt  }
0x53: {  	_ =	shalt  }
0x54: {  	_ =	shalt  }
0x55: {  	_ =	shalt  }
0x56: {  	_ =	shalt  }
0x57: {  	_ =	shalt  }
0x58: {  	_ =	shalt  }
0x59: {  	_ =	shalt  }
0x5a: {  	_ =	shalt  }
0x5b: {  	_ =	shalt  }
0x5c: {  	_ =	shalt  }
0x5d: {  	_ =	shalt  }
0x5e: {  	_ =	shalt  }
0x5f: {  	_ =	shalt  }
0x60: {  	_ =	shalt  }
0x61: {  	_ =	shalt  }
0x62: {  	_ =	shalt  }
0x63: {  	_ =	shalt  }
0x64: {  	_ =	shalt  }
0x65: {  	_ =	shalt  }
0x66: {  	_ =	shalt  }
0x67: {  	_ =	shalt  }
0x68: {  	_ =	shalt  }
0x69: {  	_ =	shalt  }
0x6a: {  	_ =	shalt  }
0x6b: {  	_ =	shalt  }
0x6c: {  	_ =	shalt  }
0x6d: {  	_ =	shalt  }
0x6e: {  	_ =	shalt  }
0x6f: {  	_ =	shalt  }
0x70: {  	_ =	shalt  }
0x71: {  	_ =	shalt  }
0x72: {  	_ =	shalt  }
0x73: {  	_ =	shalt  }
0x74: {  	_ =	shalt  }
0x75: {  	_ =	shalt  }
0x76: {  	_ =	shalt  }
0x77: {  	_ =	shalt  }
0x78: {  	_ =	shalt  }
0x79: {  	_ =	shalt  }
0x7a: {  	_ =	shalt  }
0x7b: {  	_ =	shalt  }
0x7c: {  	_ =	shalt  }
0x7d: {  	_ =	shalt  }
0x7e: {  	_ =	shalt  }
0x7f: {  	_ =	shalt  }
0x80: {  	_ =	shalt  }
0x81: {  	_ =	shalt  }
0x82: {  	_ =	shalt  }
0x83: {  	_ =	shalt  }
0x84: {  	_ =	shalt  }
0x85: {  	_ =	shalt  }
0x86: {  	_ =	shalt  }
0x87: {  	_ =	shalt  }
.Lfunc_end0:
.L_simem_size_0:
called_computation_lowered:
.L_overlay_start_0:
0x88: {  	s2 =	sld [smem:$0x3FD9]  }
0x89: {  	s3 =	sld [smem:$0x3FFE];
	_ =	sdelay $0x1  }
0x8a: {  	s1 =	srdreg.scid  }
0x8b: {  	s0 =	sand.u32 $0x1, s1  }
0x8c: {  	s17 =	sshll.u32 s0, $0xA;
	s2 =	sadd.s32 s3, s2  }
0x8d: {  	s2 =	sadd.s32 s2, s17  }
0x8e: {  	[smem:$0x3FC6] =	sst s2  }
0x8f: {  	_ = 	snop  }
0x90: {  	s2 =	sld [smem:$0x3FD0];
	(tm) =	ssettm $0x1  }
0x91: {  	s18 =	sld [smem:$0x3FFB];
	_ =	sdelay $0x3  }
0x92: {  	_ =	strace s18  }
0x93: {  	s3 =	sld [smem:$0x3FFC];
	_ =	sdelay $0x3  }
0x94: {  	_ =	strace s3  }
0x95: {  	s3 =	sld [smem:$0x3FFD];
	_ =	sdelay $0x3  }
0x96: {  	_ =	strace s3  }
0x97: {  	_ =	strace $0x8FFFFFFF  }
0x98: {  	s19 =	sld [smem:$0x3FDB];
	_ =	sdelay $0x1  }
0x99: {  	s4 =	simm.s32 $_scs_section_size  }
0x9a: {  	s5 =	simm.s32 $_size__tile_overlayer_lowered;
	s6 =	simm.s32 $_tile_overlayer_lowered  }
0x9b: {  	s22 =	simm.s32 $0x1BFF;
	s21 =	sshll.u32 s6, $0x1;
	s3 =	sadd.s32 s4, s19  }
0x9c: {  	s7 =	simm.s32 $0x0;
	s20 =	sshll.u32 s5, $0x1;
	s5 =	sadd.s32 s21, s3  }
0x9d: {  	[timem:s7], [sflag:s22] =	dma.local [hbm:s5], s20  }
0x9e: {  	_ =	swait.ge [sflag:s22], s20  }
0x9f: {  	s4 =	ssub.s32 $0x0, s20;
	[sflag:s22] =	ssyncset.done $0x0  }
0xa0: {  	[sflag:s22] =	ssyncadd.s32 s4;
	_ =	sdelay $0x1  }
0xa1: {  	s23 =	simm.s32 $0x1B8B  }
0xa2: {  	_ =	swait.ge [sflag:s23], $0x1  }
0xa3: {  	[sflag:s23] =	ssyncset.done $0x0  }
0xa4: {  	s25 =	simm.s32 $0x1B8E;
	s24 =	sld [smem:$0x3FFE];
	[sflag:s23] =	ssyncadd.s32 $0xFFFFFFFF  }
0xa5: {  	s26 =	simm.s32 $execute0_lowered;
	[smem:$0x3FD2] =	sst s25  }
0xa6: {  	s5 =	sshll.u32 s26, $0x1;
	_ =	strace $0x80000046;
	[dreg:$0x1] =	wrdreg $0xFFFFFFFF  }
0xa7: {  	s28 =	simm.s32 $_size_execute0_lowered;
	s3 =	sadd.s32 s3, s5;
	[dreg:$0x0] =	wrdreg $0x0  }
0xa8: {  	s5 =	sshll.u32 s28, $0x1;
	[dreg:$0x2] =	wrdreg s3  }
0xa9: {  	[dreg:$0x3] =	wrdreg s5  }
0xaa: {  	[dreg:$0x4] =	wrdreg $0xC0  }
0xab: {  	_ =	task [dreg:s7], $0x5FFFF  }
0xac: {  	[dreg:$0x1] =	wrdreg $0xFFFFFFFF  }
0xad: {  	[dreg:$0x0] =	wrdreg $0x60  }
0xae: {  	[dreg:$0x2] =	wrdreg s24  }
0xaf: {  	[dreg:$0x3] =	wrdreg s2  }
0xb0: {  	[dreg:$0x4] =	wrdreg $0x9  }
0xb1: {  	_ =	task.clear_ibuf [dreg:s7], $0x5FFFF;
	_ =	strace $0x90000046  }
0xb2: {  	s29 =	simm.s32 $0x9;
	_ =	strace $0x80000048  }
0xb3: {  	_ =	swait.ge [sflag:s29], $0x1  }
0xb4: {  	[sflag:s29] =	ssyncadd.s32 $0xFFFFFFFF  }
0xb5: {  	_ =	strace $0x90000048  }
0xb6: {  	_ =	sfence  }
0xb7: {  	s30 =	sld [smem:$0x0];
	_ =	sdelay $0x2  }
0xb8: {  	s31 =	sshll.u32 s1, $0xD;
	s1 =	sshrl.u32 s1, $0x2  }
0xb9: {  	s3 =	sand.u32 $0x4000, s31;
	s1 =	sadd.s32 s1, s30  }
0xba: {  	s0 =	sor.u32 s3, s0;
	s1 =	sshll.u32 s1, $0x11  }
0xbb: {  	s0 =	sor.u32 s1, s0  }
0xbc: {  	s0 =	sadd.s32 $0x8F2B, s0  }
0xbd: {  	[sflag:s0] =	ssyncadd.remote.s32 $0x1  }
0xbe: {  	_ =	sfence.sel $0xFFFF  }
0xbf: {  	[dreg:$0x0] =	wrdreg $0xFFFFFFFF;
	(pc) =	sbr.abs _section_cstart, $3  }
0xc0: {  	[dreg:$0x1] =	wrdreg $0xFFFFFFFF  }
0xc1: {  	_ =	task.clear_ibuf [dreg:s7], $0x2FFFF;
	_ =	strace $0x9FFFFFFF  }
0xc2: {  	(tm) =	ssettm $0x7FFFFFFF  }
0xc3: {  	_ =	shalt  }
tec
execute0_lowered:
.L_overlay_start_1:
0x0: {  	(tag) =	ssettag $0x1  }
0x1: {  	s0 =	rddreg [dreg:$0x0]  }
0x2: {  	s2 =	rddreg [dreg:$0x1];
	s1 =	srdreg.scid  }
0x3: {  	s4 =	stileid.u32;
	s3 =	simm.s32 $0x0;
	s12 =	simm.s32 $0x2  }
0x4: {  	s17 =	simm.s32 $0x80;
	s18 =	simm.s32 $0x2800;
	s19 =	simm.s32 $0x2C00  }
0x5: {  	s20 =	simm.s32 $0x2880;
	s21 =	simm.s32 $0x3C00;
	s22 =	simm.s32 $0x2900  }
0x6: {  	s23 =	simm.s32 $0x4C00;
	s24 =	simm.s32 $0x2980;
	s25 =	simm.s32 $0x5C00  }
0x7: {  	s26 =	simm.s32 $0x1;
	s28 =	simm.s32 $0x6C00;
	s1 =	sand.u32 $0x1, s1  }
0x8: {  	s29 =	simm.s32 $0x0;
	s4 =	sshll.u32 s4, $0xC;
	s5 =	sshll.u32 s1, $0xB  }
0x9: {  	[smem:$0x7FF] =	sst s3;
	s1 =	ssub.s32 $0x2, s1;
	s4 =	sor.u32 s5, s4  }
0xa: {  	_ =	strace $0x80000047;
	s31 =	sshrl.u32 s1, $0x1;
	s6 =	sshrl.u32 s4, $0x3  }
0xb: {  	s5 =	sadd.s32 $0xA400, s0;
	s1 =	ssub.s32 s1, s31;
	s0 =	sadd.s32 s6, s0  }
0xc: {  	s11 =	smax.u32 s1, $0x1;
	s6 =	sadd.s32 $0x400, s0;
	s7 =	sadd.s32 $0x2400, s0  }
0xd: {  	s8 =	sadd.s32 $0x4400, s0;
	s9 =	sadd.s32 $0x6400, s0;
	s10 =	sadd.s32 $0x8400, s0  }
.LBB2_1:
0xe: {  	[tilespmem:s3], [sflag:$0x2] =	stream.linear.gather [hbm4b:s6+s3], $0x800, $0x38;
	[tilespmem:$0x7C00] =	vst v63  }
0xf: {  	_ =	swait.ge [sflag:s12], $0x800  }
0x10: {  	[sflag:s12] =	ssyncset.done $0x0  }
0x11: {  	s0 =	simm.s32 $0x800;
	[sflag:s12] =	ssyncadd.s32 $0xFFFFF800  }
0x12: {  	[tilespmem:s0], [sflag:$0x2] =	stream.linear.gather [hbm4b:s7+s3], $0x800, $0x38;
	[tilespmem:$0x7C00] =	vst v63  }
0x13: {  	_ =	swait.ge [sflag:s12], $0x800  }
0x14: {  	[sflag:s12] =	ssyncset.done $0x0  }
0x15: {  	s15 =	simm.s32 $0x1000;
	[sflag:s12] =	ssyncadd.s32 $0xFFFFF800  }
0x16: {  	[tilespmem:s15], [sflag:$0x2] =	stream.linear.gather [hbm4b:s8+s3], $0x800, $0x38;
	[tilespmem:$0x7C00] =	vst v63  }
0x17: {  	_ =	swait.ge [sflag:s12], $0x800  }
0x18: {  	[sflag:s12] =	ssyncset.done $0x0  }
0x19: {  	s16 =	simm.s32 $0x1800;
	[sflag:s12] =	ssyncadd.s32 $0xFFFFF800  }
0x1a: {  	[tilespmem:s16], [sflag:$0x2] =	stream.linear.gather [hbm4b:s9+s3], $0x800, $0x38;
	[tilespmem:$0x7C00] =	vst v63  }
0x1b: {  	_ =	swait.ge [sflag:s12], $0x800  }
0x1c: {  	[sflag:s12] =	ssyncset.done $0x0  }
0x1d: {  	s31 =	simm.s32 $0x2000;
	[sflag:s12] =	ssyncadd.s32 $0xFFFFF800  }
0x1e: {  	[tilespmem:s31], [sflag:$0x2] =	stream.linear.gather [hbm4b:s10+s3], $0x800, $0x38;
	[tilespmem:$0x7C00] =	vst v63  }
0x1f: {  	_ =	swait.ge [sflag:s12], $0x800  }
0x20: {  	[sflag:s12] =	ssyncset.done $0x0  }
0x21: {  	s30 =	simm.s32 $0x0;
	[sflag:s12] =	ssyncadd.s32 $0xFFFFF800  }
.LBB2_2:
0x22: {  	s31 =	sshll.u32 s30, $0x7  }
0x23: {  	v0 =	vld [tilespmem:s31+$0x0]  }
0x24: {  	v1 =	vld [tilespmem:s31+$0x800]  }
0x25: {  	v2 =	vld [tilespmem:s31+$0x1000]  }
0x26: {  	v3 =	vld [tilespmem:s31+$0x1800]  }
0x27: {  	v4 =	vld [tilespmem:s31+$0x2000];
	_ =	sdelay $0x2  }
0x28: {  	v0 =	vadd.f32 $1.000000000e+00, v0  }
0x29: {  	v1 =	vadd.f32 $1.000000000e+00, v1;
	v2 =	vadd.f32 $1.000000000e+00, v2  }
0x2a: {  	v3 =	vadd.f32 $1.000000000e+00, v3;
	v4 =	vadd.f32 $1.000000000e+00, v4;
	v0 =	vmul.f32 $5.000000000e-01, v0  }
0x2b: {  	v1 =	vmul.f32 $5.000000000e-01, v1;
	v2 =	vmul.f32 $5.000000000e-01, v2  }
0x2c: {  	v3 =	vmul.f32 $5.000000000e-01, v3;
	v4 =	vmul.f32 $5.000000000e-01, v4  }
0x2d: {  	v0 =	vmul.f32 $1.500000000e+01, v0;
	v1 =	vmul.f32 $1.500000000e+01, v1  }
0x2e: {  	v2 =	vmul.f32 $1.500000000e+01, v2;
	v3 =	vmul.f32 $1.500000000e+01, v3  }
0x2f: {  	v4 =	vmul.f32 $1.500000000e+01, v4;
	v5 =	vtrunc.f32 v0  }
0x30: {  	v6 =	vtrunc.f32 v1;
	v7 =	vtrunc.f32 v2  }
0x31: {  	v8 =	vtrunc.f32 v3;
	v10 =	vtrunc.f32 v4  }
0x32: {  	v5 =	vcvt.f32.s32 v5;
	v6 =	vcvt.f32.s32 v6  }
0x33: {  	v7 =	vcvt.f32.s32 v7;
	v8 =	vcvt.f32.s32 v8  }
0x34: {  	v10 =	vcvt.f32.s32 v10;
	v9 =	vcvt.s32.f32 v5  }
0x35: {  	v11 =	vcvt.s32.f32 v6;
	v38 =	vcvt.s32.f32 v7  }
0x36: {  	v39 =	vcvt.s32.f32 v8;
	v12 =	vcvt.s32.f32 v10  }
0x37: {  	v5 =	vshll.u32 v5, $0x10;
	v6 =	vshll.u32 v6, $0xC;
	v40 =	vshll.u32 v7, $0x8  }
0x38: {  	v41 =	vshll.u32 v8, $0x4;
	v0 =	vsub.f32 v0, v9;
	v1 =	vsub.f32 v1, v11  }
0x39: {  	v5 =	vadd.s32 v5, v6;
	v2 =	vsub.f32 v38, v2;
	v3 =	vsub.f32 v39, v3  }
0x3a: {  	v5 =	vadd.s32 v40, v5;
	v4 =	vsub.f32 v12, v4;
	v42 =	vsub.f32 $1.000000000e+00, v0  }
0x3b: {  	v5 =	vadd.s32 v41, v5;
	v2 =	vadd.f32 $1.000000000e+00, v2;
	v3 =	vadd.f32 $1.000000000e+00, v3  }
0x3c: {  	v5 =	vadd.s32 v10, v5;
	v43 =	vsub.f32 $1.000000000e+00, v1;
	v4 =	vadd.f32 $1.000000000e+00, v4  }
0x3d: {  	v44 =	vadd.s32 $0x10000, v5;
	v45 =	vadd.s32 $0x1000, v5;
	v2 =	vmul.f32 v3, v2  }
0x3e: {  	[tilespmem:$0x2800] =	vst v5;
	v5 =	vadd.s32 $0x11000, v5;
	vm0 =	vlt.s32 v44, $0xFFFFF;
	vm5 =	vlt.s32 v45, $0xFFFFF  }
0x3f: {  	v47 =	vmul.f32 v43, v42;
	v46 =	vnsel vm0, $0xFFFFF, v44;
	v2 =	vmul.f32 v4, v2  }
0x40: {  	vm6 =	vlt.s32 v5, $0xFFFFF;
	v6 =	vmul.f32 v43, v0;
	v48 =	vnsel vm5, $0xFFFFF, v45;
	[tilespmem:$0x2880] =	vst v46  }
0x41: {  	v50 =	vmul.f32 v1, v42;
	v49 =	vnsel vm6, $0xFFFFF, v5;
	[tilespmem:$0x2900] =	vst v48;
	v4 =	vmul.f32 v2, v47  }
0x42: {  	v0 =	vmul.f32 v1, v0;
	[tilespmem:$0x2980] =	vst v49;
	v51 =	vmul.f32 v2, v6  }
0x43: {  	v52 =	vmul.f32 v2, v50;
	[tilespmem:$0x2A00] =	vst v4  }
0x44: {  	v0 =	vmul.f32 v2, v0;
	[tilespmem:$0x2A80] =	vst v51  }
0x45: {  	[tilespmem:$0x2B00] =	vst v52  }
0x46: {  	[tilespmem:$0x2B80] =	vst v0  }
0x47: {  	v0 =	vld [tilespmem:s31+$0x10]  }
0x48: {  	v1 =	vld [tilespmem:s31+$0x810]  }
0x49: {  	v53 =	vld [tilespmem:s31+$0x1010]  }
0x4a: {  	v3 =	vld [tilespmem:s31+$0x1810]  }
0x4b: {  	v4 =	vld [tilespmem:s31+$0x2010];
	_ =	sdelay $0x2  }
0x4c: {  	v0 =	vadd.f32 $1.000000000e+00, v0  }
0x4d: {  	v1 =	vadd.f32 $1.000000000e+00, v1;
	v2 =	vadd.f32 $1.000000000e+00, v53  }
0x4e: {  	v3 =	vadd.f32 $1.000000000e+00, v3;
	v4 =	vadd.f32 $1.000000000e+00, v4;
	v0 =	vmul.f32 $5.000000000e-01, v0  }
0x4f: {  	v1 =	vmul.f32 $5.000000000e-01, v1;
	v2 =	vmul.f32 $5.000000000e-01, v2  }
0x50: {  	v3 =	vmul.f32 $5.000000000e-01, v3;
	v4 =	vmul.f32 $5.000000000e-01, v4  }
0x51: {  	v0 =	vmul.f32 $1.500000000e+01, v0;
	v1 =	vmul.f32 $1.500000000e+01, v1  }
0x52: {  	v2 =	vmul.f32 $1.500000000e+01, v2;
	v3 =	vmul.f32 $1.500000000e+01, v3  }
0x53: {  	v4 =	vmul.f32 $1.500000000e+01, v4;
	v54 =	vtrunc.f32 v0  }
0x54: {  	v55 =	vtrunc.f32 v1;
	v56 =	vtrunc.f32 v2  }
0x55: {  	v57 =	vtrunc.f32 v3;
	v59 =	vtrunc.f32 v4  }
0x56: {  	v5 =	vcvt.f32.s32 v54;
	v6 =	vcvt.f32.s32 v55  }
0x57: {  	v7 =	vcvt.f32.s32 v56;
	v8 =	vcvt.f32.s32 v57  }
0x58: {  	v10 =	vcvt.f32.s32 v59;
	v58 =	vcvt.s32.f32 v5  }
0x59: {  	v60 =	vcvt.s32.f32 v6;
	v61 =	vcvt.s32.f32 v7  }
0x5a: {  	v62 =	vcvt.s32.f32 v8;
	v63 =	vcvt.s32.f32 v10  }
0x5b: {  	v5 =	vshll.u32 v5, $0x10;
	v6 =	vshll.u32 v6, $0xC;
	v13 =	vshll.u32 v7, $0x8  }
0x5c: {  	v14 =	vshll.u32 v8, $0x4;
	v0 =	vsub.f32 v0, v58;
	v1 =	vsub.f32 v1, v60  }
0x5d: {  	v5 =	vadd.s32 v5, v6;
	v2 =	vsub.f32 v61, v2;
	v3 =	vsub.f32 v62, v3  }
0x5e: {  	v5 =	vadd.s32 v13, v5;
	v4 =	vsub.f32 v63, v4;
	v15 =	vsub.f32 $1.000000000e+00, v0  }
0x5f: {  	v5 =	vadd.s32 v14, v5;
	v2 =	vadd.f32 $1.000000000e+00, v2;
	v3 =	vadd.f32 $1.000000000e+00, v3  }
0x60: {  	v5 =	vadd.s32 v10, v5;
	v16 =	vsub.f32 $1.000000000e+00, v1;
	v4 =	vadd.f32 $1.000000000e+00, v4  }
0x61: {  	v17 =	vadd.s32 $0x10000, v5;
	v18 =	vadd.s32 $0x1000, v5;
	v2 =	vmul.f32 v3, v2  }
0x62: {  	[tilespmem:$0x2810] =	vst v5;
	v5 =	vadd.s32 $0x11000, v5;
	vm7 =	vlt.s32 v17, $0xFFFFF;
	vm8 =	vlt.s32 v18, $0xFFFFF  }
0x63: {  	v20 =	vmul.f32 v16, v15;
	v19 =	vnsel vm7, $0xFFFFF, v17;
	v2 =	vmul.f32 v4, v2  }
0x64: {  	vm9 =	vlt.s32 v5, $0xFFFFF;
	v6 =	vmul.f32 v16, v0;
	v21 =	vnsel vm8, $0xFFFFF, v18;
	[tilespmem:$0x2890] =	vst v19  }
0x65: {  	v23 =	vmul.f32 v1, v15;
	v22 =	vnsel vm9, $0xFFFFF, v5;
	[tilespmem:$0x2910] =	vst v21;
	v4 =	vmul.f32 v2, v20  }
0x66: {  	v0 =	vmul.f32 v1, v0;
	[tilespmem:$0x2990] =	vst v22;
	v24 =	vmul.f32 v2, v6  }
0x67: {  	v25 =	vmul.f32 v2, v23;
	[tilespmem:$0x2A10] =	vst v4  }
0x68: {  	v0 =	vmul.f32 v2, v0;
	[tilespmem:$0x2A90] =	vst v24  }
0x69: {  	[tilespmem:$0x2B10] =	vst v25  }
0x6a: {  	[tilespmem:$0x2B90] =	vst v0  }
0x6b: {  	v0 =	vld [tilespmem:s31+$0x20]  }
0x6c: {  	v1 =	vld [tilespmem:s31+$0x820]  }
0x6d: {  	v26 =	vld [tilespmem:s31+$0x1020]  }
0x6e: {  	v3 =	vld [tilespmem:s31+$0x1820]  }
0x6f: {  	v4 =	vld [tilespmem:s31+$0x2020];
	_ =	sdelay $0x2  }
0x70: {  	v0 =	vadd.f32 $1.000000000e+00, v0  }
0x71: {  	v1 =	vadd.f32 $1.000000000e+00, v1;
	v2 =	vadd.f32 $1.000000000e+00, v26  }
0x72: {  	v3 =	vadd.f32 $1.000000000e+00, v3;
	v4 =	vadd.f32 $1.000000000e+00, v4;
	v0 =	vmul.f32 $5.000000000e-01, v0  }
0x73: {  	v1 =	vmul.f32 $5.000000000e-01, v1;
	v2 =	vmul.f32 $5.000000000e-01, v2  }
0x74: {  	v3 =	vmul.f32 $5.000000000e-01, v3;
	v4 =	vmul.f32 $5.000000000e-01, v4  }
0x75: {  	v0 =	vmul.f32 $1.500000000e+01, v0;
	v1 =	vmul.f32 $1.500000000e+01, v1  }
0x76: {  	v2 =	vmul.f32 $1.500000000e+01, v2;
	v3 =	vmul.f32 $1.500000000e+01, v3  }
0x77: {  	v4 =	vmul.f32 $1.500000000e+01, v4;
	v27 =	vtrunc.f32 v0  }
0x78: {  	v28 =	vtrunc.f32 v1;
	v29 =	vtrunc.f32 v2  }
0x79: {  	v30 =	vtrunc.f32 v3;
	v32 =	vtrunc.f32 v4  }
0x7a: {  	v5 =	vcvt.f32.s32 v27;
	v6 =	vcvt.f32.s32 v28  }
0x7b: {  	v7 =	vcvt.f32.s32 v29;
	v8 =	vcvt.f32.s32 v30  }
0x7c: {  	v10 =	vcvt.f32.s32 v32;
	v31 =	vcvt.s32.f32 v5  }
0x7d: {  	v33 =	vcvt.s32.f32 v6;
	v34 =	vcvt.s32.f32 v7  }
0x7e: {  	v35 =	vcvt.s32.f32 v8;
	v36 =	vcvt.s32.f32 v10  }
0x7f: {  	v5 =	vshll.u32 v5, $0x10;
	v6 =	vshll.u32 v6, $0xC;
	v37 =	vshll.u32 v7, $0x8  }
0x80: {  	v38 =	vshll.u32 v8, $0x4;
	v0 =	vsub.f32 v0, v31;
	v1 =	vsub.f32 v1, v33  }
0x81: {  	v5 =	vadd.s32 v5, v6;
	v2 =	vsub.f32 v34, v2;
	v3 =	vsub.f32 v35, v3  }
0x82: {  	v5 =	vadd.s32 v37, v5;
	v4 =	vsub.f32 v36, v4;
	v39 =	vsub.f32 $1.000000000e+00, v0  }
0x83: {  	v5 =	vadd.s32 v38, v5;
	v2 =	vadd.f32 $1.000000000e+00, v2;
	v3 =	vadd.f32 $1.000000000e+00, v3  }
0x84: {  	v5 =	vadd.s32 v10, v5;
	v40 =	vsub.f32 $1.000000000e+00, v1;
	v4 =	vadd.f32 $1.000000000e+00, v4  }
0x85: {  	v41 =	vadd.s32 $0x10000, v5;
	v42 =	vadd.s32 $0x1000, v5;
	v2 =	vmul.f32 v3, v2  }
0x86: {  	[tilespmem:$0x2820] =	vst v5;
	v5 =	vadd.s32 $0x11000, v5;
	vm10 =	vlt.s32 v41, $0xFFFFF;
	vm11 =	vlt.s32 v42, $0xFFFFF  }
0x87: {  	v44 =	vmul.f32 v40, v39;
	v43 =	vnsel vm10, $0xFFFFF, v41;
	v2 =	vmul.f32 v4, v2  }
0x88: {  	vm12 =	vlt.s32 v5, $0xFFFFF;
	v6 =	vmul.f32 v40, v0;
	v45 =	vnsel vm11, $0xFFFFF, v42;
	[tilespmem:$0x28A0] =	vst v43  }
0x89: {  	v47 =	vmul.f32 v1, v39;
	v46 =	vnsel vm12, $0xFFFFF, v5;
	[tilespmem:$0x2920] =	vst v45;
	v4 =	vmul.f32 v2, v44  }
0x8a: {  	v0 =	vmul.f32 v1, v0;
	[tilespmem:$0x29A0] =	vst v46;
	v48 =	vmul.f32 v2, v6  }
0x8b: {  	v49 =	vmul.f32 v2, v47;
	[tilespmem:$0x2A20] =	vst v4  }
0x8c: {  	v0 =	vmul.f32 v2, v0;
	[tilespmem:$0x2AA0] =	vst v48  }
0x8d: {  	[tilespmem:$0x2B20] =	vst v49  }
0x8e: {  	[tilespmem:$0x2BA0] =	vst v0  }
0x8f: {  	v0 =	vld [tilespmem:s31+$0x30]  }
0x90: {  	v1 =	vld [tilespmem:s31+$0x830]  }
0x91: {  	v50 =	vld [tilespmem:s31+$0x1030]  }
0x92: {  	v3 =	vld [tilespmem:s31+$0x1830]  }
0x93: {  	v4 =	vld [tilespmem:s31+$0x2030];
	_ =	sdelay $0x2  }
0x94: {  	v0 =	vadd.f32 $1.000000000e+00, v0  }
0x95: {  	v1 =	vadd.f32 $1.000000000e+00, v1;
	v2 =	vadd.f32 $1.000000000e+00, v50  }
0x96: {  	v3 =	vadd.f32 $1.000000000e+00, v3;
	v4 =	vadd.f32 $1.000000000e+00, v4;
	v0 =	vmul.f32 $5.000000000e-01, v0  }
0x97: {  	v1 =	vmul.f32 $5.000000000e-01, v1;
	v2 =	vmul.f32 $5.000000000e-01, v2  }
0x98: {  	v3 =	vmul.f32 $5.000000000e-01, v3;
	v4 =	vmul.f32 $5.000000000e-01, v4  }
0x99: {  	v0 =	vmul.f32 $1.500000000e+01, v0;
	v1 =	vmul.f32 $1.500000000e+01, v1  }
0x9a: {  	v2 =	vmul.f32 $1.500000000e+01, v2;
	v3 =	vmul.f32 $1.500000000e+01, v3  }
0x9b: {  	v4 =	vmul.f32 $1.500000000e+01, v4;
	v51 =	vtrunc.f32 v0  }
0x9c: {  	v52 =	vtrunc.f32 v1;
	v53 =	vtrunc.f32 v2  }
0x9d: {  	v54 =	vtrunc.f32 v3;
	v56 =	vtrunc.f32 v4  }
0x9e: {  	v5 =	vcvt.f32.s32 v51;
	v6 =	vcvt.f32.s32 v52  }
0x9f: {  	v7 =	vcvt.f32.s32 v53;
	v8 =	vcvt.f32.s32 v54  }
0xa0: {  	v10 =	vcvt.f32.s32 v56;
	v55 =	vcvt.s32.f32 v5  }
0xa1: {  	v57 =	vcvt.s32.f32 v6;
	v58 =	vcvt.s32.f32 v7  }
0xa2: {  	v59 =	vcvt.s32.f32 v8;
	v60 =	vcvt.s32.f32 v10  }
0xa3: {  	v5 =	vshll.u32 v5, $0x10;
	v6 =	vshll.u32 v6, $0xC;
	v61 =	vshll.u32 v7, $0x8  }
0xa4: {  	v62 =	vshll.u32 v8, $0x4;
	v0 =	vsub.f32 v0, v55;
	v1 =	vsub.f32 v1, v57  }
0xa5: {  	v5 =	vadd.s32 v5, v6;
	v2 =	vsub.f32 v58, v2;
	v3 =	vsub.f32 v59, v3  }
0xa6: {  	v5 =	vadd.s32 v61, v5;
	v4 =	vsub.f32 v60, v4;
	v63 =	vsub.f32 $1.000000000e+00, v0  }
0xa7: {  	v5 =	vadd.s32 v62, v5;
	v2 =	vadd.f32 $1.000000000e+00, v2;
	v3 =	vadd.f32 $1.000000000e+00, v3  }
0xa8: {  	v5 =	vadd.s32 v10, v5;
	v13 =	vsub.f32 $1.000000000e+00, v1;
	v4 =	vadd.f32 $1.000000000e+00, v4  }
0xa9: {  	v14 =	vadd.s32 $0x10000, v5;
	v15 =	vadd.s32 $0x1000, v5;
	v2 =	vmul.f32 v3, v2  }
0xaa: {  	[tilespmem:$0x2830] =	vst v5;
	v5 =	vadd.s32 $0x11000, v5;
	vm13 =	vlt.s32 v14, $0xFFFFF;
	vm14 =	vlt.s32 v15, $0xFFFFF  }
0xab: {  	v17 =	vmul.f32 v13, v63;
	v16 =	vnsel vm13, $0xFFFFF, v14;
	v2 =	vmul.f32 v4, v2  }
0xac: {  	vm15 =	vlt.s32 v5, $0xFFFFF;
	v6 =	vmul.f32 v13, v0;
	v18 =	vnsel vm14, $0xFFFFF, v15;
	[tilespmem:$0x28B0] =	vst v16  }
0xad: {  	v20 =	vmul.f32 v1, v63;
	v19 =	vnsel vm15, $0xFFFFF, v5;
	[tilespmem:$0x2930] =	vst v18;
	v4 =	vmul.f32 v2, v17  }
0xae: {  	v0 =	vmul.f32 v1, v0;
	[tilespmem:$0x29B0] =	vst v19;
	v21 =	vmul.f32 v2, v6  }
0xaf: {  	v22 =	vmul.f32 v2, v20;
	[tilespmem:$0x2A30] =	vst v4  }
0xb0: {  	v0 =	vmul.f32 v2, v0;
	[tilespmem:$0x2AB0] =	vst v21  }
0xb1: {  	[tilespmem:$0x2B30] =	vst v22  }
0xb2: {  	[tilespmem:$0x2BB0] =	vst v0  }
0xb3: {  	v0 =	vld [tilespmem:s31+$0x40]  }
0xb4: {  	v1 =	vld [tilespmem:s31+$0x840]  }
0xb5: {  	v23 =	vld [tilespmem:s31+$0x1040]  }
0xb6: {  	v3 =	vld [tilespmem:s31+$0x1840]  }
0xb7: {  	v4 =	vld [tilespmem:s31+$0x2040];
	_ =	sdelay $0x2  }
0xb8: {  	v0 =	vadd.f32 $1.000000000e+00, v0  }
0xb9: {  	v1 =	vadd.f32 $1.000000000e+00, v1;
	v2 =	vadd.f32 $1.000000000e+00, v23  }
0xba: {  	v3 =	vadd.f32 $1.000000000e+00, v3;
	v4 =	vadd.f32 $1.000000000e+00, v4;
	v0 =	vmul.f32 $5.000000000e-01, v0  }
0xbb: {  	v1 =	vmul.f32 $5.000000000e-01, v1;
	v2 =	vmul.f32 $5.000000000e-01, v2  }
0xbc: {  	v3 =	vmul.f32 $5.000000000e-01, v3;
	v4 =	vmul.f32 $5.000000000e-01, v4  }
0xbd: {  	v0 =	vmul.f32 $1.500000000e+01, v0;
	v1 =	vmul.f32 $1.500000000e+01, v1  }
0xbe: {  	v2 =	vmul.f32 $1.500000000e+01, v2;
	v3 =	vmul.f32 $1.500000000e+01, v3  }
0xbf: {  	v4 =	vmul.f32 $1.500000000e+01, v4;
	v24 =	vtrunc.f32 v0  }
0xc0: {  	v25 =	vtrunc.f32 v1;
	v26 =	vtrunc.f32 v2  }
0xc1: {  	v27 =	vtrunc.f32 v3;
	v29 =	vtrunc.f32 v4  }
0xc2: {  	v5 =	vcvt.f32.s32 v24;
	v6 =	vcvt.f32.s32 v25  }
0xc3: {  	v7 =	vcvt.f32.s32 v26;
	v8 =	vcvt.f32.s32 v27  }
0xc4: {  	v10 =	vcvt.f32.s32 v29;
	v28 =	vcvt.s32.f32 v5  }
0xc5: {  	v30 =	vcvt.s32.f32 v6;
	v31 =	vcvt.s32.f32 v7  }
0xc6: {  	v32 =	vcvt.s32.f32 v8;
	v33 =	vcvt.s32.f32 v10  }
0xc7: {  	v5 =	vshll.u32 v5, $0x10;
	v6 =	vshll.u32 v6, $0xC;
	v34 =	vshll.u32 v7, $0x8  }
0xc8: {  	v35 =	vshll.u32 v8, $0x4;
	v0 =	vsub.f32 v0, v28;
	v1 =	vsub.f32 v1, v30  }
0xc9: {  	v5 =	vadd.s32 v5, v6;
	v2 =	vsub.f32 v31, v2;
	v3 =	vsub.f32 v32, v3  }
0xca: {  	v5 =	vadd.s32 v34, v5;
	v4 =	vsub.f32 v33, v4;
	v36 =	vsub.f32 $1.000000000e+00, v0  }
0xcb: {  	v5 =	vadd.s32 v35, v5;
	v2 =	vadd.f32 $1.000000000e+00, v2;
	v3 =	vadd.f32 $1.000000000e+00, v3  }
0xcc: {  	v5 =	vadd.s32 v10, v5;
	v37 =	vsub.f32 $1.000000000e+00, v1;
	v4 =	vadd.f32 $1.000000000e+00, v4  }
0xcd: {  	v38 =	vadd.s32 $0x10000, v5;
	v39 =	vadd.s32 $0x1000, v5;
	v2 =	vmul.f32 v3, v2  }
0xce: {  	[tilespmem:$0x2840] =	vst v5;
	v5 =	vadd.s32 $0x11000, v5;
	vm4 =	vlt.s32 v38, $0xFFFFF;
	vm5 =	vlt.s32 v39, $0xFFFFF  }
0xcf: {  	v41 =	vmul.f32 v37, v36;
	v40 =	vnsel vm4, $0xFFFFF, v38;
	v2 =	vmul.f32 v4, v2  }
0xd0: {  	vm6 =	vlt.s32 v5, $0xFFFFF;
	v6 =	vmul.f32 v37, v0;
	v42 =	vnsel vm5, $0xFFFFF, v39;
	[tilespmem:$0x28C0] =	vst v40  }
0xd1: {  	v44 =	vmul.f32 v1, v36;
	v43 =	vnsel vm6, $0xFFFFF, v5;
	[tilespmem:$0x2940] =	vst v42;
	v4 =	vmul.f32 v2, v41  }
0xd2: {  	v0 =	vmul.f32 v1, v0;
	[tilespmem:$0x29C0] =	vst v43;
	v45 =	vmul.f32 v2, v6  }
0xd3: {  	v46 =	vmul.f32 v2, v44;
	[tilespmem:$0x2A40] =	vst v4  }
0xd4: {  	v0 =	vmul.f32 v2, v0;
	[tilespmem:$0x2AC0] =	vst v45  }
0xd5: {  	[tilespmem:$0x2B40] =	vst v46  }
0xd6: {  	[tilespmem:$0x2BC0] =	vst v0  }
0xd7: {  	v0 =	vld [tilespmem:s31+$0x50]  }
0xd8: {  	v1 =	vld [tilespmem:s31+$0x850]  }
0xd9: {  	v47 =	vld [tilespmem:s31+$0x1050]  }
0xda: {  	v3 =	vld [tilespmem:s31+$0x1850]  }
0xdb: {  	v4 =	vld [tilespmem:s31+$0x2050];
	_ =	sdelay $0x2  }
0xdc: {  	v0 =	vadd.f32 $1.000000000e+00, v0  }
0xdd: {  	v1 =	vadd.f32 $1.000000000e+00, v1;
	v2 =	vadd.f32 $1.000000000e+00, v47  }
0xde: {  	v3 =	vadd.f32 $1.000000000e+00, v3;
	v4 =	vadd.f32 $1.000000000e+00, v4;
	v0 =	vmul.f32 $5.000000000e-01, v0  }
0xdf: {  	v1 =	vmul.f32 $5.000000000e-01, v1;
	v2 =	vmul.f32 $5.000000000e-01, v2  }
0xe0: {  	v3 =	vmul.f32 $5.000000000e-01, v3;
	v4 =	vmul.f32 $5.000000000e-01, v4  }
0xe1: {  	v0 =	vmul.f32 $1.500000000e+01, v0;
	v1 =	vmul.f32 $1.500000000e+01, v1  }
0xe2: {  	v2 =	vmul.f32 $1.500000000e+01, v2;
	v3 =	vmul.f32 $1.500000000e+01, v3  }
0xe3: {  	v4 =	vmul.f32 $1.500000000e+01, v4;
	v48 =	vtrunc.f32 v0  }
0xe4: {  	v49 =	vtrunc.f32 v1;
	v50 =	vtrunc.f32 v2  }
0xe5: {  	v51 =	vtrunc.f32 v3;
	v53 =	vtrunc.f32 v4  }
0xe6: {  	v5 =	vcvt.f32.s32 v48;
	v6 =	vcvt.f32.s32 v49  }
0xe7: {  	v7 =	vcvt.f32.s32 v50;
	v8 =	vcvt.f32.s32 v51  }
0xe8: {  	v10 =	vcvt.f32.s32 v53;
	v52 =	vcvt.s32.f32 v5  }
0xe9: {  	v54 =	vcvt.s32.f32 v6;
	v55 =	vcvt.s32.f32 v7  }
0xea: {  	v56 =	vcvt.s32.f32 v8;
	v57 =	vcvt.s32.f32 v10  }
0xeb: {  	v5 =	vshll.u32 v5, $0x10;
	v6 =	vshll.u32 v6, $0xC;
	v58 =	vshll.u32 v7, $0x8  }
0xec: {  	v59 =	vshll.u32 v8, $0x4;
	v0 =	vsub.f32 v0, v52;
	v1 =	vsub.f32 v1, v54  }
0xed: {  	v5 =	vadd.s32 v5, v6;
	v2 =	vsub.f32 v55, v2;
	v3 =	vsub.f32 v56, v3  }
0xee: {  	v5 =	vadd.s32 v58, v5;
	v4 =	vsub.f32 v57, v4;
	v60 =	vsub.f32 $1.000000000e+00, v0  }
0xef: {  	v5 =	vadd.s32 v59, v5;
	v2 =	vadd.f32 $1.000000000e+00, v2;
	v3 =	vadd.f32 $1.000000000e+00, v3  }
0xf0: {  	v5 =	vadd.s32 v10, v5;
	v61 =	vsub.f32 $1.000000000e+00, v1;
	v4 =	vadd.f32 $1.000000000e+00, v4  }
0xf1: {  	v62 =	vadd.s32 $0x10000, v5;
	v63 =	vadd.s32 $0x1000, v5;
	v2 =	vmul.f32 v3, v2  }
0xf2: {  	[tilespmem:$0x2850] =	vst v5;
	v5 =	vadd.s32 $0x11000, v5;
	vm7 =	vlt.s32 v62, $0xFFFFF;
	vm8 =	vlt.s32 v63, $0xFFFFF  }
0xf3: {  	v10 =	vmul.f32 v61, v60;
	v8 =	vnsel vm7, $0xFFFFF, v62;
	v2 =	vmul.f32 v4, v2  }
0xf4: {  	vm9 =	vlt.s32 v5, $0xFFFFF;
	v6 =	vmul.f32 v61, v0;
	v11 =	vnsel vm8, $0xFFFFF, v63;
	[tilespmem:$0x28D0] =	vst v8  }
0xf5: {  	v13 =	vmul.f32 v1, v60;
	v12 =	vnsel vm9, $0xFFFFF, v5;
	[tilespmem:$0x2950] =	vst v11;
	v4 =	vmul.f32 v2, v10  }
0xf6: {  	v0 =	vmul.f32 v1, v0;
	[tilespmem:$0x29D0] =	vst v12;
	v14 =	vmul.f32 v2, v6  }
0xf7: {  	v15 =	vmul.f32 v2, v13;
	[tilespmem:$0x2A50] =	vst v4  }
0xf8: {  	v0 =	vmul.f32 v2, v0;
	[tilespmem:$0x2AD0] =	vst v14  }
0xf9: {  	[tilespmem:$0x2B50] =	vst v15  }
0xfa: {  	[tilespmem:$0x2BD0] =	vst v0  }
0xfb: {  	v0 =	vld [tilespmem:s31+$0x60]  }
0xfc: {  	v1 =	vld [tilespmem:s31+$0x860]  }
0xfd: {  	v16 =	vld [tilespmem:s31+$0x1060]  }
0xfe: {  	v3 =	vld [tilespmem:s31+$0x1860]  }
0xff: {  	v4 =	vld [tilespmem:s31+$0x2060];
	_ =	sdelay $0x2  }
0x100: {  	v0 =	vadd.f32 $1.000000000e+00, v0  }
0x101: {  	v1 =	vadd.f32 $1.000000000e+00, v1;
	v2 =	vadd.f32 $1.000000000e+00, v16  }
0x102: {  	v3 =	vadd.f32 $1.000000000e+00, v3;
	v4 =	vadd.f32 $1.000000000e+00, v4;
	v0 =	vmul.f32 $5.000000000e-01, v0  }
0x103: {  	v1 =	vmul.f32 $5.000000000e-01, v1;
	v2 =	vmul.f32 $5.000000000e-01, v2  }
0x104: {  	v3 =	vmul.f32 $5.000000000e-01, v3;
	v4 =	vmul.f32 $5.000000000e-01, v4  }
0x105: {  	v0 =	vmul.f32 $1.500000000e+01, v0;
	v1 =	vmul.f32 $1.500000000e+01, v1  }
0x106: {  	v2 =	vmul.f32 $1.500000000e+01, v2;
	v3 =	vmul.f32 $1.500000000e+01, v3  }
0x107: {  	v4 =	vmul.f32 $1.500000000e+01, v4;
	v17 =	vtrunc.f32 v0  }
0x108: {  	v18 =	vtrunc.f32 v1;
	v19 =	vtrunc.f32 v2  }
0x109: {  	v20 =	vtrunc.f32 v3;
	v22 =	vtrunc.f32 v4  }
0x10a: {  	v5 =	vcvt.f32.s32 v17;
	v6 =	vcvt.f32.s32 v18  }
0x10b: {  	v7 =	vcvt.f32.s32 v19;
	v8 =	vcvt.f32.s32 v20  }
0x10c: {  	v10 =	vcvt.f32.s32 v22;
	v21 =	vcvt.s32.f32 v5  }
0x10d: {  	v23 =	vcvt.s32.f32 v6;
	v24 =	vcvt.s32.f32 v7  }
0x10e: {  	v25 =	vcvt.s32.f32 v8;
	v26 =	vcvt.s32.f32 v10  }
0x10f: {  	v5 =	vshll.u32 v5, $0x10;
	v6 =	vshll.u32 v6, $0xC;
	v27 =	vshll.u32 v7, $0x8  }
0x110: {  	v28 =	vshll.u32 v8, $0x4;
	v0 =	vsub.f32 v0, v21;
	v1 =	vsub.f32 v1, v23  }
0x111: {  	v5 =	vadd.s32 v5, v6;
	v2 =	vsub.f32 v24, v2;
	v3 =	vsub.f32 v25, v3  }
0x112: {  	v5 =	vadd.s32 v27, v5;
	v4 =	vsub.f32 v26, v4;
	v29 =	vsub.f32 $1.000000000e+00, v0  }
0x113: {  	v5 =	vadd.s32 v28, v5;
	v2 =	vadd.f32 $1.000000000e+00, v2;
	v3 =	vadd.f32 $1.000000000e+00, v3  }
0x114: {  	v5 =	vadd.s32 v10, v5;
	v30 =	vsub.f32 $1.000000000e+00, v1;
	v4 =	vadd.f32 $1.000000000e+00, v4  }
0x115: {  	v31 =	vadd.s32 $0x10000, v5;
	v32 =	vadd.s32 $0x1000, v5;
	v2 =	vmul.f32 v3, v2  }
0x116: {  	[tilespmem:$0x2860] =	vst v5;
	v5 =	vadd.s32 $0x11000, v5;
	vm10 =	vlt.s32 v31, $0xFFFFF;
	vm11 =	vlt.s32 v32, $0xFFFFF  }
0x117: {  	v34 =	vmul.f32 v30, v29;
	v33 =	vnsel vm10, $0xFFFFF, v31;
	v2 =	vmul.f32 v4, v2  }
0x118: {  	vm12 =	vlt.s32 v5, $0xFFFFF;
	v6 =	vmul.f32 v30, v0;
	v35 =	vnsel vm11, $0xFFFFF, v32;
	[tilespmem:$0x28E0] =	vst v33  }
0x119: {  	v37 =	vmul.f32 v1, v29;
	v36 =	vnsel vm12, $0xFFFFF, v5;
	[tilespmem:$0x2960] =	vst v35;
	v4 =	vmul.f32 v2, v34  }
0x11a: {  	v0 =	vmul.f32 v1, v0;
	[tilespmem:$0x29E0] =	vst v36;
	v38 =	vmul.f32 v2, v6  }
0x11b: {  	v39 =	vmul.f32 v2, v37;
	[tilespmem:$0x2A60] =	vst v4  }
0x11c: {  	v0 =	vmul.f32 v2, v0;
	[tilespmem:$0x2AE0] =	vst v38  }
0x11d: {  	[tilespmem:$0x2B60] =	vst v39  }
0x11e: {  	[tilespmem:$0x2BE0] =	vst v0  }
0x11f: {  	v0 =	vld [tilespmem:s31+$0x70]  }
0x120: {  	v1 =	vld [tilespmem:s31+$0x870]  }
0x121: {  	v40 =	vld [tilespmem:s31+$0x1070]  }
0x122: {  	v3 =	vld [tilespmem:s31+$0x1870]  }
0x123: {  	v4 =	vld [tilespmem:s31+$0x2070];
	_ =	sdelay $0x2  }
0x124: {  	v0 =	vadd.f32 $1.000000000e+00, v0  }
0x125: {  	v1 =	vadd.f32 $1.000000000e+00, v1;
	v2 =	vadd.f32 $1.000000000e+00, v40  }
0x126: {  	v3 =	vadd.f32 $1.000000000e+00, v3;
	v4 =	vadd.f32 $1.000000000e+00, v4;
	v0 =	vmul.f32 $5.000000000e-01, v0  }
0x127: {  	v1 =	vmul.f32 $5.000000000e-01, v1;
	v2 =	vmul.f32 $5.000000000e-01, v2  }
0x128: {  	v3 =	vmul.f32 $5.000000000e-01, v3;
	v4 =	vmul.f32 $5.000000000e-01, v4  }
0x129: {  	v0 =	vmul.f32 $1.500000000e+01, v0;
	v1 =	vmul.f32 $1.500000000e+01, v1  }
0x12a: {  	v2 =	vmul.f32 $1.500000000e+01, v2;
	v3 =	vmul.f32 $1.500000000e+01, v3  }
0x12b: {  	v4 =	vmul.f32 $1.500000000e+01, v4;
	v41 =	vtrunc.f32 v0  }
0x12c: {  	v42 =	vtrunc.f32 v1;
	v43 =	vtrunc.f32 v2  }
0x12d: {  	v44 =	vtrunc.f32 v3;
	v46 =	vtrunc.f32 v4  }
0x12e: {  	v5 =	vcvt.f32.s32 v41;
	v6 =	vcvt.f32.s32 v42  }
0x12f: {  	v7 =	vcvt.f32.s32 v43;
	v8 =	vcvt.f32.s32 v44  }
0x130: {  	v10 =	vcvt.f32.s32 v46;
	v45 =	vcvt.s32.f32 v5  }
0x131: {  	v47 =	vcvt.s32.f32 v6;
	v48 =	vcvt.s32.f32 v7  }
0x132: {  	v49 =	vcvt.s32.f32 v8;
	v50 =	vcvt.s32.f32 v10  }
0x133: {  	v5 =	vshll.u32 v5, $0x10;
	v6 =	vshll.u32 v6, $0xC;
	v51 =	vshll.u32 v7, $0x8  }
0x134: {  	v52 =	vshll.u32 v8, $0x4;
	v0 =	vsub.f32 v0, v45;
	v1 =	vsub.f32 v1, v47  }
0x135: {  	v5 =	vadd.s32 v5, v6;
	v2 =	vsub.f32 v48, v2;
	v3 =	vsub.f32 v49, v3  }
0x136: {  	v5 =	vadd.s32 v51, v5;
	v4 =	vsub.f32 v50, v4;
	v53 =	vsub.f32 $1.000000000e+00, v0  }
0x137: {  	v5 =	vadd.s32 v52, v5;
	v2 =	vadd.f32 $1.000000000e+00, v2;
	v3 =	vadd.f32 $1.000000000e+00, v3  }
0x138: {  	v5 =	vadd.s32 v10, v5;
	v54 =	vsub.f32 $1.000000000e+00, v1;
	v4 =	vadd.f32 $1.000000000e+00, v4  }
0x139: {  	v55 =	vadd.s32 $0x10000, v5;
	v56 =	vadd.s32 $0x1000, v5;
	v2 =	vmul.f32 v3, v2  }
0x13a: {  	[tilespmem:$0x2870] =	vst v5;
	v5 =	vadd.s32 $0x11000, v5;
	vm13 =	vlt.s32 v55, $0xFFFFF;
	vm14 =	vlt.s32 v56, $0xFFFFF  }
0x13b: {  	v58 =	vmul.f32 v54, v53;
	v57 =	vnsel vm13, $0xFFFFF, v55;
	v2 =	vmul.f32 v4, v2  }
0x13c: {  	vm15 =	vlt.s32 v5, $0xFFFFF;
	v6 =	vmul.f32 v54, v0;
	v59 =	vnsel vm14, $0xFFFFF, v56;
	[tilespmem:$0x28F0] =	vst v57  }
0x13d: {  	v61 =	vmul.f32 v1, v53;
	v60 =	vnsel vm15, $0xFFFFF, v5;
	[tilespmem:$0x2970] =	vst v59;
	v4 =	vmul.f32 v2, v58  }
0x13e: {  	v0 =	vmul.f32 v1, v0;
	[tilespmem:$0x29F0] =	vst v60;
	v62 =	vmul.f32 v2, v6  }
0x13f: {  	v63 =	vmul.f32 v2, v61;
	[tilespmem:$0x2A70] =	vst v4  }
0x140: {  	v0 =	vmul.f32 v2, v0;
	[tilespmem:$0x2AF0] =	vst v62  }
0x141: {  	[tilespmem:$0x2B70] =	vst v63  }
0x142: {  	[tilespmem:$0x2BF0] =	vst v0  }
0x143: {  	[tilespmem:s19], [sflag:$0x1] =	stream.indirect.gather [hbm4b:s5+s17], $0x20, s18, s17, $0xb8;
	[tilespmem:$0x7C00] =	vst v63  }
0x144: {  	_ = 	snop  }
0x145: {  	[tilespmem:s21], [sflag:$0x1] =	stream.indirect.gather [hbm4b:s5+s17], $0x20, s20, s17, $0xb8;
	[tilespmem:$0x7C00] =	vst v63  }
0x146: {  	_ = 	snop  }
0x147: {  	[tilespmem:s23], [sflag:$0x1] =	stream.indirect.gather [hbm4b:s5+s17], $0x20, s22, s17, $0xb8;
	[tilespmem:$0x7C00] =	vst v63  }
0x148: {  	_ = 	snop  }
0x149: {  	[tilespmem:s25], [sflag:$0x1] =	stream.indirect.gather [hbm4b:s5+s17], $0x20, s24, s17, $0xb8;
	[tilespmem:$0x7C00] =	vst v63  }
0x14a: {  	_ =	swait.ge [sflag:s26], $0x1000  }
0x14b: {  	[sflag:s26] =	ssyncset.done $0x0  }
0x14c: {  	[sflag:s26] =	ssyncadd.s32 $0xFFFFF000  }
0x14d: {  	_ =	swait.ge [sflag:s26], $0x1000  }
0x14e: {  	[sflag:s26] =	ssyncset.done $0x0  }
0x14f: {  	[sflag:s26] =	ssyncadd.s32 $0xFFFFF000  }
0x150: {  	_ =	swait.ge [sflag:s26], $0x1000  }
0x151: {  	[sflag:s26] =	ssyncset.done $0x0  }
0x152: {  	[sflag:s26] =	ssyncadd.s32 $0xFFFFF000  }
0x153: {  	s0 =	simm.s32 $0x0;
	_ =	swait.ge [sflag:s26], $0x1000  }
0x154: {  	s1 =	simm.s32 $0x2B80;
	s13 =	simm.s32 $0x2B00;
	[sflag:s26] =	ssyncset.done $0x0  }
0x155: {  	s14 =	simm.s32 $0x2A80;
	s15 =	simm.s32 $0x2A00;
	[sflag:s26] =	ssyncadd.s32 $0xFFFFF000  }
.LBB2_3:
0x156: {  	v2 =	vld [tilespmem:s15+$0x0]  }
0x157: {  	v3 =	vld [tilespmem:s14+$0x0]  }
0x158: {  	v1 =	vld [tilespmem:s13+$0x0]  }
0x159: {  	v0 =	vld [tilespmem:s1+$0x0];
	s16 =	sshra.s32 s0, $0x2  }
0x15a: {  	v4 =	vld [tilespmem:s16+$0x2C00]  }
0x15b: {  	v5 =	vld [tilespmem:s16+$0x3C00]  }
0x15c: {  	v6 =	vld [tilespmem:s16+$0x4C00]  }
0x15d: {  	v7 =	vld [tilespmem:s16+$0x5C00]  }
0x15e: {  	v8 =	vld [tilespmem:s16+$0x2C10]  }
0x15f: {  	v9 =	vld [tilespmem:s16+$0x3C10]  }
0x160: {  	v10 =	vld [tilespmem:s16+$0x4C10]  }
0x161: {  	v11 =	vld [tilespmem:s16+$0x5C10]  }
0x162: {  	v12 =	vld [tilespmem:s16+$0x2C20]  }
0x163: {  	v13 =	vld [tilespmem:s16+$0x3C20]  }
0x164: {  	v14 =	vld [tilespmem:s16+$0x4C20]  }
0x165: {  	v15 =	vld [tilespmem:s16+$0x5C20]  }
0x166: {  	v16 =	vld [tilespmem:s16+$0x2C30]  }
0x167: {  	v17 =	vld [tilespmem:s16+$0x3C30]  }
0x168: {  	v18 =	vld [tilespmem:s16+$0x4C30]  }
0x169: {  	v19 =	vld [tilespmem:s16+$0x5C30]  }
0x16a: {  	v20 =	vld [tilespmem:s16+$0x2C40]  }
0x16b: {  	v21 =	vld [tilespmem:s16+$0x3C40]  }
0x16c: {  	v22 =	vld [tilespmem:s16+$0x4C40]  }
0x16d: {  	v23 =	vld [tilespmem:s16+$0x5C40]  }
0x16e: {  	v24 =	vld [tilespmem:s16+$0x2C50]  }
0x16f: {  	v25 =	vld [tilespmem:s16+$0x3C50]  }
0x170: {  	v26 =	vld [tilespmem:s16+$0x4C50]  }
0x171: {  	v27 =	vld [tilespmem:s16+$0x5C50]  }
0x172: {  	v28 =	vld [tilespmem:s16+$0x2C60]  }
0x173: {  	v29 =	vld [tilespmem:s16+$0x3C60]  }
0x174: {  	v30 =	vld [tilespmem:s16+$0x4C60]  }
0x175: {  	v31 =	vld [tilespmem:s16+$0x5C60]  }
0x176: {  	v32 =	vld [tilespmem:s16+$0x2C70]  }
0x177: {  	v33 =	vld [tilespmem:s16+$0x3C70];
	v40 =	vbroadcast v2, $0x0  }
0x178: {  	v34 =	vld [tilespmem:s16+$0x4C70];
	v41 =	vbroadcast v3, $0x0;
	v43 =	vbroadcast v1, $0x0  }
0x179: {  	v35 =	vld [tilespmem:s16+$0x5C70];
	v44 =	vbroadcast v0, $0x0;
	v60 =	vbroadcast v2, $0x1  }
0x17a: {  	v36 =	vld [tilespmem:s16+$0x2C80];
	v61 =	vbroadcast v3, $0x1;
	v62 =	vbroadcast v1, $0x1  }
0x17b: {  	v37 =	vld [tilespmem:s16+$0x3C80];
	v63 =	vbroadcast v0, $0x1;
	v4 =	vmul.f32 v4, v40  }
0x17c: {  	v38 =	vld [tilespmem:s16+$0x4C80];
	v5 =	vmul.f32 v5, v41;
	v6 =	vmul.f32 v6, v43  }
0x17d: {  	v39 =	vld [tilespmem:s16+$0x5C80];
	v7 =	vmul.f32 v7, v44;
	v8 =	vmul.f32 v8, v40  }
0x17e: {  	v42 =	vld [tilespmem:s16+$0x2C90];
	v9 =	vmul.f32 v9, v41;
	v58 =	vmul.f32 v10, v43  }
0x17f: {  	v45 =	vld [tilespmem:s16+$0x3C90];
	v59 =	vmul.f32 v11, v44;
	v12 =	vmul.f32 v12, v60  }
0x180: {  	v46 =	vld [tilespmem:s16+$0x4C90];
	v13 =	vmul.f32 v13, v61;
	v52 =	vmul.f32 v14, v62  }
0x181: {  	v47 =	vld [tilespmem:s16+$0x5C90];
	v53 =	vmul.f32 v15, v63;
	v54 =	vmul.f32 v16, v60  }
0x182: {  	v48 =	vld [tilespmem:s16+$0x5CA0];
	v55 =	vmul.f32 v17, v61;
	v60 =	vbroadcast v1, $0x2  }
0x183: {  	v49 =	vld [tilespmem:s16+$0x2CB0];
	v61 =	vbroadcast v0, $0x2;
	v4 =	vadd.f32 v5, v4;
	v8 =	vadd.f32 v9, v8  }
0x184: {  	v40 =	vld [tilespmem:s16+$0x2CA0];
	v57 =	vmul.f32 v19, v63;
	v44 =	vmul.f32 v22, v60  }
0x185: {  	v41 =	vld [tilespmem:s16+$0x3CA0];
	v50 =	vmul.f32 v23, v61;
	v4 =	vadd.f32 v6, v4;
	v8 =	vadd.f32 v58, v8  }
0x186: {  	v43 =	vld [tilespmem:s16+$0x4CA0];
	v56 =	vadd.f32 v13, v12;
	v10 =	vmul.f32 v26, v60;
	v58 =	vbroadcast v2, $0x2  }
0x187: {  	v15 =	vld [tilespmem:s16+$0x3CB0];
	v6 =	vmul.f32 v18, v62;
	v5 =	vadd.f32 v7, v4;
	v4 =	vadd.f32 v59, v8  }
0x188: {  	v16 =	vld [tilespmem:s16+$0x4CB0];
	v8 =	vadd.f32 v55, v54;
	v59 =	vbroadcast v3, $0x2;
	v62 =	vmul.f32 v20, v58  }
0x189: {  	v17 =	vld [tilespmem:s16+$0x5CB0];
	v7 =	vadd.f32 v52, v56;
	v9 =	vmul.f32 v24, v58;
	v52 =	vmul.f32 v27, v61  }
0x18a: {  	v19 =	vld [tilespmem:s16+$0x3CC0];
	v54 =	vbroadcast v3, $0x3;
	v55 =	vbroadcast v1, $0x3  }
0x18b: {  	v23 =	vld [tilespmem:s16+$0x5CC0];
	v56 =	vbroadcast v0, $0x3;
	v6 =	vadd.f32 v6, v8;
	v63 =	vmul.f32 v21, v59  }
0x18c: {  	v26 =	vld [tilespmem:s16+$0x5CE0];
	v7 =	vadd.f32 v53, v7;
	v51 =	vmul.f32 v25, v59;
	v53 =	vbroadcast v2, $0x3  }
0x18d: {  	v18 =	vld [tilespmem:s16+$0x2CC0];
	v29 =	vmul.f32 v29, v54;
	v58 =	vmul.f32 v31, v56  }
0x18e: {  	v24 =	vld [tilespmem:s16+$0x2CD0];
	v60 =	vmul.f32 v33, v54;
	v54 =	vbroadcast v0, $0x4;
	v6 =	vadd.f32 v57, v6  }
0x18f: {  	v20 =	vld [tilespmem:s16+$0x3CD0];
	v8 =	vadd.f32 v63, v62;
	v28 =	vmul.f32 v28, v53;
	v57 =	vmul.f32 v30, v55  }
0x190: {  	v27 =	vld [tilespmem:s16+$0x5CD0];
	v9 =	vadd.f32 v51, v9;
	v59 =	vmul.f32 v32, v53;
	v62 =	vmul.f32 v34, v55  }
0x191: {  	v21 =	vld [tilespmem:s16+$0x4CC0];
	v63 =	vmul.f32 v35, v56;
	v51 =	vbroadcast v3, $0x4  }
0x192: {  	v25 =	vld [tilespmem:s16+$0x4CD0];
	v53 =	vbroadcast v1, $0x4;
	v8 =	vadd.f32 v44, v8;
	v10 =	vadd.f32 v10, v9  }
0x193: {  	v31 =	vld [tilespmem:s16+$0x3CE0];
	v22 =	vmul.f32 v47, v54;
	v61 =	vadd.f32 v29, v28;
	v56 =	vmul.f32 v37, v51  }
0x194: {  	v33 =	vld [tilespmem:s16+$0x2CF0];
	v12 =	vmul.f32 v46, v53;
	v9 =	vadd.f32 v50, v8;
	v8 =	vadd.f32 v52, v10  }
0x195: {  	v32 =	vld [tilespmem:s16+$0x4CE0];
	v50 =	vbroadcast v2, $0x4;
	v52 =	vadd.f32 v57, v61;
	v57 =	vmul.f32 v38, v53  }
0x196: {  	v34 =	vld [tilespmem:s16+$0x3CF0];
	v10 =	vadd.f32 v60, v59;
	v60 =	vmul.f32 v45, v51;
	v61 =	vbroadcast v2, $0x5  }
0x197: {  	v35 =	vld [tilespmem:s16+$0x3D00];
	v55 =	vmul.f32 v36, v50;
	v11 =	vadd.f32 v58, v52;
	v58 =	vmul.f32 v39, v54  }
0x198: {  	v47 =	vld [tilespmem:s16+$0x3D10];
	v10 =	vadd.f32 v62, v10;
	v59 =	vmul.f32 v42, v50;
	v62 =	vbroadcast v3, $0x5  }
0x199: {  	v30 =	vld [tilespmem:s16+$0x5D10];
	v50 =	vbroadcast v0, $0x5;
	v51 =	vmul.f32 v40, v61  }
0x19a: {  	v44 =	vld [tilespmem:s16+$0x2CE0];
	v10 =	vadd.f32 v63, v10;
	v63 =	vbroadcast v1, $0x5;
	v52 =	vmul.f32 v41, v62  }
0x19b: {  	v29 =	vld [tilespmem:s16+$0x2D00];
	v13 =	vadd.f32 v56, v55;
	v54 =	vmul.f32 v48, v50;
	v55 =	vmul.f32 v49, v61  }
0x19c: {  	v46 =	vld [tilespmem:s16+$0x5D00];
	v15 =	vmul.f32 v15, v62;
	v17 =	vmul.f32 v17, v50  }
0x19d: {  	v28 =	vld [tilespmem:s16+$0x4D10];
	v14 =	vadd.f32 v60, v59;
	v56 =	vbroadcast v2, $0x6;
	v59 =	vbroadcast v0, $0x6  }
0x19e: {  	v37 =	vld [tilespmem:s16+$0x4D30];
	v50 =	vbroadcast v2, $0x7;
	v53 =	vmul.f32 v43, v63  }
0x19f: {  	v38 =	vld [tilespmem:s16+$0x5CF0];
	v13 =	vadd.f32 v57, v13;
	v16 =	vmul.f32 v16, v63;
	v57 =	vbroadcast v3, $0x6  }
0x1a0: {  	v45 =	vld [tilespmem:s16+$0x5D50];
	v12 =	vadd.f32 v12, v14;
	v18 =	vmul.f32 v18, v56;
	v23 =	vmul.f32 v23, v59  }
0x1a1: {  	v36 =	vld [tilespmem:s16+$0x4CF0];
	v14 =	vadd.f32 v52, v51;
	v60 =	vmul.f32 v24, v56;
	v63 =	vmul.f32 v27, v59  }
0x1a2: {  	v42 =	vld [tilespmem:s16+$0x4D00];
	v15 =	vadd.f32 v15, v55;
	v51 =	vbroadcast v3, $0x7;
	v55 =	vmul.f32 v44, v50  }
0x1a3: {  	v40 =	vld [tilespmem:s16+$0x2D20];
	v59 =	vbroadcast v2, $0x8;
	v13 =	vadd.f32 v58, v13;
	v12 =	vadd.f32 v22, v12  }
0x1a4: {  	v39 =	vld [tilespmem:s16+$0x5D30];
	v14 =	vadd.f32 v53, v14;
	v58 =	vbroadcast v1, $0x6;
	v19 =	vmul.f32 v19, v57  }
0x1a5: {  	v41 =	vld [tilespmem:s16+$0x2D10];
	v16 =	vadd.f32 v16, v15;
	v61 =	vmul.f32 v20, v57;
	v53 =	vbroadcast v1, $0x7  }
0x1a6: {  	v48 =	vld [tilespmem:s16+$0x3D20];
	v31 =	vmul.f32 v31, v51;
	v57 =	vmul.f32 v33, v50;
	v15 =	vadd.f32 v54, v14  }
0x1a7: {  	v49 =	vld [tilespmem:s16+$0x4D20];
	v21 =	vmul.f32 v21, v58;
	v14 =	vadd.f32 v17, v16;
	v62 =	vmul.f32 v25, v58  }
0x1a8: {  	v43 =	vld [tilespmem:s16+$0x5D20];
	v18 =	vadd.f32 v19, v18;
	v54 =	vbroadcast v0, $0x7;
	v56 =	vmul.f32 v32, v53  }
0x1a9: {  	v24 =	vld [tilespmem:s16+$0x3D30];
	v16 =	vadd.f32 v61, v60;
	v58 =	vmul.f32 v34, v51;
	v60 =	vbroadcast v3, $0x8  }
0x1aa: {  	v44 =	vld [tilespmem:s16+$0x2D40];
	v19 =	vadd.f32 v31, v55;
	v61 =	vbroadcast v1, $0x8;
	v26 =	vmul.f32 v26, v54  }
0x1ab: {  	v27 =	vld [tilespmem:s16+$0x4D40];
	v52 =	vadd.f32 v21, v18;
	v18 =	vmul.f32 v36, v53;
	v21 =	vmul.f32 v38, v54  }
0x1ac: {  	v22 =	vld [tilespmem:s16+$0x2D30];
	v16 =	vadd.f32 v62, v16;
	v62 =	vbroadcast v0, $0x8;
	v50 =	vmul.f32 v35, v60  }
0x1ad: {  	v33 =	vld [tilespmem:s16+$0x2D60];
	v20 =	vadd.f32 v58, v57;
	v51 =	vmul.f32 v42, v61;
	v53 =	vmul.f32 v41, v59  }
0x1ae: {  	v32 =	vld [tilespmem:s16+$0x3D40];
	v19 =	vadd.f32 v56, v19;
	v54 =	vmul.f32 v47, v60;
	v56 =	vbroadcast v2, $0x9  }
0x1af: {  	v31 =	vld [tilespmem:s16+$0x5D40];
	v57 =	vbroadcast v3, $0x9;
	v58 =	vbroadcast v1, $0x9;
	v17 =	vadd.f32 v23, v52  }
0x1b0: {  	v34 =	vld [tilespmem:s16+$0x2D50];
	v16 =	vadd.f32 v63, v16;
	v63 =	vmul.f32 v29, v59;
	v52 =	vmul.f32 v46, v62  }
0x1b1: {  	v38 =	vld [tilespmem:s16+$0x3D50];
	v23 =	vmul.f32 v28, v61;
	v55 =	vmul.f32 v30, v62  }
0x1b2: {  	v35 =	vld [tilespmem:s16+$0x4D50];
	v18 =	vadd.f32 v18, v20;
	v59 =	vbroadcast v0, $0x9;
	v60 =	vmul.f32 v40, v56  }
0x1b3: {  	v36 =	vld [tilespmem:s16+$0x4D60];
	v61 =	vmul.f32 v48, v57;
	v62 =	vmul.f32 v49, v58  }
0x1b4: {  	v47 =	vld [tilespmem:s16+$0x2D70];
	v48 =	vbroadcast v1, $0xB;
	v18 =	vadd.f32 v21, v18;
	v43 =	vmul.f32 v43, v59  }
0x1b5: {  	v41 =	vld [tilespmem:s16+$0x3D80];
	v20 =	vadd.f32 v50, v63;
	v63 =	vmul.f32 v22, v56;
	v50 =	vmul.f32 v24, v57  }
0x1b6: {  	v29 =	vld [tilespmem:s16+$0x3D60];
	v21 =	vadd.f32 v54, v53;
	v53 =	vbroadcast v2, $0xA;
	v54 =	vbroadcast v3, $0xA  }
0x1b7: {  	v46 =	vld [tilespmem:s16+$0x5D60];
	v56 =	vbroadcast v0, $0xA;
	v20 =	vadd.f32 v51, v20;
	v51 =	vmul.f32 v37, v58  }
0x1b8: {  	v49 =	vld [tilespmem:s16+$0x3D70];
	v57 =	vmul.f32 v44, v53;
	v32 =	vmul.f32 v32, v54  }
0x1b9: {  	v30 =	vld [tilespmem:s16+$0x2D90];
	v21 =	vadd.f32 v23, v21;
	v31 =	vmul.f32 v31, v56;
	v22 =	vmul.f32 v34, v53  }
0x1ba: {  	v24 =	vld [tilespmem:s16+$0x4D70];
	v23 =	vadd.f32 v61, v60;
	v58 =	vmul.f32 v38, v54;
	v60 =	vbroadcast v2, $0xB  }
0x1bb: {  	v28 =	vld [tilespmem:s16+$0x5D70];
	v61 =	vmul.f32 v45, v56;
	v56 =	vbroadcast v2, $0xC  }
0x1bc: {  	v40 =	vld [tilespmem:s16+$0x5D90];
	v42 =	vadd.f32 v52, v20;
	v20 =	vadd.f32 v55, v21;
	v52 =	vmul.f32 v39, v59  }
0x1bd: {  	v37 =	vld [tilespmem:s16+$0x2D80];
	v23 =	vadd.f32 v62, v23;
	v55 =	vbroadcast v1, $0xA;
	v62 =	vbroadcast v3, $0xB  }
0x1be: {  	v44 =	vld [tilespmem:s16+$0x4D80];
	v21 =	vadd.f32 v50, v63;
	v63 =	vmul.f32 v33, v60;
	v50 =	vbroadcast v0, $0xB  }
0x1bf: {  	v45 =	vld [tilespmem:s16+$0x2DA0];
	v25 =	vadd.f32 v32, v57;
	v38 =	vmul.f32 v30, v56;
	v24 =	vmul.f32 v24, v48  }
0x1c0: {  	v34 =	vld [tilespmem:s16+$0x3DA0];
	v22 =	vadd.f32 v58, v22;
	v27 =	vmul.f32 v27, v55;
	v59 =	vmul.f32 v35, v55  }
0x1c1: {  	v39 =	vld [tilespmem:s16+$0x4D90];
	v21 =	vadd.f32 v51, v21;
	v29 =	vmul.f32 v29, v62;
	v51 =	vmul.f32 v36, v48  }
0x1c2: {  	v32 =	vld [tilespmem:s16+$0x3DB0];
	v23 =	vadd.f32 v43, v23;
	v53 =	vmul.f32 v46, v50;
	v54 =	vmul.f32 v49, v62  }
0x1c3: {  	[tilespmem:s16+$0x6C00] =	vst v5;
	v33 =	vld [tilespmem:s16+$0x4DB0];
	v58 =	vmul.f32 v28, v50;
	v49 =	vbroadcast v2, $0xD;
	v21 =	vadd.f32 v52, v21  }
0x1c4: {  	[tilespmem:s16+$0x6C10] =	vst v4;
	v43 =	vld [tilespmem:s16+$0x5D80];
	v25 =	vadd.f32 v27, v25;
	v22 =	vadd.f32 v59, v22;
	v52 =	vmul.f32 v47, v60  }
0x1c5: {  	[tilespmem:s16+$0x6C20] =	vst v7;
	v35 =	vld [tilespmem:s16+$0x3D90];
	v55 =	vadd.f32 v29, v63;
	v59 =	vbroadcast v3, $0xC;
	v60 =	vmul.f32 v37, v56  }
0x1c6: {  	[tilespmem:s16+$0x6C30] =	vst v6;
	v36 =	vld [tilespmem:s16+$0x4DA0];
	v63 =	vbroadcast v0, $0xC;
	v56 =	vbroadcast v1, $0xD;
	v4 =	vadd.f32 v61, v22  }
0x1c7: {  	[tilespmem:s16+$0x6C40] =	vst v9;
	v50 =	vld [tilespmem:s16+$0x3DC0];
	v57 =	vadd.f32 v54, v52;
	v61 =	vbroadcast v1, $0xC;
	v62 =	vmul.f32 v41, v59  }
0x1c8: {  	[tilespmem:s16+$0x6C50] =	vst v8;
	v29 =	vld [tilespmem:s16+$0x5DA0];
	v7 =	vadd.f32 v51, v55;
	v52 =	vmul.f32 v40, v63;
	v55 =	vmul.f32 v45, v49  }
0x1c9: {  	[tilespmem:s16+$0x6C60] =	vst v11;
	v47 =	vld [tilespmem:s16+$0x2DC0];
	v33 =	vmul.f32 v33, v56;
	v40 =	vbroadcast v1, $0xE  }
0x1ca: {  	[tilespmem:s16+$0x6C70] =	vst v10;
	v5 =	vadd.f32 v31, v25;
	v31 =	vld [tilespmem:s16+$0x2DB0];
	v1 =	vbroadcast v1, $0xF;
	v46 =	vmul.f32 v35, v59  }
0x1cb: {  	[tilespmem:s16+$0x6C80] =	vst v13;
	v19 =	vadd.f32 v26, v19;
	v41 =	vld [tilespmem:s16+$0x5DB0];
	v59 =	vbroadcast v0, $0xD;
	v35 =	vbroadcast v2, $0xE  }
0x1cc: {  	[tilespmem:s16+$0x6C90] =	vst v12;
	v54 =	vld [tilespmem:s16+$0x4DC0];
	v2 =	vbroadcast v2, $0xF;
	v6 =	vadd.f32 v24, v57;
	v37 =	vmul.f32 v44, v61  }
0x1cd: {  	[tilespmem:s16+$0x6CA0] =	vst v15;
	v45 =	vld [tilespmem:s16+$0x3DF0];
	v7 =	vadd.f32 v53, v7;
	v44 =	vmul.f32 v43, v63;
	v48 =	vmul.f32 v39, v61  }
0x1ce: {  	[tilespmem:s16+$0x6CB0] =	vst v14;
	v8 =	vadd.f32 v62, v60;
	v53 =	vbroadcast v3, $0xD;
	v57 =	vld [tilespmem:s16+$0x5DC0];
	v61 =	vmul.f32 v36, v56  }
0x1cf: {  	[tilespmem:s16+$0x6CC0] =	vst v17;
	v60 =	vld [tilespmem:s16+$0x2DD0];
	v63 =	vmul.f32 v29, v59;
	v39 =	vmul.f32 v47, v35;
	v6 =	vadd.f32 v58, v6  }
0x1d0: {  	[tilespmem:s16+$0x6CD0] =	vst v16;
	v62 =	vld [tilespmem:s16+$0x3DD0];
	v8 =	vadd.f32 v37, v8;
	v58 =	vmul.f32 v34, v53;
	v37 =	vbroadcast v3, $0xE  }
0x1d1: {  	[tilespmem:s16+$0x6CE0] =	vst v19;
	v36 =	vld [tilespmem:s16+$0x5DD0];
	v51 =	vadd.f32 v46, v38;
	v3 =	vbroadcast v3, $0xF;
	v13 =	vmul.f32 v31, v49  }
0x1d2: {  	[tilespmem:s16+$0x6CF0] =	vst v18;
	v43 =	vld [tilespmem:s16+$0x2DF0];
	v31 =	vmul.f32 v32, v53;
	v14 =	vmul.f32 v41, v59  }
0x1d3: {  	[tilespmem:s16+$0x6D00] =	vst v42;
	v38 =	vld [tilespmem:s16+$0x2DE0];
	v9 =	vadd.f32 v48, v51;
	v48 =	vbroadcast v0, $0xE;
	v0 =	vbroadcast v0, $0xF  }
0x1d4: {  	[tilespmem:s16+$0x6D10] =	vst v20;
	v41 =	vld [tilespmem:s16+$0x3DE0];
	v8 =	vadd.f32 v44, v8;
	v11 =	vadd.f32 v58, v55;
	v42 =	vmul.f32 v50, v37  }
0x1d5: {  	[tilespmem:s16+$0x6D20] =	vst v23;
	v32 =	vld [tilespmem:s16+$0x4DD0];
	v44 =	vmul.f32 v54, v40;
	v9 =	vadd.f32 v52, v9;
	v15 =	vmul.f32 v60, v35  }
0x1d6: {  	[tilespmem:s16+$0x6D30] =	vst v21;
	v46 =	vld [tilespmem:s16+$0x4DE0];
	v13 =	vadd.f32 v31, v13;
	v17 =	vmul.f32 v62, v37;
	v56 =	vmul.f32 v57, v48  }
0x1d7: {  	[tilespmem:s16+$0x6D40] =	vst v5;
	v50 =	vld [tilespmem:s16+$0x4DF0];
	v59 =	vmul.f32 v36, v48;
	v10 =	vadd.f32 v61, v11;
	v47 =	vadd.f32 v42, v39  }
0x1d8: {  	[tilespmem:s16+$0x6D50] =	vst v4;
	v54 =	vld [tilespmem:s16+$0x5DE0];
	v52 =	vmul.f32 v38, v2;
	v2 =	vmul.f32 v43, v2;
	v12 =	vadd.f32 v33, v13  }
0x1d9: {  	[tilespmem:s16+$0x6D60] =	vst v7;
	v55 =	vld [tilespmem:s16+$0x5DF0];
	v51 =	vadd.f32 v17, v15;
	v10 =	vadd.f32 v63, v10;
	v53 =	vmul.f32 v41, v3  }
0x1da: {  	[tilespmem:s16+$0x6D70] =	vst v6;
	v49 =	vmul.f32 v32, v40;
	v5 =	vadd.f32 v44, v47;
	v3 =	vmul.f32 v45, v3  }
0x1db: {  	[tilespmem:s16+$0x6D80] =	vst v8;
	v58 =	vmul.f32 v46, v1;
	v12 =	vadd.f32 v14, v12;
	v57 =	vadd.f32 v53, v52  }
0x1dc: {  	[tilespmem:s16+$0x6D90] =	vst v9;
	v1 =	vmul.f32 v50, v1;
	v4 =	vadd.f32 v49, v51;
	v2 =	vadd.f32 v3, v2  }
0x1dd: {  	p0 =	sne.s32 s0, $0x3800;
	v62 =	vmul.f32 v54, v0;
	[tilespmem:s16+$0x6DA0] =	vst v10;
	v60 =	vadd.f32 v56, v5;
	v61 =	vadd.f32 v58, v57  }
.Ltmp0:
0x1de: {  	v0 =	vmul.f32 v55, v0;
	[tilespmem:s16+$0x6DB0] =	vst v12;
	v4 =	vadd.f32 v59, v4;
	v1 =	vadd.f32 v1, v2;
	(pc) =	sbr.rel @p0 .LBB2_3-.Ltmp0, $4  }
0x1df: {  	[tilespmem:s16+$0x6DC0] =	vst v60;
	v63 =	vadd.f32 v62, v61  }
0x1e0: {  	[tilespmem:s16+$0x6DD0] =	vst v4;
	v0 =	vadd.f32 v0, v1  }
0x1e1: {  	s1 =	sadd.s32 $0x10, s1;
	s13 =	sadd.s32 $0x10, s13;
	[tilespmem:s16+$0x6DE0] =	vst v63  }
0x1e2: {  	s14 =	sadd.s32 $0x10, s14;
	s15 =	sadd.s32 $0x10, s15;
	s0 =	sadd.s32 $0x800, s0;
	[tilespmem:s16+$0x6DF0] =	vst v0  }
0x1e3: {  	s0 =	sadd.s32 s4, s31;
	s30 =	sadd.s32 $0x1, s30  }
0x1e4: {  	s0 =	sshll.u32 s0, $0x2;
	p0 =	sne.s32 s30, $0x10  }
.Ltmp1:
0x1e5: {  	s0 =	sadd.s32 s2, s0;
	(pc) =	sbr.rel @p0 .LBB2_2-.Ltmp1, $4  }
0x1e6: {  	[hbm4b:s0+s3] =	stream.linear.scatter [tilespmem:s28], [sflag:$0x2], $0x1000, $0x38;
	[tilespmem:$0x7C00] =	vst v63  }
0x1e7: {  	_ =	swait.ge [sflag:s12], $0x1000  }
0x1e8: {  	[sflag:s12] =	ssyncset.done $0x0  }
0x1e9: {  	[sflag:s12] =	ssyncadd.s32 $0xFFFFF000  }
0x1ea: {  	s29 =	sadd.s32 $0x1, s29  }
0x1eb: {  	p0 =	sne.s32 s29, s11  }
.Ltmp2:
0x1ec: {  	_ = 	snop;
	(pc) =	sbr.rel @p0 .LBB2_1-.Ltmp2, $1  }
0x1ed: {  	_ =	sdelay $0x3  }
0x1ee: {  	_ =	sfence.sel $0x180000  }
0x1ef: {  	[bflag:$0x0] =	sbarrier.arrive $0xFFFF  }
0x1f0: {  	_ =	strace $0x90000047  }
0x1f1: {  	s0 =	stileid.u32;
	[bflag:$0x2] =	sbarrier.arrive $0xFFFF  }
0x1f2: {  	p0 =	sne.s32 s0, $0x0;
	s0 =	rddreg [dreg:$0x2]  }
0x1f3: {  	s0 =	sadd.s32 @!p0 $0x100000, s0  }
0x1f4: {  	[sflag:s0] =	ssyncadd.tile.s32 @!p0 $0x1;
	_ =	shalt  }
.Lfunc_end2:
_tile_overlayer_lowered:
.L_overlay_start_2:
0x1f5: {  	(tag) =	ssettag $0x2  }
0x1f6: {  	s0 =	rddreg [dreg:$0x0];
	s2 =	stileid.u32  }
0x1f7: {  	s1 =	rddreg [dreg:$0x1];
	p0 =	sne.s32 s2, $0x0  }
0x1f8: {  	s3 =	rddreg [dreg:$0x2];
	[bflag:$0x3] =	sbarrier.arrive $0xFFFF;
	s2 =	simm.s32 @!p0 $0x1C02  }
0x1f9: {  	[timem:s3], [sflag:s2] =	dma.local @!p0 [hbm:s0], s1  }
0x1fa: {  	s0 =	simm.s32 @!p0 $0x2  }
0x1fb: {  	_ =	swait.ge @!p0 [sflag:s0], s1  }
0x1fc: {  	s1 =	ssub.s32 @!p0 $0x0, s1;
	[sflag:s0] =	ssyncset.done @!p0 $0x0  }
0x1fd: {  	[sflag:s0] =	ssyncadd.s32 @!p0 s1  }
0x1fe: {  	[bflag:$0x3] =	sbarrier.arrive $0xFFFF  }
0x1ff: {  	_ =	shalt  }

</sc_bundles>
